<compile_context>
chip_gen: v7x
topology: tpu7x:2x2x1
jax: 0.10.2.dev20260603
libtpu: 0.0.44.dev20260713+nightly
codegen_flags: <defaults>
</compile_context>

<pallas_src>
import functools

import jax
import jax.numpy as jnp
from jax import lax
from jax.experimental import pallas as pl
from jax.experimental.pallas import tpu as pltpu
from jax.experimental.pallas import tpu_sc as plsc

VOCAB = 28996
EMBED_DIM = 64
NSEQ = 4096
SEQLEN = 200

NC, NS, L = 2, 16, 16
NW = NC * NS

BPW = NSEQ // NW

NBUF = 4
N_GROUPS = SEQLEN // NBUF


@functools.cache
def _build_gather_kernel():
    mesh = plsc.VectorSubcoreMesh(core_axis_name="c", subcore_axis_name="s")
    return functools.partial(
        pl.kernel,
        out_type=jax.ShapeDtypeStruct((SEQLEN, EMBED_DIM, NSEQ), jnp.float32),
        mesh=mesh,
        compiler_params=pltpu.CompilerParams(needs_layout_passes=False),
        scratch_types=[
            pltpu.VMEM((SEQLEN, BPW), jnp.int32),
            pltpu.VMEM((NBUF, BPW, 128), jnp.float32),
            pltpu.VMEM((NBUF, EMBED_DIM, BPW), jnp.float32),
            [pltpu.SemaphoreType.DMA] * NBUF,
            [pltpu.SemaphoreType.DMA] * NBUF,
        ],
    )(_gather_body)


def _gather_body(xt_hbm, tab_hbm, out_hbm, idx_v, rows_r, tb_r, gsems, osems):
    wid = lax.axis_index("s") * NC + lax.axis_index("c")

    pltpu.sync_copy(xt_hbm.at[wid], idx_v)

    iota = lax.iota(jnp.int32, 16)
    colmod = [(iota + d) & 15 for d in range(16)]

    def gather(t, b):
        return pltpu.make_async_copy(
            tab_hbm.at[idx_v.at[t]], rows_r.at[b], gsems[b]
        )

    def out_dma(t, b):
        return pltpu.make_async_copy(
            tb_r.at[b],
            out_hbm.at[t, :, pl.ds(wid * BPW, BPW)],
            osems[b],
        )

    def transpose(b):
        def blk_body(blk, carry):
            l0 = (blk >> 2) * 16
            e0 = (blk & 3) * 16
            rowv = iota + l0
            for d in range(16):
                col = colmod[d] + e0
                v = plsc.load_gather(rows_r.at[b], [rowv, col])
                plsc.store_scatter(tb_r.at[b], [col, rowv], v)
            return carry

        lax.fori_loop(0, 32, blk_body, 0)

    def group(g, carry):
        for b in range(NBUF):
            t = g * NBUF + b

            @pl.when(g > 0)
            def _wait_out():
                out_dma(t - NBUF, b).wait()

            gather(t, b).start()
        for b in range(NBUF):
            t = g * NBUF + b
            gather(t, b).wait()
            transpose(b)
            out_dma(t, b).start()
        return carry

    lax.fori_loop(0, N_GROUPS, group, 0)

    for b in range(NBUF):
        out_dma((N_GROUPS - 1) * NBUF + b, b).wait()


def kernel(x, table):
    xt = x.T.reshape(SEQLEN, NW, BPW).transpose(1, 0, 2)
    flat = table.reshape(-1)
    flat_pad = jnp.concatenate([flat, jnp.zeros((EMBED_DIM,), jnp.float32)])
    shifted = flat_pad[EMBED_DIM:].reshape(VOCAB, EMBED_DIM)
    tab3 = jnp.concatenate([table, shifted], axis=1)
    out_t = _build_gather_kernel()(xt, tab3)
    return jnp.transpose(out_t, (2, 0, 1))

# --- scband reference (transcript-rebuilt; emitter-appended) ---
"""Pipeline reference for scband-subword-input-layer-5454608466623 (READ-ONLY COPY).

The authoritative reference and input builder live on the scoring server;
editing this copy changes nothing except your own understanding.
"""

import jax, jax.numpy as jnp
import numpy as np

VOCAB = 28996
EMBED_DIM = 64

def setup_inputs(seed: int = 0) -> dict:
    key = jax.random.key(seed)
    k_idx, k_tab = jax.random.split(key)
    x = jax.random.randint(k_idx, (4096, 200), 0, VOCAB, dtype=jnp.int64 if jax.config.jax_enable_x64 else jnp.int32).astype(jnp.int32)
    table = jax.random.normal(k_tab, (VOCAB, EMBED_DIM), dtype=jnp.float32)
    # padding_idx=0: row 0 is zeros, matching nn.Embedding(padding_idx=0)
    table = table.at[0].set(0.0)
    return {"x": x, "table": table}

def reference(x, table):
    # Faithful translation of nn.Embedding forward: gather rows by index.
    return jnp.take(table, x, axis=0)

if __name__ == "__main__":
    import jax
    _d = setup_inputs()
    print(jax.jit(kernel)(*tuple(_d.values())))

</pallas_src>

<mosaic_0001>
#map = affine_map<(d0, d1) -> (0, 0, 0)>
#map1 = affine_map<(d0, d1) -> (0, 0)>
module attributes {stable_mosaic.version = 14 : i64} {
  func.func @_gather_body(%arg0: i32, %arg1: i32, %arg2: memref<32x200x128xi32, #tpu.memory_space<hbm>>, %arg3: memref<28996x128xf32, #tpu.memory_space<hbm>>, %arg4: memref<200x64x4096xf32, #tpu.memory_space<hbm>>, %arg5: memref<200x128xi32, #tpu.memory_space<vmem>>, %arg6: memref<4x128x128xf32, #tpu.memory_space<vmem>>, %arg7: memref<4x64x128xf32, #tpu.memory_space<vmem>>, %arg8: memref<!tpu.dma_semaphore, #tpu.memory_space<semaphore_mem>>, %arg9: memref<!tpu.dma_semaphore, #tpu.memory_space<semaphore_mem>>, %arg10: memref<!tpu.dma_semaphore, #tpu.memory_space<semaphore_mem>>, %arg11: memref<!tpu.dma_semaphore, #tpu.memory_space<semaphore_mem>>, %arg12: memref<!tpu.dma_semaphore, #tpu.memory_space<semaphore_mem>>, %arg13: memref<!tpu.dma_semaphore, #tpu.memory_space<semaphore_mem>>, %arg14: memref<!tpu.dma_semaphore, #tpu.memory_space<semaphore_mem>>, %arg15: memref<!tpu.dma_semaphore, #tpu.memory_space<semaphore_mem>>) attributes {dimension_semantics = [#tpu.dimension_semantics<core_parallel>, #tpu.dimension_semantics<subcore_parallel>], iteration_bounds = array<i64: 2, 16>, scalar_prefetch = 0 : i64, scratch_operands = 11 : i64, tpu.core_type = #tpu.core_type<sc_vector_subcore>, window_params = [{transform_indices = #map}, {transform_indices = #map1}, {transform_indices = #map}]} {
    %mul3A = arith.constant 2 : i32
    %mul3A_0 = arith.muli %arg1, %mul3A : i32
    %add3A = arith.addi %mul3A_0, %arg0 : i32
    "tpu.region"() ({
      %run_scoped3A = tpu.sem_alloc : memref<!tpu.dma_semaphore, #tpu.memory_space<semaphore_mem>>
      %dma_start3A = arith.constant 0 : i32
      %dma_start3A_172 = arith.constant 0 : i32
      %dma_start3A_173 = tpu.memref_slice %arg2[%add3A, %dma_start3A, %dma_start3A_172] : memref<32x200x128xi32, #tpu.memory_space<hbm>> -> memref<1x200x128xi32, #tpu.memory_space<hbm>>
      %dma_start3A_174 = tpu.memref_squeeze %dma_start3A_173 : memref<1x200x128xi32, #tpu.memory_space<hbm>> -> memref<200x128xi32, #tpu.memory_space<hbm>>
      %dma_start3A_175 = arith.constant 0 : i32
      %dma_start3A_176 = arith.constant 0 : i32
      %dma_start3A_177 = tpu.memref_slice %arg2[%add3A, %dma_start3A_175, %dma_start3A_176] : memref<32x200x128xi32, #tpu.memory_space<hbm>> -> memref<1x200x128xi32, #tpu.memory_space<hbm>>
      %dma_start3A_178 = tpu.memref_squeeze %dma_start3A_177 : memref<1x200x128xi32, #tpu.memory_space<hbm>> -> memref<200x128xi32, #tpu.memory_space<hbm>>
      tpu.enqueue_dma source(%dma_start3A_178 : memref<200x128xi32, #tpu.memory_space<hbm>>) target(%arg5 : memref<200x128xi32, #tpu.memory_space<vmem>>) target_semaphore(%run_scoped3A : memref<!tpu.dma_semaphore, #tpu.memory_space<semaphore_mem>>)
      %dma_wait3A_179 = arith.constant 0 : i32
      %dma_wait3A_180 = arith.constant 0 : i32
      %dma_wait3A_181 = tpu.memref_slice %arg2[%add3A, %dma_wait3A_179, %dma_wait3A_180] : memref<32x200x128xi32, #tpu.memory_space<hbm>> -> memref<1x200x128xi32, #tpu.memory_space<hbm>>
      %dma_wait3A_182 = tpu.memref_squeeze %dma_wait3A_181 : memref<1x200x128xi32, #tpu.memory_space<hbm>> -> memref<200x128xi32, #tpu.memory_space<hbm>>
      %dma_wait3A_183 = arith.constant 0 : i32
      %dma_wait3A_184 = arith.constant 0 : i32
      %dma_wait3A_185 = tpu.memref_slice %arg2[%add3A, %dma_wait3A_183, %dma_wait3A_184] : memref<32x200x128xi32, #tpu.memory_space<hbm>> -> memref<1x200x128xi32, #tpu.memory_space<hbm>>
      %dma_wait3A_186 = tpu.memref_squeeze %dma_wait3A_185 : memref<1x200x128xi32, #tpu.memory_space<hbm>> -> memref<200x128xi32, #tpu.memory_space<hbm>>
      tpu.wait_dma2 semaphore(%run_scoped3A : memref<!tpu.dma_semaphore, #tpu.memory_space<semaphore_mem>>) src(%dma_wait3A_186 : memref<200x128xi32, #tpu.memory_space<hbm>>) dst(%arg5 : memref<200x128xi32, #tpu.memory_space<vmem>>)
      tpu.yield
    }) : () -> ()
    %iota3A = tpu.iota {dimensions = array<i32: 0>} : vector<16xi32>
    %add3A_1 = arith.constant 0 : i32
    %add3A_2 = vector.broadcast %add3A_1 : i32 to vector<16xi32>
    %add3A_3 = arith.addi %iota3A, %add3A_2 : vector<16xi32>
    %and3A = arith.constant 15 : i32
    %and3A_4 = vector.broadcast %and3A : i32 to vector<16xi32>
    %and3A_5 = arith.andi %add3A_3, %and3A_4 : vector<16xi32>
    %add3A_6 = arith.constant 1 : i32
    %add3A_7 = vector.broadcast %add3A_6 : i32 to vector<16xi32>
    %add3A_8 = arith.addi %iota3A, %add3A_7 : vector<16xi32>
    %and3A_9 = arith.constant 15 : i32
    %and3A_10 = vector.broadcast %and3A_9 : i32 to vector<16xi32>
    %and3A_11 = arith.andi %add3A_8, %and3A_10 : vector<16xi32>
    %add3A_12 = arith.constant 2 : i32
    %add3A_13 = vector.broadcast %add3A_12 : i32 to vector<16xi32>
    %add3A_14 = arith.addi %iota3A, %add3A_13 : vector<16xi32>
    %and3A_15 = arith.constant 15 : i32
    %and3A_16 = vector.broadcast %and3A_15 : i32 to vector<16xi32>
    %and3A_17 = arith.andi %add3A_14, %and3A_16 : vector<16xi32>
    %add3A_18 = arith.constant 3 : i32
    %add3A_19 = vector.broadcast %add3A_18 : i32 to vector<16xi32>
    %add3A_20 = arith.addi %iota3A, %add3A_19 : vector<16xi32>
    %and3A_21 = arith.constant 15 : i32
    %and3A_22 = vector.broadcast %and3A_21 : i32 to vector<16xi32>
    %and3A_23 = arith.andi %add3A_20, %and3A_22 : vector<16xi32>
    %add3A_24 = arith.constant 4 : i32
    %add3A_25 = vector.broadcast %add3A_24 : i32 to vector<16xi32>
    %add3A_26 = arith.addi %iota3A, %add3A_25 : vector<16xi32>
    %and3A_27 = arith.constant 15 : i32
    %and3A_28 = vector.broadcast %and3A_27 : i32 to vector<16xi32>
    %and3A_29 = arith.andi %add3A_26, %and3A_28 : vector<16xi32>
    %add3A_30 = arith.constant 5 : i32
    %add3A_31 = vector.broadcast %add3A_30 : i32 to vector<16xi32>
    %add3A_32 = arith.addi %iota3A, %add3A_31 : vector<16xi32>
    %and3A_33 = arith.constant 15 : i32
    %and3A_34 = vector.broadcast %and3A_33 : i32 to vector<16xi32>
    %and3A_35 = arith.andi %add3A_32, %and3A_34 : vector<16xi32>
    %add3A_36 = arith.constant 6 : i32
    %add3A_37 = vector.broadcast %add3A_36 : i32 to vector<16xi32>
    %add3A_38 = arith.addi %iota3A, %add3A_37 : vector<16xi32>
    %and3A_39 = arith.constant 15 : i32
    %and3A_40 = vector.broadcast %and3A_39 : i32 to vector<16xi32>
    %and3A_41 = arith.andi %add3A_38, %and3A_40 : vector<16xi32>
    %add3A_42 = arith.constant 7 : i32
    %add3A_43 = vector.broadcast %add3A_42 : i32 to vector<16xi32>
    %add3A_44 = arith.addi %iota3A, %add3A_43 : vector<16xi32>
    %and3A_45 = arith.constant 15 : i32
    %and3A_46 = vector.broadcast %and3A_45 : i32 to vector<16xi32>
    %and3A_47 = arith.andi %add3A_44, %and3A_46 : vector<16xi32>
    %add3A_48 = arith.constant 8 : i32
    %add3A_49 = vector.broadcast %add3A_48 : i32 to vector<16xi32>
    %add3A_50 = arith.addi %iota3A, %add3A_49 : vector<16xi32>
    %and3A_51 = arith.constant 15 : i32
    %and3A_52 = vector.broadcast %and3A_51 : i32 to vector<16xi32>
    %and3A_53 = arith.andi %add3A_50, %and3A_52 : vector<16xi32>
    %add3A_54 = arith.constant 9 : i32
    %add3A_55 = vector.broadcast %add3A_54 : i32 to vector<16xi32>
    %add3A_56 = arith.addi %iota3A, %add3A_55 : vector<16xi32>
    %and3A_57 = arith.constant 15 : i32
    %and3A_58 = vector.broadcast %and3A_57 : i32 to vector<16xi32>
    %and3A_59 = arith.andi %add3A_56, %and3A_58 : vector<16xi32>
    %add3A_60 = arith.constant 10 : i32
    %add3A_61 = vector.broadcast %add3A_60 : i32 to vector<16xi32>
    %add3A_62 = arith.addi %iota3A, %add3A_61 : vector<16xi32>
    %and3A_63 = arith.constant 15 : i32
    %and3A_64 = vector.broadcast %and3A_63 : i32 to vector<16xi32>
    %and3A_65 = arith.andi %add3A_62, %and3A_64 : vector<16xi32>
    %add3A_66 = arith.constant 11 : i32
    %add3A_67 = vector.broadcast %add3A_66 : i32 to vector<16xi32>
    %add3A_68 = arith.addi %iota3A, %add3A_67 : vector<16xi32>
    %and3A_69 = arith.constant 15 : i32
    %and3A_70 = vector.broadcast %and3A_69 : i32 to vector<16xi32>
    %and3A_71 = arith.andi %add3A_68, %and3A_70 : vector<16xi32>
    %add3A_72 = arith.constant 12 : i32
    %add3A_73 = vector.broadcast %add3A_72 : i32 to vector<16xi32>
    %add3A_74 = arith.addi %iota3A, %add3A_73 : vector<16xi32>
    %and3A_75 = arith.constant 15 : i32
    %and3A_76 = vector.broadcast %and3A_75 : i32 to vector<16xi32>
    %and3A_77 = arith.andi %add3A_74, %and3A_76 : vector<16xi32>
    %add3A_78 = arith.constant 13 : i32
    %add3A_79 = vector.broadcast %add3A_78 : i32 to vector<16xi32>
    %add3A_80 = arith.addi %iota3A, %add3A_79 : vector<16xi32>
    %and3A_81 = arith.constant 15 : i32
    %and3A_82 = vector.broadcast %and3A_81 : i32 to vector<16xi32>
    %and3A_83 = arith.andi %add3A_80, %and3A_82 : vector<16xi32>
    %add3A_84 = arith.constant 14 : i32
    %add3A_85 = vector.broadcast %add3A_84 : i32 to vector<16xi32>
    %add3A_86 = arith.addi %iota3A, %add3A_85 : vector<16xi32>
    %and3A_87 = arith.constant 15 : i32
    %and3A_88 = vector.broadcast %and3A_87 : i32 to vector<16xi32>
    %and3A_89 = arith.andi %add3A_86, %and3A_88 : vector<16xi32>
    %add3A_90 = arith.constant 15 : i32
    %add3A_91 = vector.broadcast %add3A_90 : i32 to vector<16xi32>
    %add3A_92 = arith.addi %iota3A, %add3A_91 : vector<16xi32>
    %and3A_93 = arith.constant 15 : i32
    %and3A_94 = vector.broadcast %and3A_93 : i32 to vector<16xi32>
    %and3A_95 = arith.andi %add3A_92, %and3A_94 : vector<16xi32>
    %scan3A = arith.constant 0 : i32
    %scan3A_96 = arith.constant 0 : i32
    %scan3A_97 = arith.constant 50 : i32
    %scan3A_98 = arith.addi %scan3A_96, %scan3A_97 : i32
    %scan3A_99 = arith.constant 1 : i32
    scf.for %scan3A_172 = %scan3A_96 to %scan3A_98 step %scan3A_99  : i32 {
      %mul3A_173 = arith.constant 4 : i32
      %mul3A_174 = arith.muli %scan3A_172, %mul3A_173 : i32
      %add3A_175 = arith.constant 0 : i32
      %add3A_176 = arith.addi %mul3A_174, %add3A_175 : i32
      %gt3A = arith.constant 0 : i32
      %gt3A_177 = arith.cmpi sgt, %scan3A_172, %gt3A : i32
      %convert_element_type3A = arith.extui %gt3A_177 : i1 to i32
      %cond3A = arith.constant 0 : i32
      %cond3A_178 = arith.cmpi ne, %convert_element_type3A, %cond3A : i32
      scf.if %cond3A_178 {
        %sub3A = arith.constant 4 : i32
        %sub3A_401 = arith.subi %add3A_176, %sub3A : i32
        %mul3A_402 = arith.constant 128 : i32
        %mul3A_403 = arith.muli %add3A, %mul3A_402 : i32
        %dma_wait3A_404 = arith.constant 0 : i32
        %dma_wait3A_405 = arith.constant 0 : i32
        %dma_wait3A_406 = arith.constant 0 : i32
        %dma_wait3A_407 = tpu.memref_slice %arg7[%dma_wait3A_404, %dma_wait3A_405, %dma_wait3A_406] : memref<4x64x128xf32, #tpu.memory_space<vmem>> -> memref<1x64x128xf32, #tpu.memory_space<vmem>>
        %dma_wait3A_408 = tpu.memref_squeeze %dma_wait3A_407 : memref<1x64x128xf32, #tpu.memory_space<vmem>> -> memref<64x128xf32, #tpu.memory_space<vmem>>
        %dma_wait3A_409 = arith.constant 0 : i32
        %dma_wait3A_410 = tpu.memref_slice %arg4[%sub3A_401, %dma_wait3A_409, %mul3A_403] : memref<200x64x4096xf32, #tpu.memory_space<hbm>> -> memref<1x64x128xf32, #tpu.memory_space<hbm>>
        %dma_wait3A_411 = tpu.memref_squeeze %dma_wait3A_410 : memref<1x64x128xf32, #tpu.memory_space<hbm>> -> memref<64x128xf32, #tpu.memory_space<hbm>>
        %dma_wait3A_412 = arith.constant 0 : i32
        %dma_wait3A_413 = tpu.memref_slice %arg4[%sub3A_401, %dma_wait3A_412, %mul3A_403] : memref<200x64x4096xf32, #tpu.memory_space<hbm>> -> memref<1x64x128xf32, #tpu.memory_space<hbm>>
        %dma_wait3A_414 = tpu.memref_squeeze %dma_wait3A_413 : memref<1x64x128xf32, #tpu.memory_space<hbm>> -> memref<64x128xf32, #tpu.memory_space<hbm>>
        %dma_wait3A_415 = arith.constant 0 : i32
        %dma_wait3A_416 = arith.constant 0 : i32
        %dma_wait3A_417 = tpu.memref_slice %arg7[%dma_wait3A_404, %dma_wait3A_415, %dma_wait3A_416] : memref<4x64x128xf32, #tpu.memory_space<vmem>> -> memref<1x64x128xf32, #tpu.memory_space<vmem>>
        %dma_wait3A_418 = tpu.memref_squeeze %dma_wait3A_417 : memref<1x64x128xf32, #tpu.memory_space<vmem>> -> memref<64x128xf32, #tpu.memory_space<vmem>>
        tpu.wait_dma2 semaphore(%arg12 : memref<!tpu.dma_semaphore, #tpu.memory_space<semaphore_mem>>) src(%dma_wait3A_418 : memref<64x128xf32, #tpu.memory_space<vmem>>) dst(%dma_wait3A_414 : memref<64x128xf32, #tpu.memory_space<hbm>>)
      } else {
      }
      %dma_start3A = arith.constant 0 : i32
      %dma_start3A_179 = arith.constant 0 : i32
      %dma_start3A_180 = arith.constant 0 : i32
      %dma_start3A_181 = tpu.memref_slice %arg6[%dma_start3A, %dma_start3A_179, %dma_start3A_180] : memref<4x128x128xf32, #tpu.memory_space<vmem>> -> memref<1x128x128xf32, #tpu.memory_space<vmem>>
      %dma_start3A_182 = tpu.memref_squeeze %dma_start3A_181 : memref<1x128x128xf32, #tpu.memory_space<vmem>> -> memref<128x128xf32, #tpu.memory_space<vmem>>
      %dma_start3A_183 = arith.constant 0 : i32
      %dma_start3A_184 = tpu.memref_slice %arg5[%add3A_176, %dma_start3A_183] : memref<200x128xi32, #tpu.memory_space<vmem>> -> memref<1x128xi32, #tpu.memory_space<vmem>>
      %dma_start3A_185 = tpu.memref_squeeze %dma_start3A_184 : memref<1x128xi32, #tpu.memory_space<vmem>> -> memref<128xi32, #tpu.memory_space<vmem>>
      %dma_start3A_186 = arith.constant 0 : i32
      %dma_start3A_187 = arith.constant 0 : i32
      %dma_start3A_188 = tpu.memref_slice %arg3[%dma_start3A_186, %dma_start3A_187] : memref<28996x128xf32, #tpu.memory_space<hbm>> -> memref<28996x128xf32, #tpu.memory_space<hbm>>
      tpu.enqueue_indirect_dma source(%dma_start3A_188 : memref<28996x128xf32, #tpu.memory_space<hbm>>) target(%dma_start3A_182 : memref<128x128xf32, #tpu.memory_space<vmem>>) offsets(%dma_start3A_185 : memref<128xi32, #tpu.memory_space<vmem>>) semaphore(%arg8 : memref<!tpu.dma_semaphore, #tpu.memory_space<semaphore_mem>>)
      %mul3A_189 = arith.constant 4 : i32
      %mul3A_190 = arith.muli %scan3A_172, %mul3A_189 : i32
      %add3A_191 = arith.constant 1 : i32
      %add3A_192 = arith.addi %mul3A_190, %add3A_191 : i32
      %gt3A_193 = arith.constant 0 : i32
      %gt3A_194 = arith.cmpi sgt, %scan3A_172, %gt3A_193 : i32
      %convert_element_type3A_195 = arith.extui %gt3A_194 : i1 to i32
      %cond3A_196 = arith.constant 0 : i32
      %cond3A_197 = arith.cmpi ne, %convert_element_type3A_195, %cond3A_196 : i32
      scf.if %cond3A_197 {
        %sub3A = arith.constant 4 : i32
        %sub3A_401 = arith.subi %add3A_192, %sub3A : i32
        %mul3A_402 = arith.constant 128 : i32
        %mul3A_403 = arith.muli %add3A, %mul3A_402 : i32
        %dma_wait3A_404 = arith.constant 1 : i32
        %dma_wait3A_405 = arith.constant 0 : i32
        %dma_wait3A_406 = arith.constant 0 : i32
        %dma_wait3A_407 = tpu.memref_slice %arg7[%dma_wait3A_404, %dma_wait3A_405, %dma_wait3A_406] : memref<4x64x128xf32, #tpu.memory_space<vmem>> -> memref<1x64x128xf32, #tpu.memory_space<vmem>>
        %dma_wait3A_408 = tpu.memref_squeeze %dma_wait3A_407 : memref<1x64x128xf32, #tpu.memory_space<vmem>> -> memref<64x128xf32, #tpu.memory_space<vmem>>
        %dma_wait3A_409 = arith.constant 0 : i32
        %dma_wait3A_410 = tpu.memref_slice %arg4[%sub3A_401, %dma_wait3A_409, %mul3A_403] : memref<200x64x4096xf32, #tpu.memory_space<hbm>> -> memref<1x64x128xf32, #tpu.memory_space<hbm>>
        %dma_wait3A_411 = tpu.memref_squeeze %dma_wait3A_410 : memref<1x64x128xf32, #tpu.memory_space<hbm>> -> memref<64x128xf32, #tpu.memory_space<hbm>>
        %dma_wait3A_412 = arith.constant 0 : i32
        %dma_wait3A_413 = tpu.memref_slice %arg4[%sub3A_401, %dma_wait3A_412, %mul3A_403] : memref<200x64x4096xf32, #tpu.memory_space<hbm>> -> memref<1x64x128xf32, #tpu.memory_space<hbm>>
        %dma_wait3A_414 = tpu.memref_squeeze %dma_wait3A_413 : memref<1x64x128xf32, #tpu.memory_space<hbm>> -> memref<64x128xf32, #tpu.memory_space<hbm>>
        %dma_wait3A_415 = arith.constant 0 : i32
        %dma_wait3A_416 = arith.constant 0 : i32
        %dma_wait3A_417 = tpu.memref_slice %arg7[%dma_wait3A_404, %dma_wait3A_415, %dma_wait3A_416] : memref<4x64x128xf32, #tpu.memory_space<vmem>> -> memref<1x64x128xf32, #tpu.memory_space<vmem>>
        %dma_wait3A_418 = tpu.memref_squeeze %dma_wait3A_417 : memref<1x64x128xf32, #tpu.memory_space<vmem>> -> memref<64x128xf32, #tpu.memory_space<vmem>>
        tpu.wait_dma2 semaphore(%arg13 : memref<!tpu.dma_semaphore, #tpu.memory_space<semaphore_mem>>) src(%dma_wait3A_418 : memref<64x128xf32, #tpu.memory_space<vmem>>) dst(%dma_wait3A_414 : memref<64x128xf32, #tpu.memory_space<hbm>>)
      } else {
      }
      %dma_start3A_198 = arith.constant 1 : i32
      %dma_start3A_199 = arith.constant 0 : i32
      %dma_start3A_200 = arith.constant 0 : i32
      %dma_start3A_201 = tpu.memref_slice %arg6[%dma_start3A_198, %dma_start3A_199, %dma_start3A_200] : memref<4x128x128xf32, #tpu.memory_space<vmem>> -> memref<1x128x128xf32, #tpu.memory_space<vmem>>
      %dma_start3A_202 = tpu.memref_squeeze %dma_start3A_201 : memref<1x128x128xf32, #tpu.memory_space<vmem>> -> memref<128x128xf32, #tpu.memory_space<vmem>>
      %dma_start3A_203 = arith.constant 0 : i32
      %dma_start3A_204 = tpu.memref_slice %arg5[%add3A_192, %dma_start3A_203] : memref<200x128xi32, #tpu.memory_space<vmem>> -> memref<1x128xi32, #tpu.memory_space<vmem>>
      %dma_start3A_205 = tpu.memref_squeeze %dma_start3A_204 : memref<1x128xi32, #tpu.memory_space<vmem>> -> memref<128xi32, #tpu.memory_space<vmem>>
      %dma_start3A_206 = arith.constant 0 : i32
      %dma_start3A_207 = arith.constant 0 : i32
      %dma_start3A_208 = tpu.memref_slice %arg3[%dma_start3A_206, %dma_start3A_207] : memref<28996x128xf32, #tpu.memory_space<hbm>> -> memref<28996x128xf32, #tpu.memory_space<hbm>>
      tpu.enqueue_indirect_dma source(%dma_start3A_208 : memref<28996x128xf32, #tpu.memory_space<hbm>>) target(%dma_start3A_202 : memref<128x128xf32, #tpu.memory_space<vmem>>) offsets(%dma_start3A_205 : memref<128xi32, #tpu.memory_space<vmem>>) semaphore(%arg9 : memref<!tpu.dma_semaphore, #tpu.memory_space<semaphore_mem>>)
      %mul3A_209 = arith.constant 4 : i32
      %mul3A_210 = arith.muli %scan3A_172, %mul3A_209 : i32
      %add3A_211 = arith.constant 2 : i32
      %add3A_212 = arith.addi %mul3A_210, %add3A_211 : i32
      %gt3A_213 = arith.constant 0 : i32
      %gt3A_214 = arith.cmpi sgt, %scan3A_172, %gt3A_213 : i32
      %convert_element_type3A_215 = arith.extui %gt3A_214 : i1 to i32
      %cond3A_216 = arith.constant 0 : i32
      %cond3A_217 = arith.cmpi ne, %convert_element_type3A_215, %cond3A_216 : i32
      scf.if %cond3A_217 {
        %sub3A = arith.constant 4 : i32
        %sub3A_401 = arith.subi %add3A_212, %sub3A : i32
        %mul3A_402 = arith.constant 128 : i32
        %mul3A_403 = arith.muli %add3A, %mul3A_402 : i32
        %dma_wait3A_404 = arith.constant 2 : i32
        %dma_wait3A_405 = arith.constant 0 : i32
        %dma_wait3A_406 = arith.constant 0 : i32
        %dma_wait3A_407 = tpu.memref_slice %arg7[%dma_wait3A_404, %dma_wait3A_405, %dma_wait3A_406] : memref<4x64x128xf32, #tpu.memory_space<vmem>> -> memref<1x64x128xf32, #tpu.memory_space<vmem>>
        %dma_wait3A_408 = tpu.memref_squeeze %dma_wait3A_407 : memref<1x64x128xf32, #tpu.memory_space<vmem>> -> memref<64x128xf32, #tpu.memory_space<vmem>>
        %dma_wait3A_409 = arith.constant 0 : i32
        %dma_wait3A_410 = tpu.memref_slice %arg4[%sub3A_401, %dma_wait3A_409, %mul3A_403] : memref<200x64x4096xf32, #tpu.memory_space<hbm>> -> memref<1x64x128xf32, #tpu.memory_space<hbm>>
        %dma_wait3A_411 = tpu.memref_squeeze %dma_wait3A_410 : memref<1x64x128xf32, #tpu.memory_space<hbm>> -> memref<64x128xf32, #tpu.memory_space<hbm>>
        %dma_wait3A_412 = arith.constant 0 : i32
        %dma_wait3A_413 = tpu.memref_slice %arg4[%sub3A_401, %dma_wait3A_412, %mul3A_403] : memref<200x64x4096xf32, #tpu.memory_space<hbm>> -> memref<1x64x128xf32, #tpu.memory_space<hbm>>
        %dma_wait3A_414 = tpu.memref_squeeze %dma_wait3A_413 : memref<1x64x128xf32, #tpu.memory_space<hbm>> -> memref<64x128xf32, #tpu.memory_space<hbm>>
        %dma_wait3A_415 = arith.constant 0 : i32
        %dma_wait3A_416 = arith.constant 0 : i32
        %dma_wait3A_417 = tpu.memref_slice %arg7[%dma_wait3A_404, %dma_wait3A_415, %dma_wait3A_416] : memref<4x64x128xf32, #tpu.memory_space<vmem>> -> memref<1x64x128xf32, #tpu.memory_space<vmem>>
        %dma_wait3A_418 = tpu.memref_squeeze %dma_wait3A_417 : memref<1x64x128xf32, #tpu.memory_space<vmem>> -> memref<64x128xf32, #tpu.memory_space<vmem>>
        tpu.wait_dma2 semaphore(%arg14 : memref<!tpu.dma_semaphore, #tpu.memory_space<semaphore_mem>>) src(%dma_wait3A_418 : memref<64x128xf32, #tpu.memory_space<vmem>>) dst(%dma_wait3A_414 : memref<64x128xf32, #tpu.memory_space<hbm>>)
      } else {
      }
      %dma_start3A_218 = arith.constant 2 : i32
      %dma_start3A_219 = arith.constant 0 : i32
      %dma_start3A_220 = arith.constant 0 : i32
      %dma_start3A_221 = tpu.memref_slice %arg6[%dma_start3A_218, %dma_start3A_219, %dma_start3A_220] : memref<4x128x128xf32, #tpu.memory_space<vmem>> -> memref<1x128x128xf32, #tpu.memory_space<vmem>>
      %dma_start3A_222 = tpu.memref_squeeze %dma_start3A_221 : memref<1x128x128xf32, #tpu.memory_space<vmem>> -> memref<128x128xf32, #tpu.memory_space<vmem>>
      %dma_start3A_223 = arith.constant 0 : i32
      %dma_start3A_224 = tpu.memref_slice %arg5[%add3A_212, %dma_start3A_223] : memref<200x128xi32, #tpu.memory_space<vmem>> -> memref<1x128xi32, #tpu.memory_space<vmem>>
      %dma_start3A_225 = tpu.memref_squeeze %dma_start3A_224 : memref<1x128xi32, #tpu.memory_space<vmem>> -> memref<128xi32, #tpu.memory_space<vmem>>
      %dma_start3A_226 = arith.constant 0 : i32
      %dma_start3A_227 = arith.constant 0 : i32
      %dma_start3A_228 = tpu.memref_slice %arg3[%dma_start3A_226, %dma_start3A_227] : memref<28996x128xf32, #tpu.memory_space<hbm>> -> memref<28996x128xf32, #tpu.memory_space<hbm>>
      tpu.enqueue_indirect_dma source(%dma_start3A_228 : memref<28996x128xf32, #tpu.memory_space<hbm>>) target(%dma_start3A_222 : memref<128x128xf32, #tpu.memory_space<vmem>>) offsets(%dma_start3A_225 : memref<128xi32, #tpu.memory_space<vmem>>) semaphore(%arg10 : memref<!tpu.dma_semaphore, #tpu.memory_space<semaphore_mem>>)
      %mul3A_229 = arith.constant 4 : i32
      %mul3A_230 = arith.muli %scan3A_172, %mul3A_229 : i32
      %add3A_231 = arith.constant 3 : i32
      %add3A_232 = arith.addi %mul3A_230, %add3A_231 : i32
      %gt3A_233 = arith.constant 0 : i32
      %gt3A_234 = arith.cmpi sgt, %scan3A_172, %gt3A_233 : i32
      %convert_element_type3A_235 = arith.extui %gt3A_234 : i1 to i32
      %cond3A_236 = arith.constant 0 : i32
      %cond3A_237 = arith.cmpi ne, %convert_element_type3A_235, %cond3A_236 : i32
      scf.if %cond3A_237 {
        %sub3A = arith.constant 4 : i32
        %sub3A_401 = arith.subi %add3A_232, %sub3A : i32
        %mul3A_402 = arith.constant 128 : i32
        %mul3A_403 = arith.muli %add3A, %mul3A_402 : i32
        %dma_wait3A_404 = arith.constant 3 : i32
        %dma_wait3A_405 = arith.constant 0 : i32
        %dma_wait3A_406 = arith.constant 0 : i32
        %dma_wait3A_407 = tpu.memref_slice %arg7[%dma_wait3A_404, %dma_wait3A_405, %dma_wait3A_406] : memref<4x64x128xf32, #tpu.memory_space<vmem>> -> memref<1x64x128xf32, #tpu.memory_space<vmem>>
        %dma_wait3A_408 = tpu.memref_squeeze %dma_wait3A_407 : memref<1x64x128xf32, #tpu.memory_space<vmem>> -> memref<64x128xf32, #tpu.memory_space<vmem>>
        %dma_wait3A_409 = arith.constant 0 : i32
        %dma_wait3A_410 = tpu.memref_slice %arg4[%sub3A_401, %dma_wait3A_409, %mul3A_403] : memref<200x64x4096xf32, #tpu.memory_space<hbm>> -> memref<1x64x128xf32, #tpu.memory_space<hbm>>
        %dma_wait3A_411 = tpu.memref_squeeze %dma_wait3A_410 : memref<1x64x128xf32, #tpu.memory_space<hbm>> -> memref<64x128xf32, #tpu.memory_space<hbm>>
        %dma_wait3A_412 = arith.constant 0 : i32
        %dma_wait3A_413 = tpu.memref_slice %arg4[%sub3A_401, %dma_wait3A_412, %mul3A_403] : memref<200x64x4096xf32, #tpu.memory_space<hbm>> -> memref<1x64x128xf32, #tpu.memory_space<hbm>>
        %dma_wait3A_414 = tpu.memref_squeeze %dma_wait3A_413 : memref<1x64x128xf32, #tpu.memory_space<hbm>> -> memref<64x128xf32, #tpu.memory_space<hbm>>
        %dma_wait3A_415 = arith.constant 0 : i32
        %dma_wait3A_416 = arith.constant 0 : i32
        %dma_wait3A_417 = tpu.memref_slice %arg7[%dma_wait3A_404, %dma_wait3A_415, %dma_wait3A_416] : memref<4x64x128xf32, #tpu.memory_space<vmem>> -> memref<1x64x128xf32, #tpu.memory_space<vmem>>
        %dma_wait3A_418 = tpu.memref_squeeze %dma_wait3A_417 : memref<1x64x128xf32, #tpu.memory_space<vmem>> -> memref<64x128xf32, #tpu.memory_space<vmem>>
        tpu.wait_dma2 semaphore(%arg15 : memref<!tpu.dma_semaphore, #tpu.memory_space<semaphore_mem>>) src(%dma_wait3A_418 : memref<64x128xf32, #tpu.memory_space<vmem>>) dst(%dma_wait3A_414 : memref<64x128xf32, #tpu.memory_space<hbm>>)
      } else {
      }
      %dma_start3A_238 = arith.constant 3 : i32
      %dma_start3A_239 = arith.constant 0 : i32
      %dma_start3A_240 = arith.constant 0 : i32
      %dma_start3A_241 = tpu.memref_slice %arg6[%dma_start3A_238, %dma_start3A_239, %dma_start3A_240] : memref<4x128x128xf32, #tpu.memory_space<vmem>> -> memref<1x128x128xf32, #tpu.memory_space<vmem>>
      %dma_start3A_242 = tpu.memref_squeeze %dma_start3A_241 : memref<1x128x128xf32, #tpu.memory_space<vmem>> -> memref<128x128xf32, #tpu.memory_space<vmem>>
      %dma_start3A_243 = arith.constant 0 : i32
      %dma_start3A_244 = tpu.memref_slice %arg5[%add3A_232, %dma_start3A_243] : memref<200x128xi32, #tpu.memory_space<vmem>> -> memref<1x128xi32, #tpu.memory_space<vmem>>
      %dma_start3A_245 = tpu.memref_squeeze %dma_start3A_244 : memref<1x128xi32, #tpu.memory_space<vmem>> -> memref<128xi32, #tpu.memory_space<vmem>>
      %dma_start3A_246 = arith.constant 0 : i32
      %dma_start3A_247 = arith.constant 0 : i32
      %dma_start3A_248 = tpu.memref_slice %arg3[%dma_start3A_246, %dma_start3A_247] : memref<28996x128xf32, #tpu.memory_space<hbm>> -> memref<28996x128xf32, #tpu.memory_space<hbm>>
      tpu.enqueue_indirect_dma source(%dma_start3A_248 : memref<28996x128xf32, #tpu.memory_space<hbm>>) target(%dma_start3A_242 : memref<128x128xf32, #tpu.memory_space<vmem>>) offsets(%dma_start3A_245 : memref<128xi32, #tpu.memory_space<vmem>>) semaphore(%arg11 : memref<!tpu.dma_semaphore, #tpu.memory_space<semaphore_mem>>)
      %mul3A_249 = arith.constant 4 : i32
      %mul3A_250 = arith.muli %scan3A_172, %mul3A_249 : i32
      %add3A_251 = arith.constant 0 : i32
      %add3A_252 = arith.addi %mul3A_250, %add3A_251 : i32
      %dma_wait3A_253 = arith.constant 0 : i32
      %dma_wait3A_254 = arith.constant 0 : i32
      %dma_wait3A_255 = arith.constant 0 : i32
      %dma_wait3A_256 = tpu.memref_slice %arg6[%dma_wait3A_253, %dma_wait3A_254, %dma_wait3A_255] : memref<4x128x128xf32, #tpu.memory_space<vmem>> -> memref<1x128x128xf32, #tpu.memory_space<vmem>>
      %dma_wait3A_257 = tpu.memref_squeeze %dma_wait3A_256 : memref<1x128x128xf32, #tpu.memory_space<vmem>> -> memref<128x128xf32, #tpu.memory_space<vmem>>
      %dma_wait3A_258 = arith.constant 0 : i32
      %dma_wait3A_259 = tpu.memref_slice %arg5[%add3A_252, %dma_wait3A_258] : memref<200x128xi32, #tpu.memory_space<vmem>> -> memref<1x128xi32, #tpu.memory_space<vmem>>
      %dma_wait3A_260 = tpu.memref_squeeze %dma_wait3A_259 : memref<1x128xi32, #tpu.memory_space<vmem>> -> memref<128xi32, #tpu.memory_space<vmem>>
      %dma_wait3A_261 = arith.constant 0 : i32
      %dma_wait3A_262 = arith.constant 0 : i32
      %dma_wait3A_263 = tpu.memref_slice %arg3[%dma_wait3A_261, %dma_wait3A_262] : memref<28996x128xf32, #tpu.memory_space<hbm>> -> memref<28996x128xf32, #tpu.memory_space<hbm>>
      tpu.wait_indirect_dma semaphore(%arg8 : memref<!tpu.dma_semaphore, #tpu.memory_space<semaphore_mem>>) src(%dma_wait3A_263 : memref<28996x128xf32, #tpu.memory_space<hbm>>) dst(%dma_wait3A_257 : memref<128x128xf32, #tpu.memory_space<vmem>>)
      %scan3A_264 = arith.constant 0 : i32
      %scan3A_265 = arith.constant 0 : i32
      %scan3A_266 = arith.constant 32 : i32
      %scan3A_267 = arith.addi %scan3A_265, %scan3A_266 : i32
      %scan3A_268 = arith.constant 1 : i32
      scf.for %scan3A_401 = %scan3A_265 to %scan3A_267 step %scan3A_268  : i32 {
        %shift_right_arithmetic3A = arith.constant 2 : i32
        %shift_right_arithmetic3A_402 = arith.shrsi %scan3A_401, %shift_right_arithmetic3A : i32
        %mul3A_403 = arith.constant 16 : i32
        %mul3A_404 = arith.muli %shift_right_arithmetic3A_402, %mul3A_403 : i32
        %and3A_405 = arith.constant 3 : i32
        %and3A_406 = arith.andi %scan3A_401, %and3A_405 : i32
        %mul3A_407 = arith.constant 16 : i32
        %mul3A_408 = arith.muli %and3A_406, %mul3A_407 : i32
        %add3A_409 = vector.broadcast %mul3A_404 : i32 to vector<16xi32>
        %add3A_410 = arith.addi %iota3A, %add3A_409 : vector<16xi32>
        %add3A_411 = vector.broadcast %mul3A_408 : i32 to vector<16xi32>
        %add3A_412 = arith.addi %and3A_5, %add3A_411 : vector<16xi32>
        %gather3A = arith.constant 0 : i32
        %gather3A_413 = arith.constant 0 : i32
        %gather3A_414 = arith.constant 0 : i32
        %gather3A_415 = tpu.memref_slice %arg6[%gather3A, %gather3A_413, %gather3A_414] : memref<4x128x128xf32, #tpu.memory_space<vmem>> -> memref<1x128x128xf32, #tpu.memory_space<vmem>>
        %gather3A_416 = tpu.memref_squeeze %gather3A_415 : memref<1x128x128xf32, #tpu.memory_space<vmem>> -> memref<128x128xf32, #tpu.memory_space<vmem>>
        %gather3A_417 = tpu.vector_load_idx %gather3A_416[%add3A_410, %add3A_412] : memref<128x128xf32, #tpu.memory_space<vmem>>[vector<16xi32>, vector<16xi32>], vector<16xf32>,
        %scatter3A = arith.constant 0 : i32
        %scatter3A_418 = arith.constant 0 : i32
        %scatter3A_419 = arith.constant 0 : i32
        %scatter3A_420 = tpu.memref_slice %arg7[%scatter3A, %scatter3A_418, %scatter3A_419] : memref<4x64x128xf32, #tpu.memory_space<vmem>> -> memref<1x64x128xf32, #tpu.memory_space<vmem>>
        %scatter3A_421 = tpu.memref_squeeze %scatter3A_420 : memref<1x64x128xf32, #tpu.memory_space<vmem>> -> memref<64x128xf32, #tpu.memory_space<vmem>>
        tpu.vector_store_idx %scatter3A_421[%add3A_412, %add3A_410], %gather3A_417 : memref<64x128xf32, #tpu.memory_space<vmem>>[vector<16xi32>, vector<16xi32>], vector<16xf32>,
        %add3A_422 = vector.broadcast %mul3A_408 : i32 to vector<16xi32>
        %add3A_423 = arith.addi %and3A_11, %add3A_422 : vector<16xi32>
        %gather3A_424 = arith.constant 0 : i32
        %gather3A_425 = arith.constant 0 : i32
        %gather3A_426 = arith.constant 0 : i32
        %gather3A_427 = tpu.memref_slice %arg6[%gather3A_424, %gather3A_425, %gather3A_426] : memref<4x128x128xf32, #tpu.memory_space<vmem>> -> memref<1x128x128xf32, #tpu.memory_space<vmem>>
        %gather3A_428 = tpu.memref_squeeze %gather3A_427 : memref<1x128x128xf32, #tpu.memory_space<vmem>> -> memref<128x128xf32, #tpu.memory_space<vmem>>
        %gather3A_429 = tpu.vector_load_idx %gather3A_428[%add3A_410, %add3A_423] : memref<128x128xf32, #tpu.memory_space<vmem>>[vector<16xi32>, vector<16xi32>], vector<16xf32>,
        %scatter3A_430 = arith.constant 0 : i32
        %scatter3A_431 = arith.constant 0 : i32
        %scatter3A_432 = arith.constant 0 : i32
        %scatter3A_433 = tpu.memref_slice %arg7[%scatter3A_430, %scatter3A_431, %scatter3A_432] : memref<4x64x128xf32, #tpu.memory_space<vmem>> -> memref<1x64x128xf32, #tpu.memory_space<vmem>>
        %scatter3A_434 = tpu.memref_squeeze %scatter3A_433 : memref<1x64x128xf32, #tpu.memory_space<vmem>> -> memref<64x128xf32, #tpu.memory_space<vmem>>
        tpu.vector_store_idx %scatter3A_434[%add3A_423, %add3A_410], %gather3A_429 : memref<64x128xf32, #tpu.memory_space<vmem>>[vector<16xi32>, vector<16xi32>], vector<16xf32>,
        %add3A_435 = vector.broadcast %mul3A_408 : i32 to vector<16xi32>
        %add3A_436 = arith.addi %and3A_17, %add3A_435 : vector<16xi32>
        %gather3A_437 = arith.constant 0 : i32
        %gather3A_438 = arith.constant 0 : i32
        %gather3A_439 = arith.constant 0 : i32
        %gather3A_440 = tpu.memref_slice %arg6[%gather3A_437, %gather3A_438, %gather3A_439] : memref<4x128x128xf32, #tpu.memory_space<vmem>> -> memref<1x128x128xf32, #tpu.memory_space<vmem>>
        %gather3A_441 = tpu.memref_squeeze %gather3A_440 : memref<1x128x128xf32, #tpu.memory_space<vmem>> -> memref<128x128xf32, #tpu.memory_space<vmem>>
        %gather3A_442 = tpu.vector_load_idx %gather3A_441[%add3A_410, %add3A_436] : memref<128x128xf32, #tpu.memory_space<vmem>>[vector<16xi32>, vector<16xi32>], vector<16xf32>,
        %scatter3A_443 = arith.constant 0 : i32
        %scatter3A_444 = arith.constant 0 : i32
        %scatter3A_445 = arith.constant 0 : i32
        %scatter3A_446 = tpu.memref_slice %arg7[%scatter3A_443, %scatter3A_444, %scatter3A_445] : memref<4x64x128xf32, #tpu.memory_space<vmem>> -> memref<1x64x128xf32, #tpu.memory_space<vmem>>
        %scatter3A_447 = tpu.memref_squeeze %scatter3A_446 : memref<1x64x128xf32, #tpu.memory_space<vmem>> -> memref<64x128xf32, #tpu.memory_space<vmem>>
        tpu.vector_store_idx %scatter3A_447[%add3A_436, %add3A_410], %gather3A_442 : memref<64x128xf32, #tpu.memory_space<vmem>>[vector<16xi32>, vector<16xi32>], vector<16xf32>,
        %add3A_448 = vector.broadcast %mul3A_408 : i32 to vector<16xi32>
        %add3A_449 = arith.addi %and3A_23, %add3A_448 : vector<16xi32>
        %gather3A_450 = arith.constant 0 : i32
        %gather3A_451 = arith.constant 0 : i32
        %gather3A_452 = arith.constant 0 : i32
        %gather3A_453 = tpu.memref_slice %arg6[%gather3A_450, %gather3A_451, %gather3A_452] : memref<4x128x128xf32, #tpu.memory_space<vmem>> -> memref<1x128x128xf32, #tpu.memory_space<vmem>>
        %gather3A_454 = tpu.memref_squeeze %gather3A_453 : memref<1x128x128xf32, #tpu.memory_space<vmem>> -> memref<128x128xf32, #tpu.memory_space<vmem>>
        %gather3A_455 = tpu.vector_load_idx %gather3A_454[%add3A_410, %add3A_449] : memref<128x128xf32, #tpu.memory_space<vmem>>[vector<16xi32>, vector<16xi32>], vector<16xf32>,
        %scatter3A_456 = arith.constant 0 : i32
        %scatter3A_457 = arith.constant 0 : i32
        %scatter3A_458 = arith.constant 0 : i32
        %scatter3A_459 = tpu.memref_slice %arg7[%scatter3A_456, %scatter3A_457, %scatter3A_458] : memref<4x64x128xf32, #tpu.memory_space<vmem>> -> memref<1x64x128xf32, #tpu.memory_space<vmem>>
        %scatter3A_460 = tpu.memref_squeeze %scatter3A_459 : memref<1x64x128xf32, #tpu.memory_space<vmem>> -> memref<64x128xf32, #tpu.memory_space<vmem>>
        tpu.vector_store_idx %scatter3A_460[%add3A_449, %add3A_410], %gather3A_455 : memref<64x128xf32, #tpu.memory_space<vmem>>[vector<16xi32>, vector<16xi32>], vector<16xf32>,
        %add3A_461 = vector.broadcast %mul3A_408 : i32 to vector<16xi32>
        %add3A_462 = arith.addi %and3A_29, %add3A_461 : vector<16xi32>
        %gather3A_463 = arith.constant 0 : i32
        %gather3A_464 = arith.constant 0 : i32
        %gather3A_465 = arith.constant 0 : i32
        %gather3A_466 = tpu.memref_slice %arg6[%gather3A_463, %gather3A_464, %gather3A_465] : memref<4x128x128xf32, #tpu.memory_space<vmem>> -> memref<1x128x128xf32, #tpu.memory_space<vmem>>
        %gather3A_467 = tpu.memref_squeeze %gather3A_466 : memref<1x128x128xf32, #tpu.memory_space<vmem>> -> memref<128x128xf32, #tpu.memory_space<vmem>>
        %gather3A_468 = tpu.vector_load_idx %gather3A_467[%add3A_410, %add3A_462] : memref<128x128xf32, #tpu.memory_space<vmem>>[vector<16xi32>, vector<16xi32>], vector<16xf32>,
        %scatter3A_469 = arith.constant 0 : i32
        %scatter3A_470 = arith.constant 0 : i32
        %scatter3A_471 = arith.constant 0 : i32
        %scatter3A_472 = tpu.memref_slice %arg7[%scatter3A_469, %scatter3A_470, %scatter3A_471] : memref<4x64x128xf32, #tpu.memory_space<vmem>> -> memref<1x64x128xf32, #tpu.memory_space<vmem>>
        %scatter3A_473 = tpu.memref_squeeze %scatter3A_472 : memref<1x64x128xf32, #tpu.memory_space<vmem>> -> memref<64x128xf32, #tpu.memory_space<vmem>>
        tpu.vector_store_idx %scatter3A_473[%add3A_462, %add3A_410], %gather3A_468 : memref<64x128xf32, #tpu.memory_space<vmem>>[vector<16xi32>, vector<16xi32>], vector<16xf32>,
        %add3A_474 = vector.broadcast %mul3A_408 : i32 to vector<16xi32>
        %add3A_475 = arith.addi %and3A_35, %add3A_474 : vector<16xi32>
        %gather3A_476 = arith.constant 0 : i32
        %gather3A_477 = arith.constant 0 : i32
        %gather3A_478 = arith.constant 0 : i32
        %gather3A_479 = tpu.memref_slice %arg6[%gather3A_476, %gather3A_477, %gather3A_478] : memref<4x128x128xf32, #tpu.memory_space<vmem>> -> memref<1x128x128xf32, #tpu.memory_space<vmem>>
        %gather3A_480 = tpu.memref_squeeze %gather3A_479 : memref<1x128x128xf32, #tpu.memory_space<vmem>> -> memref<128x128xf32, #tpu.memory_space<vmem>>
        %gather3A_481 = tpu.vector_load_idx %gather3A_480[%add3A_410, %add3A_475] : memref<128x128xf32, #tpu.memory_space<vmem>>[vector<16xi32>, vector<16xi32>], vector<16xf32>,
        %scatter3A_482 = arith.constant 0 : i32
        %scatter3A_483 = arith.constant 0 : i32
        %scatter3A_484 = arith.constant 0 : i32
        %scatter3A_485 = tpu.memref_slice %arg7[%scatter3A_482, %scatter3A_483, %scatter3A_484] : memref<4x64x128xf32, #tpu.memory_space<vmem>> -> memref<1x64x128xf32, #tpu.memory_space<vmem>>
        %scatter3A_486 = tpu.memref_squeeze %scatter3A_485 : memref<1x64x128xf32, #tpu.memory_space<vmem>> -> memref<64x128xf32, #tpu.memory_space<vmem>>
        tpu.vector_store_idx %scatter3A_486[%add3A_475, %add3A_410], %gather3A_481 : memref<64x128xf32, #tpu.memory_space<vmem>>[vector<16xi32>, vector<16xi32>], vector<16xf32>,
        %add3A_487 = vector.broadcast %mul3A_408 : i32 to vector<16xi32>
        %add3A_488 = arith.addi %and3A_41, %add3A_487 : vector<16xi32>
        %gather3A_489 = arith.constant 0 : i32
        %gather3A_490 = arith.constant 0 : i32
        %gather3A_491 = arith.constant 0 : i32
        %gather3A_492 = tpu.memref_slice %arg6[%gather3A_489, %gather3A_490, %gather3A_491] : memref<4x128x128xf32, #tpu.memory_space<vmem>> -> memref<1x128x128xf32, #tpu.memory_space<vmem>>
        %gather3A_493 = tpu.memref_squeeze %gather3A_492 : memref<1x128x128xf32, #tpu.memory_space<vmem>> -> memref<128x128xf32, #tpu.memory_space<vmem>>
        %gather3A_494 = tpu.vector_load_idx %gather3A_493[%add3A_410, %add3A_488] : memref<128x128xf32, #tpu.memory_space<vmem>>[vector<16xi32>, vector<16xi32>], vector<16xf32>,
        %scatter3A_495 = arith.constant 0 : i32
        %scatter3A_496 = arith.constant 0 : i32
        %scatter3A_497 = arith.constant 0 : i32
        %scatter3A_498 = tpu.memref_slice %arg7[%scatter3A_495, %scatter3A_496, %scatter3A_497] : memref<4x64x128xf32, #tpu.memory_space<vmem>> -> memref<1x64x128xf32, #tpu.memory_space<vmem>>
        %scatter3A_499 = tpu.memref_squeeze %scatter3A_498 : memref<1x64x128xf32, #tpu.memory_space<vmem>> -> memref<64x128xf32, #tpu.memory_space<vmem>>
        tpu.vector_store_idx %scatter3A_499[%add3A_488, %add3A_410], %gather3A_494 : memref<64x128xf32, #tpu.memory_space<vmem>>[vector<16xi32>, vector<16xi32>], vector<16xf32>,
        %add3A_500 = vector.broadcast %mul3A_408 : i32 to vector<16xi32>
        %add3A_501 = arith.addi %and3A_47, %add3A_500 : vector<16xi32>
        %gather3A_502 = arith.constant 0 : i32
        %gather3A_503 = arith.constant 0 : i32
        %gather3A_504 = arith.constant 0 : i32
        %gather3A_505 = tpu.memref_slice %arg6[%gather3A_502, %gather3A_503, %gather3A_504] : memref<4x128x128xf32, #tpu.memory_space<vmem>> -> memref<1x128x128xf32, #tpu.memory_space<vmem>>
        %gather3A_506 = tpu.memref_squeeze %gather3A_505 : memref<1x128x128xf32, #tpu.memory_space<vmem>> -> memref<128x128xf32, #tpu.memory_space<vmem>>
        %gather3A_507 = tpu.vector_load_idx %gather3A_506[%add3A_410, %add3A_501] : memref<128x128xf32, #tpu.memory_space<vmem>>[vector<16xi32>, vector<16xi32>], vector<16xf32>,
        %scatter3A_508 = arith.constant 0 : i32
        %scatter3A_509 = arith.constant 0 : i32
        %scatter3A_510 = arith.constant 0 : i32
        %scatter3A_511 = tpu.memref_slice %arg7[%scatter3A_508, %scatter3A_509, %scatter3A_510] : memref<4x64x128xf32, #tpu.memory_space<vmem>> -> memref<1x64x128xf32, #tpu.memory_space<vmem>>
        %scatter3A_512 = tpu.memref_squeeze %scatter3A_511 : memref<1x64x128xf32, #tpu.memory_space<vmem>> -> memref<64x128xf32, #tpu.memory_space<vmem>>
        tpu.vector_store_idx %scatter3A_512[%add3A_501, %add3A_410], %gather3A_507 : memref<64x128xf32, #tpu.memory_space<vmem>>[vector<16xi32>, vector<16xi32>], vector<16xf32>,
        %add3A_513 = vector.broadcast %mul3A_408 : i32 to vector<16xi32>
        %add3A_514 = arith.addi %and3A_53, %add3A_513 : vector<16xi32>
        %gather3A_515 = arith.constant 0 : i32
        %gather3A_516 = arith.constant 0 : i32
        %gather3A_517 = arith.constant 0 : i32
        %gather3A_518 = tpu.memref_slice %arg6[%gather3A_515, %gather3A_516, %gather3A_517] : memref<4x128x128xf32, #tpu.memory_space<vmem>> -> memref<1x128x128xf32, #tpu.memory_space<vmem>>
        %gather3A_519 = tpu.memref_squeeze %gather3A_518 : memref<1x128x128xf32, #tpu.memory_space<vmem>> -> memref<128x128xf32, #tpu.memory_space<vmem>>
        %gather3A_520 = tpu.vector_load_idx %gather3A_519[%add3A_410, %add3A_514] : memref<128x128xf32, #tpu.memory_space<vmem>>[vector<16xi32>, vector<16xi32>], vector<16xf32>,
        %scatter3A_521 = arith.constant 0 : i32
        %scatter3A_522 = arith.constant 0 : i32
        %scatter3A_523 = arith.constant 0 : i32
        %scatter3A_524 = tpu.memref_slice %arg7[%scatter3A_521, %scatter3A_522, %scatter3A_523] : memref<4x64x128xf32, #tpu.memory_space<vmem>> -> memref<1x64x128xf32, #tpu.memory_space<vmem>>
        %scatter3A_525 = tpu.memref_squeeze %scatter3A_524 : memref<1x64x128xf32, #tpu.memory_space<vmem>> -> memref<64x128xf32, #tpu.memory_space<vmem>>
        tpu.vector_store_idx %scatter3A_525[%add3A_514, %add3A_410], %gather3A_520 : memref<64x128xf32, #tpu.memory_space<vmem>>[vector<16xi32>, vector<16xi32>], vector<16xf32>,
        %add3A_526 = vector.broadcast %mul3A_408 : i32 to vector<16xi32>
        %add3A_527 = arith.addi %and3A_59, %add3A_526 : vector<16xi32>
        %gather3A_528 = arith.constant 0 : i32
        %gather3A_529 = arith.constant 0 : i32
        %gather3A_530 = arith.constant 0 : i32
        %gather3A_531 = tpu.memref_slice %arg6[%gather3A_528, %gather3A_529, %gather3A_530] : memref<4x128x128xf32, #tpu.memory_space<vmem>> -> memref<1x128x128xf32, #tpu.memory_space<vmem>>
        %gather3A_532 = tpu.memref_squeeze %gather3A_531 : memref<1x128x128xf32, #tpu.memory_space<vmem>> -> memref<128x128xf32, #tpu.memory_space<vmem>>
        %gather3A_533 = tpu.vector_load_idx %gather3A_532[%add3A_410, %add3A_527] : memref<128x128xf32, #tpu.memory_space<vmem>>[vector<16xi32>, vector<16xi32>], vector<16xf32>,
        %scatter3A_534 = arith.constant 0 : i32
        %scatter3A_535 = arith.constant 0 : i32
        %scatter3A_536 = arith.constant 0 : i32
        %scatter3A_537 = tpu.memref_slice %arg7[%scatter3A_534, %scatter3A_535, %scatter3A_536] : memref<4x64x128xf32, #tpu.memory_space<vmem>> -> memref<1x64x128xf32, #tpu.memory_space<vmem>>
        %scatter3A_538 = tpu.memref_squeeze %scatter3A_537 : memref<1x64x128xf32, #tpu.memory_space<vmem>> -> memref<64x128xf32, #tpu.memory_space<vmem>>
        tpu.vector_store_idx %scatter3A_538[%add3A_527, %add3A_410], %gather3A_533 : memref<64x128xf32, #tpu.memory_space<vmem>>[vector<16xi32>, vector<16xi32>], vector<16xf32>,
        %add3A_539 = vector.broadcast %mul3A_408 : i32 to vector<16xi32>
        %add3A_540 = arith.addi %and3A_65, %add3A_539 : vector<16xi32>
        %gather3A_541 = arith.constant 0 : i32
        %gather3A_542 = arith.constant 0 : i32
        %gather3A_543 = arith.constant 0 : i32
        %gather3A_544 = tpu.memref_slice %arg6[%gather3A_541, %gather3A_542, %gather3A_543] : memref<4x128x128xf32, #tpu.memory_space<vmem>> -> memref<1x128x128xf32, #tpu.memory_space<vmem>>
        %gather3A_545 = tpu.memref_squeeze %gather3A_544 : memref<1x128x128xf32, #tpu.memory_space<vmem>> -> memref<128x128xf32, #tpu.memory_space<vmem>>
        %gather3A_546 = tpu.vector_load_idx %gather3A_545[%add3A_410, %add3A_540] : memref<128x128xf32, #tpu.memory_space<vmem>>[vector<16xi32>, vector<16xi32>], vector<16xf32>,
        %scatter3A_547 = arith.constant 0 : i32
        %scatter3A_548 = arith.constant 0 : i32
        %scatter3A_549 = arith.constant 0 : i32
        %scatter3A_550 = tpu.memref_slice %arg7[%scatter3A_547, %scatter3A_548, %scatter3A_549] : memref<4x64x128xf32, #tpu.memory_space<vmem>> -> memref<1x64x128xf32, #tpu.memory_space<vmem>>
        %scatter3A_551 = tpu.memref_squeeze %scatter3A_550 : memref<1x64x128xf32, #tpu.memory_space<vmem>> -> memref<64x128xf32, #tpu.memory_space<vmem>>
        tpu.vector_store_idx %scatter3A_551[%add3A_540, %add3A_410], %gather3A_546 : memref<64x128xf32, #tpu.memory_space<vmem>>[vector<16xi32>, vector<16xi32>], vector<16xf32>,
        %add3A_552 = vector.broadcast %mul3A_408 : i32 to vector<16xi32>
        %add3A_553 = arith.addi %and3A_71, %add3A_552 : vector<16xi32>
        %gather3A_554 = arith.constant 0 : i32
        %gather3A_555 = arith.constant 0 : i32
        %gather3A_556 = arith.constant 0 : i32
        %gather3A_557 = tpu.memref_slice %arg6[%gather3A_554, %gather3A_555, %gather3A_556] : memref<4x128x128xf32, #tpu.memory_space<vmem>> -> memref<1x128x128xf32, #tpu.memory_space<vmem>>
        %gather3A_558 = tpu.memref_squeeze %gather3A_557 : memref<1x128x128xf32, #tpu.memory_space<vmem>> -> memref<128x128xf32, #tpu.memory_space<vmem>>
        %gather3A_559 = tpu.vector_load_idx %gather3A_558[%add3A_410, %add3A_553] : memref<128x128xf32, #tpu.memory_space<vmem>>[vector<16xi32>, vector<16xi32>], vector<16xf32>,
        %scatter3A_560 = arith.constant 0 : i32
        %scatter3A_561 = arith.constant 0 : i32
        %scatter3A_562 = arith.constant 0 : i32
        %scatter3A_563 = tpu.memref_slice %arg7[%scatter3A_560, %scatter3A_561, %scatter3A_562] : memref<4x64x128xf32, #tpu.memory_space<vmem>> -> memref<1x64x128xf32, #tpu.memory_space<vmem>>
        %scatter3A_564 = tpu.memref_squeeze %scatter3A_563 : memref<1x64x128xf32, #tpu.memory_space<vmem>> -> memref<64x128xf32, #tpu.memory_space<vmem>>
        tpu.vector_store_idx %scatter3A_564[%add3A_553, %add3A_410], %gather3A_559 : memref<64x128xf32, #tpu.memory_space<vmem>>[vector<16xi32>, vector<16xi32>], vector<16xf32>,
        %add3A_565 = vector.broadcast %mul3A_408 : i32 to vector<16xi32>
        %add3A_566 = arith.addi %and3A_77, %add3A_565 : vector<16xi32>
        %gather3A_567 = arith.constant 0 : i32
        %gather3A_568 = arith.constant 0 : i32
        %gather3A_569 = arith.constant 0 : i32
        %gather3A_570 = tpu.memref_slice %arg6[%gather3A_567, %gather3A_568, %gather3A_569] : memref<4x128x128xf32, #tpu.memory_space<vmem>> -> memref<1x128x128xf32, #tpu.memory_space<vmem>>
        %gather3A_571 = tpu.memref_squeeze %gather3A_570 : memref<1x128x128xf32, #tpu.memory_space<vmem>> -> memref<128x128xf32, #tpu.memory_space<vmem>>
        %gather3A_572 = tpu.vector_load_idx %gather3A_571[%add3A_410, %add3A_566] : memref<128x128xf32, #tpu.memory_space<vmem>>[vector<16xi32>, vector<16xi32>], vector<16xf32>,
        %scatter3A_573 = arith.constant 0 : i32
        %scatter3A_574 = arith.constant 0 : i32
        %scatter3A_575 = arith.constant 0 : i32
        %scatter3A_576 = tpu.memref_slice %arg7[%scatter3A_573, %scatter3A_574, %scatter3A_575] : memref<4x64x128xf32, #tpu.memory_space<vmem>> -> memref<1x64x128xf32, #tpu.memory_space<vmem>>
        %scatter3A_577 = tpu.memref_squeeze %scatter3A_576 : memref<1x64x128xf32, #tpu.memory_space<vmem>> -> memref<64x128xf32, #tpu.memory_space<vmem>>
        tpu.vector_store_idx %scatter3A_577[%add3A_566, %add3A_410], %gather3A_572 : memref<64x128xf32, #tpu.memory_space<vmem>>[vector<16xi32>, vector<16xi32>], vector<16xf32>,
        %add3A_578 = vector.broadcast %mul3A_408 : i32 to vector<16xi32>
        %add3A_579 = arith.addi %and3A_83, %add3A_578 : vector<16xi32>
        %gather3A_580 = arith.constant 0 : i32
        %gather3A_581 = arith.constant 0 : i32
        %gather3A_582 = arith.constant 0 : i32
        %gather3A_583 = tpu.memref_slice %arg6[%gather3A_580, %gather3A_581, %gather3A_582] : memref<4x128x128xf32, #tpu.memory_space<vmem>> -> memref<1x128x128xf32, #tpu.memory_space<vmem>>
        %gather3A_584 = tpu.memref_squeeze %gather3A_583 : memref<1x128x128xf32, #tpu.memory_space<vmem>> -> memref<128x128xf32, #tpu.memory_space<vmem>>
        %gather3A_585 = tpu.vector_load_idx %gather3A_584[%add3A_410, %add3A_579] : memref<128x128xf32, #tpu.memory_space<vmem>>[vector<16xi32>, vector<16xi32>], vector<16xf32>,
        %scatter3A_586 = arith.constant 0 : i32
        %scatter3A_587 = arith.constant 0 : i32
        %scatter3A_588 = arith.constant 0 : i32
        %scatter3A_589 = tpu.memref_slice %arg7[%scatter3A_586, %scatter3A_587, %scatter3A_588] : memref<4x64x128xf32, #tpu.memory_space<vmem>> -> memref<1x64x128xf32, #tpu.memory_space<vmem>>
        %scatter3A_590 = tpu.memref_squeeze %scatter3A_589 : memref<1x64x128xf32, #tpu.memory_space<vmem>> -> memref<64x128xf32, #tpu.memory_space<vmem>>
        tpu.vector_store_idx %scatter3A_590[%add3A_579, %add3A_410], %gather3A_585 : memref<64x128xf32, #tpu.memory_space<vmem>>[vector<16xi32>, vector<16xi32>], vector<16xf32>,
        %add3A_591 = vector.broadcast %mul3A_408 : i32 to vector<16xi32>
        %add3A_592 = arith.addi %and3A_89, %add3A_591 : vector<16xi32>
        %gather3A_593 = arith.constant 0 : i32
        %gather3A_594 = arith.constant 0 : i32
        %gather3A_595 = arith.constant 0 : i32
        %gather3A_596 = tpu.memref_slice %arg6[%gather3A_593, %gather3A_594, %gather3A_595] : memref<4x128x128xf32, #tpu.memory_space<vmem>> -> memref<1x128x128xf32, #tpu.memory_space<vmem>>
        %gather3A_597 = tpu.memref_squeeze %gather3A_596 : memref<1x128x128xf32, #tpu.memory_space<vmem>> -> memref<128x128xf32, #tpu.memory_space<vmem>>
        %gather3A_598 = tpu.vector_load_idx %gather3A_597[%add3A_410, %add3A_592] : memref<128x128xf32, #tpu.memory_space<vmem>>[vector<16xi32>, vector<16xi32>], vector<16xf32>,
        %scatter3A_599 = arith.constant 0 : i32
        %scatter3A_600 = arith.constant 0 : i32
        %scatter3A_601 = arith.constant 0 : i32
        %scatter3A_602 = tpu.memref_slice %arg7[%scatter3A_599, %scatter3A_600, %scatter3A_601] : memref<4x64x128xf32, #tpu.memory_space<vmem>> -> memref<1x64x128xf32, #tpu.memory_space<vmem>>
        %scatter3A_603 = tpu.memref_squeeze %scatter3A_602 : memref<1x64x128xf32, #tpu.memory_space<vmem>> -> memref<64x128xf32, #tpu.memory_space<vmem>>
        tpu.vector_store_idx %scatter3A_603[%add3A_592, %add3A_410], %gather3A_598 : memref<64x128xf32, #tpu.memory_space<vmem>>[vector<16xi32>, vector<16xi32>], vector<16xf32>,
        %add3A_604 = vector.broadcast %mul3A_408 : i32 to vector<16xi32>
        %add3A_605 = arith.addi %and3A_95, %add3A_604 : vector<16xi32>
        %gather3A_606 = arith.constant 0 : i32
        %gather3A_607 = arith.constant 0 : i32
        %gather3A_608 = arith.constant 0 : i32
        %gather3A_609 = tpu.memref_slice %arg6[%gather3A_606, %gather3A_607, %gather3A_608] : memref<4x128x128xf32, #tpu.memory_space<vmem>> -> memref<1x128x128xf32, #tpu.memory_space<vmem>>
        %gather3A_610 = tpu.memref_squeeze %gather3A_609 : memref<1x128x128xf32, #tpu.memory_space<vmem>> -> memref<128x128xf32, #tpu.memory_space<vmem>>
        %gather3A_611 = tpu.vector_load_idx %gather3A_610[%add3A_410, %add3A_605] : memref<128x128xf32, #tpu.memory_space<vmem>>[vector<16xi32>, vector<16xi32>], vector<16xf32>,
        %scatter3A_612 = arith.constant 0 : i32
        %scatter3A_613 = arith.constant 0 : i32
        %scatter3A_614 = arith.constant 0 : i32
        %scatter3A_615 = tpu.memref_slice %arg7[%scatter3A_612, %scatter3A_613, %scatter3A_614] : memref<4x64x128xf32, #tpu.memory_space<vmem>> -> memref<1x64x128xf32, #tpu.memory_space<vmem>>
        %scatter3A_616 = tpu.memref_squeeze %scatter3A_615 : memref<1x64x128xf32, #tpu.memory_space<vmem>> -> memref<64x128xf32, #tpu.memory_space<vmem>>
        tpu.vector_store_idx %scatter3A_616[%add3A_605, %add3A_410], %gather3A_611 : memref<64x128xf32, #tpu.memory_space<vmem>>[vector<16xi32>, vector<16xi32>], vector<16xf32>,
      }
      %scan3A_269 = arith.constant 32 : i32
      %mul3A_270 = arith.constant 128 : i32
      %mul3A_271 = arith.muli %add3A, %mul3A_270 : i32
      %dma_start3A_272 = arith.constant 0 : i32
      %dma_start3A_273 = arith.constant 0 : i32
      %dma_start3A_274 = arith.constant 0 : i32
      %dma_start3A_275 = tpu.memref_slice %arg7[%dma_start3A_272, %dma_start3A_273, %dma_start3A_274] : memref<4x64x128xf32, #tpu.memory_space<vmem>> -> memref<1x64x128xf32, #tpu.memory_space<vmem>>
      %dma_start3A_276 = tpu.memref_squeeze %dma_start3A_275 : memref<1x64x128xf32, #tpu.memory_space<vmem>> -> memref<64x128xf32, #tpu.memory_space<vmem>>
      %dma_start3A_277 = arith.constant 0 : i32
      %dma_start3A_278 = tpu.memref_slice %arg4[%add3A_252, %dma_start3A_277, %mul3A_271] : memref<200x64x4096xf32, #tpu.memory_space<hbm>> -> memref<1x64x128xf32, #tpu.memory_space<hbm>>
      %dma_start3A_279 = tpu.memref_squeeze %dma_start3A_278 : memref<1x64x128xf32, #tpu.memory_space<hbm>> -> memref<64x128xf32, #tpu.memory_space<hbm>>
      %dma_start3A_280 = arith.constant 0 : i32
      %dma_start3A_281 = tpu.memref_slice %arg4[%add3A_252, %dma_start3A_280, %mul3A_271] : memref<200x64x4096xf32, #tpu.memory_space<hbm>> -> memref<1x64x128xf32, #tpu.memory_space<hbm>>
      %dma_start3A_282 = tpu.memref_squeeze %dma_start3A_281 : memref<1x64x128xf32, #tpu.memory_space<hbm>> -> memref<64x128xf32, #tpu.memory_space<hbm>>
      %dma_start3A_283 = arith.constant 0 : i32
      %dma_start3A_284 = arith.constant 0 : i32
      %dma_start3A_285 = tpu.memref_slice %arg7[%dma_start3A_272, %dma_start3A_283, %dma_start3A_284] : memref<4x64x128xf32, #tpu.memory_space<vmem>> -> memref<1x64x128xf32, #tpu.memory_space<vmem>>
      %dma_start3A_286 = tpu.memref_squeeze %dma_start3A_285 : memref<1x64x128xf32, #tpu.memory_space<vmem>> -> memref<64x128xf32, #tpu.memory_space<vmem>>
      tpu.enqueue_dma source(%dma_start3A_286 : memref<64x128xf32, #tpu.memory_space<vmem>>) target(%dma_start3A_282 : memref<64x128xf32, #tpu.memory_space<hbm>>) target_semaphore(%arg12 : memref<!tpu.dma_semaphore, #tpu.memory_space<semaphore_mem>>)
      %mul3A_287 = arith.constant 4 : i32
      %mul3A_288 = arith.muli %scan3A_172, %mul3A_287 : i32
      %add3A_289 = arith.constant 1 : i32
      %add3A_290 = arith.addi %mul3A_288, %add3A_289 : i32
      %dma_wait3A_291 = arith.constant 1 : i32
      %dma_wait3A_292 = arith.constant 0 : i32
      %dma_wait3A_293 = arith.constant 0 : i32
      %dma_wait3A_294 = tpu.memref_slice %arg6[%dma_wait3A_291, %dma_wait3A_292, %dma_wait3A_293] : memref<4x128x128xf32, #tpu.memory_space<vmem>> -> memref<1x128x128xf32, #tpu.memory_space<vmem>>
      %dma_wait3A_295 = tpu.memref_squeeze %dma_wait3A_294 : memref<1x128x128xf32, #tpu.memory_space<vmem>> -> memref<128x128xf32, #tpu.memory_space<vmem>>
      %dma_wait3A_296 = arith.constant 0 : i32
      %dma_wait3A_297 = tpu.memref_slice %arg5[%add3A_290, %dma_wait3A_296] : memref<200x128xi32, #tpu.memory_space<vmem>> -> memref<1x128xi32, #tpu.memory_space<vmem>>
      %dma_wait3A_298 = tpu.memref_squeeze %dma_wait3A_297 : memref<1x128xi32, #tpu.memory_space<vmem>> -> memref<128xi32, #tpu.memory_space<vmem>>
      %dma_wait3A_299 = arith.constant 0 : i32
      %dma_wait3A_300 = arith.constant 0 : i32
      %dma_wait3A_301 = tpu.memref_slice %arg3[%dma_wait3A_299, %dma_wait3A_300] : memref<28996x128xf32, #tpu.memory_space<hbm>> -> memref<28996x128xf32, #tpu.memory_space<hbm>>
      tpu.wait_indirect_dma semaphore(%arg9 : memref<!tpu.dma_semaphore, #tpu.memory_space<semaphore_mem>>) src(%dma_wait3A_301 : memref<28996x128xf32, #tpu.memory_space<hbm>>) dst(%dma_wait3A_295 : memref<128x128xf32, #tpu.memory_space<vmem>>)
      %scan3A_302 = arith.constant 0 : i32
      %scan3A_303 = arith.constant 0 : i32
      %scan3A_304 = arith.constant 32 : i32
      %scan3A_305 = arith.addi %scan3A_303, %scan3A_304 : i32
      %scan3A_306 = arith.constant 1 : i32
      scf.for %scan3A_401 = %scan3A_303 to %scan3A_305 step %scan3A_306  : i32 {
        %shift_right_arithmetic3A = arith.constant 2 : i32
        %shift_right_arithmetic3A_402 = arith.shrsi %scan3A_401, %shift_right_arithmetic3A : i32
        %mul3A_403 = arith.constant 16 : i32
        %mul3A_404 = arith.muli %shift_right_arithmetic3A_402, %mul3A_403 : i32
        %and3A_405 = arith.constant 3 : i32
        %and3A_406 = arith.andi %scan3A_401, %and3A_405 : i32
        %mul3A_407 = arith.constant 16 : i32
        %mul3A_408 = arith.muli %and3A_406, %mul3A_407 : i32
        %add3A_409 = vector.broadcast %mul3A_404 : i32 to vector<16xi32>
        %add3A_410 = arith.addi %iota3A, %add3A_409 : vector<16xi32>
        %add3A_411 = vector.broadcast %mul3A_408 : i32 to vector<16xi32>
        %add3A_412 = arith.addi %and3A_5, %add3A_411 : vector<16xi32>
        %gather3A = arith.constant 1 : i32
        %gather3A_413 = arith.constant 0 : i32
        %gather3A_414 = arith.constant 0 : i32
        %gather3A_415 = tpu.memref_slice %arg6[%gather3A, %gather3A_413, %gather3A_414] : memref<4x128x128xf32, #tpu.memory_space<vmem>> -> memref<1x128x128xf32, #tpu.memory_space<vmem>>
        %gather3A_416 = tpu.memref_squeeze %gather3A_415 : memref<1x128x128xf32, #tpu.memory_space<vmem>> -> memref<128x128xf32, #tpu.memory_space<vmem>>
        %gather3A_417 = tpu.vector_load_idx %gather3A_416[%add3A_410, %add3A_412] : memref<128x128xf32, #tpu.memory_space<vmem>>[vector<16xi32>, vector<16xi32>], vector<16xf32>,
        %scatter3A = arith.constant 1 : i32
        %scatter3A_418 = arith.constant 0 : i32
        %scatter3A_419 = arith.constant 0 : i32
        %scatter3A_420 = tpu.memref_slice %arg7[%scatter3A, %scatter3A_418, %scatter3A_419] : memref<4x64x128xf32, #tpu.memory_space<vmem>> -> memref<1x64x128xf32, #tpu.memory_space<vmem>>
        %scatter3A_421 = tpu.memref_squeeze %scatter3A_420 : memref<1x64x128xf32, #tpu.memory_space<vmem>> -> memref<64x128xf32, #tpu.memory_space<vmem>>
        tpu.vector_store_idx %scatter3A_421[%add3A_412, %add3A_410], %gather3A_417 : memref<64x128xf32, #tpu.memory_space<vmem>>[vector<16xi32>, vector<16xi32>], vector<16xf32>,
        %add3A_422 = vector.broadcast %mul3A_408 : i32 to vector<16xi32>
        %add3A_423 = arith.addi %and3A_11, %add3A_422 : vector<16xi32>
        %gather3A_424 = arith.constant 1 : i32
        %gather3A_425 = arith.constant 0 : i32
        %gather3A_426 = arith.constant 0 : i32
        %gather3A_427 = tpu.memref_slice %arg6[%gather3A_424, %gather3A_425, %gather3A_426] : memref<4x128x128xf32, #tpu.memory_space<vmem>> -> memref<1x128x128xf32, #tpu.memory_space<vmem>>
        %gather3A_428 = tpu.memref_squeeze %gather3A_427 : memref<1x128x128xf32, #tpu.memory_space<vmem>> -> memref<128x128xf32, #tpu.memory_space<vmem>>
        %gather3A_429 = tpu.vector_load_idx %gather3A_428[%add3A_410, %add3A_423] : memref<128x128xf32, #tpu.memory_space<vmem>>[vector<16xi32>, vector<16xi32>], vector<16xf32>,
        %scatter3A_430 = arith.constant 1 : i32
        %scatter3A_431 = arith.constant 0 : i32
        %scatter3A_432 = arith.constant 0 : i32
        %scatter3A_433 = tpu.memref_slice %arg7[%scatter3A_430, %scatter3A_431, %scatter3A_432] : memref<4x64x128xf32, #tpu.memory_space<vmem>> -> memref<1x64x128xf32, #tpu.memory_space<vmem>>
        %scatter3A_434 = tpu.memref_squeeze %scatter3A_433 : memref<1x64x128xf32, #tpu.memory_space<vmem>> -> memref<64x128xf32, #tpu.memory_space<vmem>>
        tpu.vector_store_idx %scatter3A_434[%add3A_423, %add3A_410], %gather3A_429 : memref<64x128xf32, #tpu.memory_space<vmem>>[vector<16xi32>, vector<16xi32>], vector<16xf32>,
        %add3A_435 = vector.broadcast %mul3A_408 : i32 to vector<16xi32>
        %add3A_436 = arith.addi %and3A_17, %add3A_435 : vector<16xi32>
        %gather3A_437 = arith.constant 1 : i32
        %gather3A_438 = arith.constant 0 : i32
        %gather3A_439 = arith.constant 0 : i32
        %gather3A_440 = tpu.memref_slice %arg6[%gather3A_437, %gather3A_438, %gather3A_439] : memref<4x128x128xf32, #tpu.memory_space<vmem>> -> memref<1x128x128xf32, #tpu.memory_space<vmem>>
        %gather3A_441 = tpu.memref_squeeze %gather3A_440 : memref<1x128x128xf32, #tpu.memory_space<vmem>> -> memref<128x128xf32, #tpu.memory_space<vmem>>
        %gather3A_442 = tpu.vector_load_idx %gather3A_441[%add3A_410, %add3A_436] : memref<128x128xf32, #tpu.memory_space<vmem>>[vector<16xi32>, vector<16xi32>], vector<16xf32>,
        %scatter3A_443 = arith.constant 1 : i32
        %scatter3A_444 = arith.constant 0 : i32
        %scatter3A_445 = arith.constant 0 : i32
        %scatter3A_446 = tpu.memref_slice %arg7[%scatter3A_443, %scatter3A_444, %scatter3A_445] : memref<4x64x128xf32, #tpu.memory_space<vmem>> -> memref<1x64x128xf32, #tpu.memory_space<vmem>>
        %scatter3A_447 = tpu.memref_squeeze %scatter3A_446 : memref<1x64x128xf32, #tpu.memory_space<vmem>> -> memref<64x128xf32, #tpu.memory_space<vmem>>
        tpu.vector_store_idx %scatter3A_447[%add3A_436, %add3A_410], %gather3A_442 : memref<64x128xf32, #tpu.memory_space<vmem>>[vector<16xi32>, vector<16xi32>], vector<16xf32>,
        %add3A_448 = vector.broadcast %mul3A_408 : i32 to vector<16xi32>
        %add3A_449 = arith.addi %and3A_23, %add3A_448 : vector<16xi32>
        %gather3A_450 = arith.constant 1 : i32
        %gather3A_451 = arith.constant 0 : i32
        %gather3A_452 = arith.constant 0 : i32
        %gather3A_453 = tpu.memref_slice %arg6[%gather3A_450, %gather3A_451, %gather3A_452] : memref<4x128x128xf32, #tpu.memory_space<vmem>> -> memref<1x128x128xf32, #tpu.memory_space<vmem>>
        %gather3A_454 = tpu.memref_squeeze %gather3A_453 : memref<1x128x128xf32, #tpu.memory_space<vmem>> -> memref<128x128xf32, #tpu.memory_space<vmem>>
        %gather3A_455 = tpu.vector_load_idx %gather3A_454[%add3A_410, %add3A_449] : memref<128x128xf32, #tpu.memory_space<vmem>>[vector<16xi32>, vector<16xi32>], vector<16xf32>,
        %scatter3A_456 = arith.constant 1 : i32
        %scatter3A_457 = arith.constant 0 : i32
        %scatter3A_458 = arith.constant 0 : i32
        %scatter3A_459 = tpu.memref_slice %arg7[%scatter3A_456, %scatter3A_457, %scatter3A_458] : memref<4x64x128xf32, #tpu.memory_space<vmem>> -> memref<1x64x128xf32, #tpu.memory_space<vmem>>
        %scatter3A_460 = tpu.memref_squeeze %scatter3A_459 : memref<1x64x128xf32, #tpu.memory_space<vmem>> -> memref<64x128xf32, #tpu.memory_space<vmem>>
        tpu.vector_store_idx %scatter3A_460[%add3A_449, %add3A_410], %gather3A_455 : memref<64x128xf32, #tpu.memory_space<vmem>>[vector<16xi32>, vector<16xi32>], vector<16xf32>,
        %add3A_461 = vector.broadcast %mul3A_408 : i32 to vector<16xi32>
        %add3A_462 = arith.addi %and3A_29, %add3A_461 : vector<16xi32>
        %gather3A_463 = arith.constant 1 : i32
        %gather3A_464 = arith.constant 0 : i32
        %gather3A_465 = arith.constant 0 : i32
        %gather3A_466 = tpu.memref_slice %arg6[%gather3A_463, %gather3A_464, %gather3A_465] : memref<4x128x128xf32, #tpu.memory_space<vmem>> -> memref<1x128x128xf32, #tpu.memory_space<vmem>>
        %gather3A_467 = tpu.memref_squeeze %gather3A_466 : memref<1x128x128xf32, #tpu.memory_space<vmem>> -> memref<128x128xf32, #tpu.memory_space<vmem>>
        %gather3A_468 = tpu.vector_load_idx %gather3A_467[%add3A_410, %add3A_462] : memref<128x128xf32, #tpu.memory_space<vmem>>[vector<16xi32>, vector<16xi32>], vector<16xf32>,
        %scatter3A_469 = arith.constant 1 : i32
        %scatter3A_470 = arith.constant 0 : i32
        %scatter3A_471 = arith.constant 0 : i32
        %scatter3A_472 = tpu.memref_slice %arg7[%scatter3A_469, %scatter3A_470, %scatter3A_471] : memref<4x64x128xf32, #tpu.memory_space<vmem>> -> memref<1x64x128xf32, #tpu.memory_space<vmem>>
        %scatter3A_473 = tpu.memref_squeeze %scatter3A_472 : memref<1x64x128xf32, #tpu.memory_space<vmem>> -> memref<64x128xf32, #tpu.memory_space<vmem>>
        tpu.vector_store_idx %scatter3A_473[%add3A_462, %add3A_410], %gather3A_468 : memref<64x128xf32, #tpu.memory_space<vmem>>[vector<16xi32>, vector<16xi32>], vector<16xf32>,
        %add3A_474 = vector.broadcast %mul3A_408 : i32 to vector<16xi32>
        %add3A_475 = arith.addi %and3A_35, %add3A_474 : vector<16xi32>
        %gather3A_476 = arith.constant 1 : i32
        %gather3A_477 = arith.constant 0 : i32
        %gather3A_478 = arith.constant 0 : i32
        %gather3A_479 = tpu.memref_slice %arg6[%gather3A_476, %gather3A_477, %gather3A_478] : memref<4x128x128xf32, #tpu.memory_space<vmem>> -> memref<1x128x128xf32, #tpu.memory_space<vmem>>
        %gather3A_480 = tpu.memref_squeeze %gather3A_479 : memref<1x128x128xf32, #tpu.memory_space<vmem>> -> memref<128x128xf32, #tpu.memory_space<vmem>>
        %gather3A_481 = tpu.vector_load_idx %gather3A_480[%add3A_410, %add3A_475] : memref<128x128xf32, #tpu.memory_space<vmem>>[vector<16xi32>, vector<16xi32>], vector<16xf32>,
        %scatter3A_482 = arith.constant 1 : i32
        %scatter3A_483 = arith.constant 0 : i32
        %scatter3A_484 = arith.constant 0 : i32
        %scatter3A_485 = tpu.memref_slice %arg7[%scatter3A_482, %scatter3A_483, %scatter3A_484] : memref<4x64x128xf32, #tpu.memory_space<vmem>> -> memref<1x64x128xf32, #tpu.memory_space<vmem>>
        %scatter3A_486 = tpu.memref_squeeze %scatter3A_485 : memref<1x64x128xf32, #tpu.memory_space<vmem>> -> memref<64x128xf32, #tpu.memory_space<vmem>>
        tpu.vector_store_idx %scatter3A_486[%add3A_475, %add3A_410], %gather3A_481 : memref<64x128xf32, #tpu.memory_space<vmem>>[vector<16xi32>, vector<16xi32>], vector<16xf32>,
        %add3A_487 = vector.broadcast %mul3A_408 : i32 to vector<16xi32>
        %add3A_488 = arith.addi %and3A_41, %add3A_487 : vector<16xi32>
        %gather3A_489 = arith.constant 1 : i32
        %gather3A_490 = arith.constant 0 : i32
        %gather3A_491 = arith.constant 0 : i32
        %gather3A_492 = tpu.memref_slice %arg6[%gather3A_489, %gather3A_490, %gather3A_491] : memref<4x128x128xf32, #tpu.memory_space<vmem>> -> memref<1x128x128xf32, #tpu.memory_space<vmem>>
        %gather3A_493 = tpu.memref_squeeze %gather3A_492 : memref<1x128x128xf32, #tpu.memory_space<vmem>> -> memref<128x128xf32, #tpu.memory_space<vmem>>
        %gather3A_494 = tpu.vector_load_idx %gather3A_493[%add3A_410, %add3A_488] : memref<128x128xf32, #tpu.memory_space<vmem>>[vector<16xi32>, vector<16xi32>], vector<16xf32>,
        %scatter3A_495 = arith.constant 1 : i32
        %scatter3A_496 = arith.constant 0 : i32
        %scatter3A_497 = arith.constant 0 : i32
        %scatter3A_498 = tpu.memref_slice %arg7[%scatter3A_495, %scatter3A_496, %scatter3A_497] : memref<4x64x128xf32, #tpu.memory_space<vmem>> -> memref<1x64x128xf32, #tpu.memory_space<vmem>>
        %scatter3A_499 = tpu.memref_squeeze %scatter3A_498 : memref<1x64x128xf32, #tpu.memory_space<vmem>> -> memref<64x128xf32, #tpu.memory_space<vmem>>
        tpu.vector_store_idx %scatter3A_499[%add3A_488, %add3A_410], %gather3A_494 : memref<64x128xf32, #tpu.memory_space<vmem>>[vector<16xi32>, vector<16xi32>], vector<16xf32>,
        %add3A_500 = vector.broadcast %mul3A_408 : i32 to vector<16xi32>
        %add3A_501 = arith.addi %and3A_47, %add3A_500 : vector<16xi32>
        %gather3A_502 = arith.constant 1 : i32
        %gather3A_503 = arith.constant 0 : i32
        %gather3A_504 = arith.constant 0 : i32
        %gather3A_505 = tpu.memref_slice %arg6[%gather3A_502, %gather3A_503, %gather3A_504] : memref<4x128x128xf32, #tpu.memory_space<vmem>> -> memref<1x128x128xf32, #tpu.memory_space<vmem>>
        %gather3A_506 = tpu.memref_squeeze %gather3A_505 : memref<1x128x128xf32, #tpu.memory_space<vmem>> -> memref<128x128xf32, #tpu.memory_space<vmem>>
        %gather3A_507 = tpu.vector_load_idx %gather3A_506[%add3A_410, %add3A_501] : memref<128x128xf32, #tpu.memory_space<vmem>>[vector<16xi32>, vector<16xi32>], vector<16xf32>,
        %scatter3A_508 = arith.constant 1 : i32
        %scatter3A_509 = arith.constant 0 : i32
        %scatter3A_510 = arith.constant 0 : i32
        %scatter3A_511 = tpu.memref_slice %arg7[%scatter3A_508, %scatter3A_509, %scatter3A_510] : memref<4x64x128xf32, #tpu.memory_space<vmem>> -> memref<1x64x128xf32, #tpu.memory_space<vmem>>
        %scatter3A_512 = tpu.memref_squeeze %scatter3A_511 : memref<1x64x128xf32, #tpu.memory_space<vmem>> -> memref<64x128xf32, #tpu.memory_space<vmem>>
        tpu.vector_store_idx %scatter3A_512[%add3A_501, %add3A_410], %gather3A_507 : memref<64x128xf32, #tpu.memory_space<vmem>>[vector<16xi32>, vector<16xi32>], vector<16xf32>,
        %add3A_513 = vector.broadcast %mul3A_408 : i32 to vector<16xi32>
        %add3A_514 = arith.addi %and3A_53, %add3A_513 : vector<16xi32>
        %gather3A_515 = arith.constant 1 : i32
        %gather3A_516 = arith.constant 0 : i32
        %gather3A_517 = arith.constant 0 : i32
        %gather3A_518 = tpu.memref_slice %arg6[%gather3A_515, %gather3A_516, %gather3A_517] : memref<4x128x128xf32, #tpu.memory_space<vmem>> -> memref<1x128x128xf32, #tpu.memory_space<vmem>>
        %gather3A_519 = tpu.memref_squeeze %gather3A_518 : memref<1x128x128xf32, #tpu.memory_space<vmem>> -> memref<128x128xf32, #tpu.memory_space<vmem>>
        %gather3A_520 = tpu.vector_load_idx %gather3A_519[%add3A_410, %add3A_514] : memref<128x128xf32, #tpu.memory_space<vmem>>[vector<16xi32>, vector<16xi32>], vector<16xf32>,
        %scatter3A_521 = arith.constant 1 : i32
        %scatter3A_522 = arith.constant 0 : i32
        %scatter3A_523 = arith.constant 0 : i32
        %scatter3A_524 = tpu.memref_slice %arg7[%scatter3A_521, %scatter3A_522, %scatter3A_523] : memref<4x64x128xf32, #tpu.memory_space<vmem>> -> memref<1x64x128xf32, #tpu.memory_space<vmem>>
        %scatter3A_525 = tpu.memref_squeeze %scatter3A_524 : memref<1x64x128xf32, #tpu.memory_space<vmem>> -> memref<64x128xf32, #tpu.memory_space<vmem>>
        tpu.vector_store_idx %scatter3A_525[%add3A_514, %add3A_410], %gather3A_520 : memref<64x128xf32, #tpu.memory_space<vmem>>[vector<16xi32>, vector<16xi32>], vector<16xf32>,
        %add3A_526 = vector.broadcast %mul3A_408 : i32 to vector<16xi32>
        %add3A_527 = arith.addi %and3A_59, %add3A_526 : vector<16xi32>
        %gather3A_528 = arith.constant 1 : i32
        %gather3A_529 = arith.constant 0 : i32
        %gather3A_530 = arith.constant 0 : i32
        %gather3A_531 = tpu.memref_slice %arg6[%gather3A_528, %gather3A_529, %gather3A_530] : memref<4x128x128xf32, #tpu.memory_space<vmem>> -> memref<1x128x128xf32, #tpu.memory_space<vmem>>
        %gather3A_532 = tpu.memref_squeeze %gather3A_531 : memref<1x128x128xf32, #tpu.memory_space<vmem>> -> memref<128x128xf32, #tpu.memory_space<vmem>>
        %gather3A_533 = tpu.vector_load_idx %gather3A_532[%add3A_410, %add3A_527] : memref<128x128xf32, #tpu.memory_space<vmem>>[vector<16xi32>, vector<16xi32>], vector<16xf32>,
        %scatter3A_534 = arith.constant 1 : i32
        %scatter3A_535 = arith.constant 0 : i32
        %scatter3A_536 = arith.constant 0 : i32
        %scatter3A_537 = tpu.memref_slice %arg7[%scatter3A_534, %scatter3A_535, %scatter3A_536] : memref<4x64x128xf32, #tpu.memory_space<vmem>> -> memref<1x64x128xf32, #tpu.memory_space<vmem>>
        %scatter3A_538 = tpu.memref_squeeze %scatter3A_537 : memref<1x64x128xf32, #tpu.memory_space<vmem>> -> memref<64x128xf32, #tpu.memory_space<vmem>>
        tpu.vector_store_idx %scatter3A_538[%add3A_527, %add3A_410], %gather3A_533 : memref<64x128xf32, #tpu.memory_space<vmem>>[vector<16xi32>, vector<16xi32>], vector<16xf32>,
        %add3A_539 = vector.broadcast %mul3A_408 : i32 to vector<16xi32>
        %add3A_540 = arith.addi %and3A_65, %add3A_539 : vector<16xi32>
        %gather3A_541 = arith.constant 1 : i32
        %gather3A_542 = arith.constant 0 : i32
        %gather3A_543 = arith.constant 0 : i32
        %gather3A_544 = tpu.memref_slice %arg6[%gather3A_541, %gather3A_542, %gather3A_543] : memref<4x128x128xf32, #tpu.memory_space<vmem>> -> memref<1x128x128xf32, #tpu.memory_space<vmem>>
        %gather3A_545 = tpu.memref_squeeze %gather3A_544 : memref<1x128x128xf32, #tpu.memory_space<vmem>> -> memref<128x128xf32, #tpu.memory_space<vmem>>
        %gather3A_546 = tpu.vector_load_idx %gather3A_545[%add3A_410, %add3A_540] : memref<128x128xf32, #tpu.memory_space<vmem>>[vector<16xi32>, vector<16xi32>], vector<16xf32>,
        %scatter3A_547 = arith.constant 1 : i32
        %scatter3A_548 = arith.constant 0 : i32
        %scatter3A_549 = arith.constant 0 : i32
        %scatter3A_550 = tpu.memref_slice %arg7[%scatter3A_547, %scatter3A_548, %scatter3A_549] : memref<4x64x128xf32, #tpu.memory_space<vmem>> -> memref<1x64x128xf32, #tpu.memory_space<vmem>>
        %scatter3A_551 = tpu.memref_squeeze %scatter3A_550 : memref<1x64x128xf32, #tpu.memory_space<vmem>> -> memref<64x128xf32, #tpu.memory_space<vmem>>
        tpu.vector_store_idx %scatter3A_551[%add3A_540, %add3A_410], %gather3A_546 : memref<64x128xf32, #tpu.memory_space<vmem>>[vector<16xi32>, vector<16xi32>], vector<16xf32>,
        %add3A_552 = vector.broadcast %mul3A_408 : i32 to vector<16xi32>
        %add3A_553 = arith.addi %and3A_71, %add3A_552 : vector<16xi32>
        %gather3A_554 = arith.constant 1 : i32
        %gather3A_555 = arith.constant 0 : i32
        %gather3A_556 = arith.constant 0 : i32
        %gather3A_557 = tpu.memref_slice %arg6[%gather3A_554, %gather3A_555, %gather3A_556] : memref<4x128x128xf32, #tpu.memory_space<vmem>> -> memref<1x128x128xf32, #tpu.memory_space<vmem>>
        %gather3A_558 = tpu.memref_squeeze %gather3A_557 : memref<1x128x128xf32, #tpu.memory_space<vmem>> -> memref<128x128xf32, #tpu.memory_space<vmem>>
        %gather3A_559 = tpu.vector_load_idx %gather3A_558[%add3A_410, %add3A_553] : memref<128x128xf32, #tpu.memory_space<vmem>>[vector<16xi32>, vector<16xi32>], vector<16xf32>,
        %scatter3A_560 = arith.constant 1 : i32
        %scatter3A_561 = arith.constant 0 : i32
        %scatter3A_562 = arith.constant 0 : i32
        %scatter3A_563 = tpu.memref_slice %arg7[%scatter3A_560, %scatter3A_561, %scatter3A_562] : memref<4x64x128xf32, #tpu.memory_space<vmem>> -> memref<1x64x128xf32, #tpu.memory_space<vmem>>
        %scatter3A_564 = tpu.memref_squeeze %scatter3A_563 : memref<1x64x128xf32, #tpu.memory_space<vmem>> -> memref<64x128xf32, #tpu.memory_space<vmem>>
        tpu.vector_store_idx %scatter3A_564[%add3A_553, %add3A_410], %gather3A_559 : memref<64x128xf32, #tpu.memory_space<vmem>>[vector<16xi32>, vector<16xi32>], vector<16xf32>,
        %add3A_565 = vector.broadcast %mul3A_408 : i32 to vector<16xi32>
        %add3A_566 = arith.addi %and3A_77, %add3A_565 : vector<16xi32>
        %gather3A_567 = arith.constant 1 : i32
        %gather3A_568 = arith.constant 0 : i32
        %gather3A_569 = arith.constant 0 : i32
        %gather3A_570 = tpu.memref_slice %arg6[%gather3A_567, %gather3A_568, %gather3A_569] : memref<4x128x128xf32, #tpu.memory_space<vmem>> -> memref<1x128x128xf32, #tpu.memory_space<vmem>>
        %gather3A_571 = tpu.memref_squeeze %gather3A_570 : memref<1x128x128xf32, #tpu.memory_space<vmem>> -> memref<128x128xf32, #tpu.memory_space<vmem>>
        %gather3A_572 = tpu.vector_load_idx %gather3A_571[%add3A_410, %add3A_566] : memref<128x128xf32, #tpu.memory_space<vmem>>[vector<16xi32>, vector<16xi32>], vector<16xf32>,
        %scatter3A_573 = arith.constant 1 : i32
        %scatter3A_574 = arith.constant 0 : i32
        %scatter3A_575 = arith.constant 0 : i32
        %scatter3A_576 = tpu.memref_slice %arg7[%scatter3A_573, %scatter3A_574, %scatter3A_575] : memref<4x64x128xf32, #tpu.memory_space<vmem>> -> memref<1x64x128xf32, #tpu.memory_space<vmem>>
        %scatter3A_577 = tpu.memref_squeeze %scatter3A_576 : memref<1x64x128xf32, #tpu.memory_space<vmem>> -> memref<64x128xf32, #tpu.memory_space<vmem>>
        tpu.vector_store_idx %scatter3A_577[%add3A_566, %add3A_410], %gather3A_572 : memref<64x128xf32, #tpu.memory_space<vmem>>[vector<16xi32>, vector<16xi32>], vector<16xf32>,
        %add3A_578 = vector.broadcast %mul3A_408 : i32 to vector<16xi32>
        %add3A_579 = arith.addi %and3A_83, %add3A_578 : vector<16xi32>
        %gather3A_580 = arith.constant 1 : i32
        %gather3A_581 = arith.constant 0 : i32
        %gather3A_582 = arith.constant 0 : i32
        %gather3A_583 = tpu.memref_slice %arg6[%gather3A_580, %gather3A_581, %gather3A_582] : memref<4x128x128xf32, #tpu.memory_space<vmem>> -> memref<1x128x128xf32, #tpu.memory_space<vmem>>
        %gather3A_584 = tpu.memref_squeeze %gather3A_583 : memref<1x128x128xf32, #tpu.memory_space<vmem>> -> memref<128x128xf32, #tpu.memory_space<vmem>>
        %gather3A_585 = tpu.vector_load_idx %gather3A_584[%add3A_410, %add3A_579] : memref<128x128xf32, #tpu.memory_space<vmem>>[vector<16xi32>, vector<16xi32>], vector<16xf32>,
        %scatter3A_586 = arith.constant 1 : i32
        %scatter3A_587 = arith.constant 0 : i32
        %scatter3A_588 = arith.constant 0 : i32
        %scatter3A_589 = tpu.memref_slice %arg7[%scatter3A_586, %scatter3A_587, %scatter3A_588] : memref<4x64x128xf32, #tpu.memory_space<vmem>> -> memref<1x64x128xf32, #tpu.memory_space<vmem>>
        %scatter3A_590 = tpu.memref_squeeze %scatter3A_589 : memref<1x64x128xf32, #tpu.memory_space<vmem>> -> memref<64x128xf32, #tpu.memory_space<vmem>>
        tpu.vector_store_idx %scatter3A_590[%add3A_579, %add3A_410], %gather3A_585 : memref<64x128xf32, #tpu.memory_space<vmem>>[vector<16xi32>, vector<16xi32>], vector<16xf32>,
        %add3A_591 = vector.broadcast %mul3A_408 : i32 to vector<16xi32>
        %add3A_592 = arith.addi %and3A_89, %add3A_591 : vector<16xi32>
        %gather3A_593 = arith.constant 1 : i32
        %gather3A_594 = arith.constant 0 : i32
        %gather3A_595 = arith.constant 0 : i32
        %gather3A_596 = tpu.memref_slice %arg6[%gather3A_593, %gather3A_594, %gather3A_595] : memref<4x128x128xf32, #tpu.memory_space<vmem>> -> memref<1x128x128xf32, #tpu.memory_space<vmem>>
        %gather3A_597 = tpu.memref_squeeze %gather3A_596 : memref<1x128x128xf32, #tpu.memory_space<vmem>> -> memref<128x128xf32, #tpu.memory_space<vmem>>
        %gather3A_598 = tpu.vector_load_idx %gather3A_597[%add3A_410, %add3A_592] : memref<128x128xf32, #tpu.memory_space<vmem>>[vector<16xi32>, vector<16xi32>], vector<16xf32>,
        %scatter3A_599 = arith.constant 1 : i32
        %scatter3A_600 = arith.constant 0 : i32
        %scatter3A_601 = arith.constant 0 : i32
        %scatter3A_602 = tpu.memref_slice %arg7[%scatter3A_599, %scatter3A_600, %scatter3A_601] : memref<4x64x128xf32, #tpu.memory_space<vmem>> -> memref<1x64x128xf32, #tpu.memory_space<vmem>>
        %scatter3A_603 = tpu.memref_squeeze %scatter3A_602 : memref<1x64x128xf32, #tpu.memory_space<vmem>> -> memref<64x128xf32, #tpu.memory_space<vmem>>
        tpu.vector_store_idx %scatter3A_603[%add3A_592, %add3A_410], %gather3A_598 : memref<64x128xf32, #tpu.memory_space<vmem>>[vector<16xi32>, vector<16xi32>], vector<16xf32>,
        %add3A_604 = vector.broadcast %mul3A_408 : i32 to vector<16xi32>
        %add3A_605 = arith.addi %and3A_95, %add3A_604 : vector<16xi32>
        %gather3A_606 = arith.constant 1 : i32
        %gather3A_607 = arith.constant 0 : i32
        %gather3A_608 = arith.constant 0 : i32
        %gather3A_609 = tpu.memref_slice %arg6[%gather3A_606, %gather3A_607, %gather3A_608] : memref<4x128x128xf32, #tpu.memory_space<vmem>> -> memref<1x128x128xf32, #tpu.memory_space<vmem>>
        %gather3A_610 = tpu.memref_squeeze %gather3A_609 : memref<1x128x128xf32, #tpu.memory_space<vmem>> -> memref<128x128xf32, #tpu.memory_space<vmem>>
        %gather3A_611 = tpu.vector_load_idx %gather3A_610[%add3A_410, %add3A_605] : memref<128x128xf32, #tpu.memory_space<vmem>>[vector<16xi32>, vector<16xi32>], vector<16xf32>,
        %scatter3A_612 = arith.constant 1 : i32
        %scatter3A_613 = arith.constant 0 : i32
        %scatter3A_614 = arith.constant 0 : i32
        %scatter3A_615 = tpu.memref_slice %arg7[%scatter3A_612, %scatter3A_613, %scatter3A_614] : memref<4x64x128xf32, #tpu.memory_space<vmem>> -> memref<1x64x128xf32, #tpu.memory_space<vmem>>
        %scatter3A_616 = tpu.memref_squeeze %scatter3A_615 : memref<1x64x128xf32, #tpu.memory_space<vmem>> -> memref<64x128xf32, #tpu.memory_space<vmem>>
        tpu.vector_store_idx %scatter3A_616[%add3A_605, %add3A_410], %gather3A_611 : memref<64x128xf32, #tpu.memory_space<vmem>>[vector<16xi32>, vector<16xi32>], vector<16xf32>,
      }
      %scan3A_307 = arith.constant 32 : i32
      %mul3A_308 = arith.constant 128 : i32
      %mul3A_309 = arith.muli %add3A, %mul3A_308 : i32
      %dma_start3A_310 = arith.constant 1 : i32
      %dma_start3A_311 = arith.constant 0 : i32
      %dma_start3A_312 = arith.constant 0 : i32
      %dma_start3A_313 = tpu.memref_slice %arg7[%dma_start3A_310, %dma_start3A_311, %dma_start3A_312] : memref<4x64x128xf32, #tpu.memory_space<vmem>> -> memref<1x64x128xf32, #tpu.memory_space<vmem>>
      %dma_start3A_314 = tpu.memref_squeeze %dma_start3A_313 : memref<1x64x128xf32, #tpu.memory_space<vmem>> -> memref<64x128xf32, #tpu.memory_space<vmem>>
      %dma_start3A_315 = arith.constant 0 : i32
      %dma_start3A_316 = tpu.memref_slice %arg4[%add3A_290, %dma_start3A_315, %mul3A_309] : memref<200x64x4096xf32, #tpu.memory_space<hbm>> -> memref<1x64x128xf32, #tpu.memory_space<hbm>>
      %dma_start3A_317 = tpu.memref_squeeze %dma_start3A_316 : memref<1x64x128xf32, #tpu.memory_space<hbm>> -> memref<64x128xf32, #tpu.memory_space<hbm>>
      %dma_start3A_318 = arith.constant 0 : i32
      %dma_start3A_319 = tpu.memref_slice %arg4[%add3A_290, %dma_start3A_318, %mul3A_309] : memref<200x64x4096xf32, #tpu.memory_space<hbm>> -> memref<1x64x128xf32, #tpu.memory_space<hbm>>
      %dma_start3A_320 = tpu.memref_squeeze %dma_start3A_319 : memref<1x64x128xf32, #tpu.memory_space<hbm>> -> memref<64x128xf32, #tpu.memory_space<hbm>>
      %dma_start3A_321 = arith.constant 0 : i32
      %dma_start3A_322 = arith.constant 0 : i32
      %dma_start3A_323 = tpu.memref_slice %arg7[%dma_start3A_310, %dma_start3A_321, %dma_start3A_322] : memref<4x64x128xf32, #tpu.memory_space<vmem>> -> memref<1x64x128xf32, #tpu.memory_space<vmem>>
      %dma_start3A_324 = tpu.memref_squeeze %dma_start3A_323 : memref<1x64x128xf32, #tpu.memory_space<vmem>> -> memref<64x128xf32, #tpu.memory_space<vmem>>
      tpu.enqueue_dma source(%dma_start3A_324 : memref<64x128xf32, #tpu.memory_space<vmem>>) target(%dma_start3A_320 : memref<64x128xf32, #tpu.memory_space<hbm>>) target_semaphore(%arg13 : memref<!tpu.dma_semaphore, #tpu.memory_space<semaphore_mem>>)
      %mul3A_325 = arith.constant 4 : i32
      %mul3A_326 = arith.muli %scan3A_172, %mul3A_325 : i32
      %add3A_327 = arith.constant 2 : i32
      %add3A_328 = arith.addi %mul3A_326, %add3A_327 : i32
      %dma_wait3A_329 = arith.constant 2 : i32
      %dma_wait3A_330 = arith.constant 0 : i32
      %dma_wait3A_331 = arith.constant 0 : i32
      %dma_wait3A_332 = tpu.memref_slice %arg6[%dma_wait3A_329, %dma_wait3A_330, %dma_wait3A_331] : memref<4x128x128xf32, #tpu.memory_space<vmem>> -> memref<1x128x128xf32, #tpu.memory_space<vmem>>
      %dma_wait3A_333 = tpu.memref_squeeze %dma_wait3A_332 : memref<1x128x128xf32, #tpu.memory_space<vmem>> -> memref<128x128xf32, #tpu.memory_space<vmem>>
      %dma_wait3A_334 = arith.constant 0 : i32
      %dma_wait3A_335 = tpu.memref_slice %arg5[%add3A_328, %dma_wait3A_334] : memref<200x128xi32, #tpu.memory_space<vmem>> -> memref<1x128xi32, #tpu.memory_space<vmem>>
      %dma_wait3A_336 = tpu.memref_squeeze %dma_wait3A_335 : memref<1x128xi32, #tpu.memory_space<vmem>> -> memref<128xi32, #tpu.memory_space<vmem>>
      %dma_wait3A_337 = arith.constant 0 : i32
      %dma_wait3A_338 = arith.constant 0 : i32
      %dma_wait3A_339 = tpu.memref_slice %arg3[%dma_wait3A_337, %dma_wait3A_338] : memref<28996x128xf32, #tpu.memory_space<hbm>> -> memref<28996x128xf32, #tpu.memory_space<hbm>>
      tpu.wait_indirect_dma semaphore(%arg10 : memref<!tpu.dma_semaphore, #tpu.memory_space<semaphore_mem>>) src(%dma_wait3A_339 : memref<28996x128xf32, #tpu.memory_space<hbm>>) dst(%dma_wait3A_333 : memref<128x128xf32, #tpu.memory_space<vmem>>)
      %scan3A_340 = arith.constant 0 : i32
      %scan3A_341 = arith.constant 0 : i32
      %scan3A_342 = arith.constant 32 : i32
      %scan3A_343 = arith.addi %scan3A_341, %scan3A_342 : i32
      %scan3A_344 = arith.constant 1 : i32
      scf.for %scan3A_401 = %scan3A_341 to %scan3A_343 step %scan3A_344  : i32 {
        %shift_right_arithmetic3A = arith.constant 2 : i32
        %shift_right_arithmetic3A_402 = arith.shrsi %scan3A_401, %shift_right_arithmetic3A : i32
        %mul3A_403 = arith.constant 16 : i32
        %mul3A_404 = arith.muli %shift_right_arithmetic3A_402, %mul3A_403 : i32
        %and3A_405 = arith.constant 3 : i32
        %and3A_406 = arith.andi %scan3A_401, %and3A_405 : i32
        %mul3A_407 = arith.constant 16 : i32
        %mul3A_408 = arith.muli %and3A_406, %mul3A_407 : i32
        %add3A_409 = vector.broadcast %mul3A_404 : i32 to vector<16xi32>
        %add3A_410 = arith.addi %iota3A, %add3A_409 : vector<16xi32>
        %add3A_411 = vector.broadcast %mul3A_408 : i32 to vector<16xi32>
        %add3A_412 = arith.addi %and3A_5, %add3A_411 : vector<16xi32>
        %gather3A = arith.constant 2 : i32
        %gather3A_413 = arith.constant 0 : i32
        %gather3A_414 = arith.constant 0 : i32
        %gather3A_415 = tpu.memref_slice %arg6[%gather3A, %gather3A_413, %gather3A_414] : memref<4x128x128xf32, #tpu.memory_space<vmem>> -> memref<1x128x128xf32, #tpu.memory_space<vmem>>
        %gather3A_416 = tpu.memref_squeeze %gather3A_415 : memref<1x128x128xf32, #tpu.memory_space<vmem>> -> memref<128x128xf32, #tpu.memory_space<vmem>>
        %gather3A_417 = tpu.vector_load_idx %gather3A_416[%add3A_410, %add3A_412] : memref<128x128xf32, #tpu.memory_space<vmem>>[vector<16xi32>, vector<16xi32>], vector<16xf32>,
        %scatter3A = arith.constant 2 : i32
        %scatter3A_418 = arith.constant 0 : i32
        %scatter3A_419 = arith.constant 0 : i32
        %scatter3A_420 = tpu.memref_slice %arg7[%scatter3A, %scatter3A_418, %scatter3A_419] : memref<4x64x128xf32, #tpu.memory_space<vmem>> -> memref<1x64x128xf32, #tpu.memory_space<vmem>>
        %scatter3A_421 = tpu.memref_squeeze %scatter3A_420 : memref<1x64x128xf32, #tpu.memory_space<vmem>> -> memref<64x128xf32, #tpu.memory_space<vmem>>
        tpu.vector_store_idx %scatter3A_421[%add3A_412, %add3A_410], %gather3A_417 : memref<64x128xf32, #tpu.memory_space<vmem>>[vector<16xi32>, vector<16xi32>], vector<16xf32>,
        %add3A_422 = vector.broadcast %mul3A_408 : i32 to vector<16xi32>
        %add3A_423 = arith.addi %and3A_11, %add3A_422 : vector<16xi32>
        %gather3A_424 = arith.constant 2 : i32
        %gather3A_425 = arith.constant 0 : i32
        %gather3A_426 = arith.constant 0 : i32
        %gather3A_427 = tpu.memref_slice %arg6[%gather3A_424, %gather3A_425, %gather3A_426] : memref<4x128x128xf32, #tpu.memory_space<vmem>> -> memref<1x128x128xf32, #tpu.memory_space<vmem>>
        %gather3A_428 = tpu.memref_squeeze %gather3A_427 : memref<1x128x128xf32, #tpu.memory_space<vmem>> -> memref<128x128xf32, #tpu.memory_space<vmem>>
        %gather3A_429 = tpu.vector_load_idx %gather3A_428[%add3A_410, %add3A_423] : memref<128x128xf32, #tpu.memory_space<vmem>>[vector<16xi32>, vector<16xi32>], vector<16xf32>,
        %scatter3A_430 = arith.constant 2 : i32
        %scatter3A_431 = arith.constant 0 : i32
        %scatter3A_432 = arith.constant 0 : i32
        %scatter3A_433 = tpu.memref_slice %arg7[%scatter3A_430, %scatter3A_431, %scatter3A_432] : memref<4x64x128xf32, #tpu.memory_space<vmem>> -> memref<1x64x128xf32, #tpu.memory_space<vmem>>
        %scatter3A_434 = tpu.memref_squeeze %scatter3A_433 : memref<1x64x128xf32, #tpu.memory_space<vmem>> -> memref<64x128xf32, #tpu.memory_space<vmem>>
        tpu.vector_store_idx %scatter3A_434[%add3A_423, %add3A_410], %gather3A_429 : memref<64x128xf32, #tpu.memory_space<vmem>>[vector<16xi32>, vector<16xi32>], vector<16xf32>,
        %add3A_435 = vector.broadcast %mul3A_408 : i32 to vector<16xi32>
        %add3A_436 = arith.addi %and3A_17, %add3A_435 : vector<16xi32>
        %gather3A_437 = arith.constant 2 : i32
        %gather3A_438 = arith.constant 0 : i32
        %gather3A_439 = arith.constant 0 : i32
        %gather3A_440 = tpu.memref_slice %arg6[%gather3A_437, %gather3A_438, %gather3A_439] : memref<4x128x128xf32, #tpu.memory_space<vmem>> -> memref<1x128x128xf32, #tpu.memory_space<vmem>>
        %gather3A_441 = tpu.memref_squeeze %gather3A_440 : memref<1x128x128xf32, #tpu.memory_space<vmem>> -> memref<128x128xf32, #tpu.memory_space<vmem>>
        %gather3A_442 = tpu.vector_load_idx %gather3A_441[%add3A_410, %add3A_436] : memref<128x128xf32, #tpu.memory_space<vmem>>[vector<16xi32>, vector<16xi32>], vector<16xf32>,
        %scatter3A_443 = arith.constant 2 : i32
        %scatter3A_444 = arith.constant 0 : i32
        %scatter3A_445 = arith.constant 0 : i32
        %scatter3A_446 = tpu.memref_slice %arg7[%scatter3A_443, %scatter3A_444, %scatter3A_445] : memref<4x64x128xf32, #tpu.memory_space<vmem>> -> memref<1x64x128xf32, #tpu.memory_space<vmem>>
        %scatter3A_447 = tpu.memref_squeeze %scatter3A_446 : memref<1x64x128xf32, #tpu.memory_space<vmem>> -> memref<64x128xf32, #tpu.memory_space<vmem>>
        tpu.vector_store_idx %scatter3A_447[%add3A_436, %add3A_410], %gather3A_442 : memref<64x128xf32, #tpu.memory_space<vmem>>[vector<16xi32>, vector<16xi32>], vector<16xf32>,
        %add3A_448 = vector.broadcast %mul3A_408 : i32 to vector<16xi32>
        %add3A_449 = arith.addi %and3A_23, %add3A_448 : vector<16xi32>
        %gather3A_450 = arith.constant 2 : i32
        %gather3A_451 = arith.constant 0 : i32
        %gather3A_452 = arith.constant 0 : i32
        %gather3A_453 = tpu.memref_slice %arg6[%gather3A_450, %gather3A_451, %gather3A_452] : memref<4x128x128xf32, #tpu.memory_space<vmem>> -> memref<1x128x128xf32, #tpu.memory_space<vmem>>
        %gather3A_454 = tpu.memref_squeeze %gather3A_453 : memref<1x128x128xf32, #tpu.memory_space<vmem>> -> memref<128x128xf32, #tpu.memory_space<vmem>>
        %gather3A_455 = tpu.vector_load_idx %gather3A_454[%add3A_410, %add3A_449] : memref<128x128xf32, #tpu.memory_space<vmem>>[vector<16xi32>, vector<16xi32>], vector<16xf32>,
        %scatter3A_456 = arith.constant 2 : i32
        %scatter3A_457 = arith.constant 0 : i32
        %scatter3A_458 = arith.constant 0 : i32
        %scatter3A_459 = tpu.memref_slice %arg7[%scatter3A_456, %scatter3A_457, %scatter3A_458] : memref<4x64x128xf32, #tpu.memory_space<vmem>> -> memref<1x64x128xf32, #tpu.memory_space<vmem>>
        %scatter3A_460 = tpu.memref_squeeze %scatter3A_459 : memref<1x64x128xf32, #tpu.memory_space<vmem>> -> memref<64x128xf32, #tpu.memory_space<vmem>>
        tpu.vector_store_idx %scatter3A_460[%add3A_449, %add3A_410], %gather3A_455 : memref<64x128xf32, #tpu.memory_space<vmem>>[vector<16xi32>, vector<16xi32>], vector<16xf32>,
        %add3A_461 = vector.broadcast %mul3A_408 : i32 to vector<16xi32>
        %add3A_462 = arith.addi %and3A_29, %add3A_461 : vector<16xi32>
        %gather3A_463 = arith.constant 2 : i32
        %gather3A_464 = arith.constant 0 : i32
        %gather3A_465 = arith.constant 0 : i32
        %gather3A_466 = tpu.memref_slice %arg6[%gather3A_463, %gather3A_464, %gather3A_465] : memref<4x128x128xf32, #tpu.memory_space<vmem>> -> memref<1x128x128xf32, #tpu.memory_space<vmem>>
        %gather3A_467 = tpu.memref_squeeze %gather3A_466 : memref<1x128x128xf32, #tpu.memory_space<vmem>> -> memref<128x128xf32, #tpu.memory_space<vmem>>
        %gather3A_468 = tpu.vector_load_idx %gather3A_467[%add3A_410, %add3A_462] : memref<128x128xf32, #tpu.memory_space<vmem>>[vector<16xi32>, vector<16xi32>], vector<16xf32>,
        %scatter3A_469 = arith.constant 2 : i32
        %scatter3A_470 = arith.constant 0 : i32
        %scatter3A_471 = arith.constant 0 : i32
        %scatter3A_472 = tpu.memref_slice %arg7[%scatter3A_469, %scatter3A_470, %scatter3A_471] : memref<4x64x128xf32, #tpu.memory_space<vmem>> -> memref<1x64x128xf32, #tpu.memory_space<vmem>>
        %scatter3A_473 = tpu.memref_squeeze %scatter3A_472 : memref<1x64x128xf32, #tpu.memory_space<vmem>> -> memref<64x128xf32, #tpu.memory_space<vmem>>
        tpu.vector_store_idx %scatter3A_473[%add3A_462, %add3A_410], %gather3A_468 : memref<64x128xf32, #tpu.memory_space<vmem>>[vector<16xi32>, vector<16xi32>], vector<16xf32>,
        %add3A_474 = vector.broadcast %mul3A_408 : i32 to vector<16xi32>
        %add3A_475 = arith.addi %and3A_35, %add3A_474 : vector<16xi32>
        %gather3A_476 = arith.constant 2 : i32
        %gather3A_477 = arith.constant 0 : i32
        %gather3A_478 = arith.constant 0 : i32
        %gather3A_479 = tpu.memref_slice %arg6[%gather3A_476, %gather3A_477, %gather3A_478] : memref<4x128x128xf32, #tpu.memory_space<vmem>> -> memref<1x128x128xf32, #tpu.memory_space<vmem>>
        %gather3A_480 = tpu.memref_squeeze %gather3A_479 : memref<1x128x128xf32, #tpu.memory_space<vmem>> -> memref<128x128xf32, #tpu.memory_space<vmem>>
        %gather3A_481 = tpu.vector_load_idx %gather3A_480[%add3A_410, %add3A_475] : memref<128x128xf32, #tpu.memory_space<vmem>>[vector<16xi32>, vector<16xi32>], vector<16xf32>,
        %scatter3A_482 = arith.constant 2 : i32
        %scatter3A_483 = arith.constant 0 : i32
        %scatter3A_484 = arith.constant 0 : i32
        %scatter3A_485 = tpu.memref_slice %arg7[%scatter3A_482, %scatter3A_483, %scatter3A_484] : memref<4x64x128xf32, #tpu.memory_space<vmem>> -> memref<1x64x128xf32, #tpu.memory_space<vmem>>
        %scatter3A_486 = tpu.memref_squeeze %scatter3A_485 : memref<1x64x128xf32, #tpu.memory_space<vmem>> -> memref<64x128xf32, #tpu.memory_space<vmem>>
        tpu.vector_store_idx %scatter3A_486[%add3A_475, %add3A_410], %gather3A_481 : memref<64x128xf32, #tpu.memory_space<vmem>>[vector<16xi32>, vector<16xi32>], vector<16xf32>,
        %add3A_487 = vector.broadcast %mul3A_408 : i32 to vector<16xi32>
        %add3A_488 = arith.addi %and3A_41, %add3A_487 : vector<16xi32>
        %gather3A_489 = arith.constant 2 : i32
        %gather3A_490 = arith.constant 0 : i32
        %gather3A_491 = arith.constant 0 : i32
        %gather3A_492 = tpu.memref_slice %arg6[%gather3A_489, %gather3A_490, %gather3A_491] : memref<4x128x128xf32, #tpu.memory_space<vmem>> -> memref<1x128x128xf32, #tpu.memory_space<vmem>>
        %gather3A_493 = tpu.memref_squeeze %gather3A_492 : memref<1x128x128xf32, #tpu.memory_space<vmem>> -> memref<128x128xf32, #tpu.memory_space<vmem>>
        %gather3A_494 = tpu.vector_load_idx %gather3A_493[%add3A_410, %add3A_488] : memref<128x128xf32, #tpu.memory_space<vmem>>[vector<16xi32>, vector<16xi32>], vector<16xf32>,
        %scatter3A_495 = arith.constant 2 : i32
        %scatter3A_496 = arith.constant 0 : i32
        %scatter3A_497 = arith.constant 0 : i32
        %scatter3A_498 = tpu.memref_slice %arg7[%scatter3A_495, %scatter3A_496, %scatter3A_497] : memref<4x64x128xf32, #tpu.memory_space<vmem>> -> memref<1x64x128xf32, #tpu.memory_space<vmem>>
        %scatter3A_499 = tpu.memref_squeeze %scatter3A_498 : memref<1x64x128xf32, #tpu.memory_space<vmem>> -> memref<64x128xf32, #tpu.memory_space<vmem>>
        tpu.vector_store_idx %scatter3A_499[%add3A_488, %add3A_410], %gather3A_494 : memref<64x128xf32, #tpu.memory_space<vmem>>[vector<16xi32>, vector<16xi32>], vector<16xf32>,
        %add3A_500 = vector.broadcast %mul3A_408 : i32 to vector<16xi32>
        %add3A_501 = arith.addi %and3A_47, %add3A_500 : vector<16xi32>
        %gather3A_502 = arith.constant 2 : i32
        %gather3A_503 = arith.constant 0 : i32
        %gather3A_504 = arith.constant 0 : i32
        %gather3A_505 = tpu.memref_slice %arg6[%gather3A_502, %gather3A_503, %gather3A_504] : memref<4x128x128xf32, #tpu.memory_space<vmem>> -> memref<1x128x128xf32, #tpu.memory_space<vmem>>
        %gather3A_506 = tpu.memref_squeeze %gather3A_505 : memref<1x128x128xf32, #tpu.memory_space<vmem>> -> memref<128x128xf32, #tpu.memory_space<vmem>>
        %gather3A_507 = tpu.vector_load_idx %gather3A_506[%add3A_410, %add3A_501] : memref<128x128xf32, #tpu.memory_space<vmem>>[vector<16xi32>, vector<16xi32>], vector<16xf32>,
        %scatter3A_508 = arith.constant 2 : i32
        %scatter3A_509 = arith.constant 0 : i32
        %scatter3A_510 = arith.constant 0 : i32
        %scatter3A_511 = tpu.memref_slice %arg7[%scatter3A_508, %scatter3A_509, %scatter3A_510] : memref<4x64x128xf32, #tpu.memory_space<vmem>> -> memref<1x64x128xf32, #tpu.memory_space<vmem>>
        %scatter3A_512 = tpu.memref_squeeze %scatter3A_511 : memref<1x64x128xf32, #tpu.memory_space<vmem>> -> memref<64x128xf32, #tpu.memory_space<vmem>>
        tpu.vector_store_idx %scatter3A_512[%add3A_501, %add3A_410], %gather3A_507 : memref<64x128xf32, #tpu.memory_space<vmem>>[vector<16xi32>, vector<16xi32>], vector<16xf32>,
        %add3A_513 = vector.broadcast %mul3A_408 : i32 to vector<16xi32>
        %add3A_514 = arith.addi %and3A_53, %add3A_513 : vector<16xi32>
        %gather3A_515 = arith.constant 2 : i32
        %gather3A_516 = arith.constant 0 : i32
        %gather3A_517 = arith.constant 0 : i32
        %gather3A_518 = tpu.memref_slice %arg6[%gather3A_515, %gather3A_516, %gather3A_517] : memref<4x128x128xf32, #tpu.memory_space<vmem>> -> memref<1x128x128xf32, #tpu.memory_space<vmem>>
        %gather3A_519 = tpu.memref_squeeze %gather3A_518 : memref<1x128x128xf32, #tpu.memory_space<vmem>> -> memref<128x128xf32, #tpu.memory_space<vmem>>
        %gather3A_520 = tpu.vector_load_idx %gather3A_519[%add3A_410, %add3A_514] : memref<128x128xf32, #tpu.memory_space<vmem>>[vector<16xi32>, vector<16xi32>], vector<16xf32>,
        %scatter3A_521 = arith.constant 2 : i32
        %scatter3A_522 = arith.constant 0 : i32
        %scatter3A_523 = arith.constant 0 : i32
        %scatter3A_524 = tpu.memref_slice %arg7[%scatter3A_521, %scatter3A_522, %scatter3A_523] : memref<4x64x128xf32, #tpu.memory_space<vmem>> -> memref<1x64x128xf32, #tpu.memory_space<vmem>>
        %scatter3A_525 = tpu.memref_squeeze %scatter3A_524 : memref<1x64x128xf32, #tpu.memory_space<vmem>> -> memref<64x128xf32, #tpu.memory_space<vmem>>
        tpu.vector_store_idx %scatter3A_525[%add3A_514, %add3A_410], %gather3A_520 : memref<64x128xf32, #tpu.memory_space<vmem>>[vector<16xi32>, vector<16xi32>], vector<16xf32>,
        %add3A_526 = vector.broadcast %mul3A_408 : i32 to vector<16xi32>
        %add3A_527 = arith.addi %and3A_59, %add3A_526 : vector<16xi32>
        %gather3A_528 = arith.constant 2 : i32
        %gather3A_529 = arith.constant 0 : i32
        %gather3A_530 = arith.constant 0 : i32
        %gather3A_531 = tpu.memref_slice %arg6[%gather3A_528, %gather3A_529, %gather3A_530] : memref<4x128x128xf32, #tpu.memory_space<vmem>> -> memref<1x128x128xf32, #tpu.memory_space<vmem>>
        %gather3A_532 = tpu.memref_squeeze %gather3A_531 : memref<1x128x128xf32, #tpu.memory_space<vmem>> -> memref<128x128xf32, #tpu.memory_space<vmem>>
        %gather3A_533 = tpu.vector_load_idx %gather3A_532[%add3A_410, %add3A_527] : memref<128x128xf32, #tpu.memory_space<vmem>>[vector<16xi32>, vector<16xi32>], vector<16xf32>,
        %scatter3A_534 = arith.constant 2 : i32
        %scatter3A_535 = arith.constant 0 : i32
        %scatter3A_536 = arith.constant 0 : i32
        %scatter3A_537 = tpu.memref_slice %arg7[%scatter3A_534, %scatter3A_535, %scatter3A_536] : memref<4x64x128xf32, #tpu.memory_space<vmem>> -> memref<1x64x128xf32, #tpu.memory_space<vmem>>
        %scatter3A_538 = tpu.memref_squeeze %scatter3A_537 : memref<1x64x128xf32, #tpu.memory_space<vmem>> -> memref<64x128xf32, #tpu.memory_space<vmem>>
        tpu.vector_store_idx %scatter3A_538[%add3A_527, %add3A_410], %gather3A_533 : memref<64x128xf32, #tpu.memory_space<vmem>>[vector<16xi32>, vector<16xi32>], vector<16xf32>,
        %add3A_539 = vector.broadcast %mul3A_408 : i32 to vector<16xi32>
        %add3A_540 = arith.addi %and3A_65, %add3A_539 : vector<16xi32>
        %gather3A_541 = arith.constant 2 : i32
        %gather3A_542 = arith.constant 0 : i32
        %gather3A_543 = arith.constant 0 : i32
        %gather3A_544 = tpu.memref_slice %arg6[%gather3A_541, %gather3A_542, %gather3A_543] : memref<4x128x128xf32, #tpu.memory_space<vmem>> -> memref<1x128x128xf32, #tpu.memory_space<vmem>>
        %gather3A_545 = tpu.memref_squeeze %gather3A_544 : memref<1x128x128xf32, #tpu.memory_space<vmem>> -> memref<128x128xf32, #tpu.memory_space<vmem>>
        %gather3A_546 = tpu.vector_load_idx %gather3A_545[%add3A_410, %add3A_540] : memref<128x128xf32, #tpu.memory_space<vmem>>[vector<16xi32>, vector<16xi32>], vector<16xf32>,
        %scatter3A_547 = arith.constant 2 : i32
        %scatter3A_548 = arith.constant 0 : i32
        %scatter3A_549 = arith.constant 0 : i32
        %scatter3A_550 = tpu.memref_slice %arg7[%scatter3A_547, %scatter3A_548, %scatter3A_549] : memref<4x64x128xf32, #tpu.memory_space<vmem>> -> memref<1x64x128xf32, #tpu.memory_space<vmem>>
        %scatter3A_551 = tpu.memref_squeeze %scatter3A_550 : memref<1x64x128xf32, #tpu.memory_space<vmem>> -> memref<64x128xf32, #tpu.memory_space<vmem>>
        tpu.vector_store_idx %scatter3A_551[%add3A_540, %add3A_410], %gather3A_546 : memref<64x128xf32, #tpu.memory_space<vmem>>[vector<16xi32>, vector<16xi32>], vector<16xf32>,
        %add3A_552 = vector.broadcast %mul3A_408 : i32 to vector<16xi32>
        %add3A_553 = arith.addi %and3A_71, %add3A_552 : vector<16xi32>
        %gather3A_554 = arith.constant 2 : i32
        %gather3A_555 = arith.constant 0 : i32
        %gather3A_556 = arith.constant 0 : i32
        %gather3A_557 = tpu.memref_slice %arg6[%gather3A_554, %gather3A_555, %gather3A_556] : memref<4x128x128xf32, #tpu.memory_space<vmem>> -> memref<1x128x128xf32, #tpu.memory_space<vmem>>
        %gather3A_558 = tpu.memref_squeeze %gather3A_557 : memref<1x128x128xf32, #tpu.memory_space<vmem>> -> memref<128x128xf32, #tpu.memory_space<vmem>>
        %gather3A_559 = tpu.vector_load_idx %gather3A_558[%add3A_410, %add3A_553] : memref<128x128xf32, #tpu.memory_space<vmem>>[vector<16xi32>, vector<16xi32>], vector<16xf32>,
        %scatter3A_560 = arith.constant 2 : i32
        %scatter3A_561 = arith.constant 0 : i32
        %scatter3A_562 = arith.constant 0 : i32
        %scatter3A_563 = tpu.memref_slice %arg7[%scatter3A_560, %scatter3A_561, %scatter3A_562] : memref<4x64x128xf32, #tpu.memory_space<vmem>> -> memref<1x64x128xf32, #tpu.memory_space<vmem>>
        %scatter3A_564 = tpu.memref_squeeze %scatter3A_563 : memref<1x64x128xf32, #tpu.memory_space<vmem>> -> memref<64x128xf32, #tpu.memory_space<vmem>>
        tpu.vector_store_idx %scatter3A_564[%add3A_553, %add3A_410], %gather3A_559 : memref<64x128xf32, #tpu.memory_space<vmem>>[vector<16xi32>, vector<16xi32>], vector<16xf32>,
        %add3A_565 = vector.broadcast %mul3A_408 : i32 to vector<16xi32>
        %add3A_566 = arith.addi %and3A_77, %add3A_565 : vector<16xi32>
        %gather3A_567 = arith.constant 2 : i32
        %gather3A_568 = arith.constant 0 : i32
        %gather3A_569 = arith.constant 0 : i32
        %gather3A_570 = tpu.memref_slice %arg6[%gather3A_567, %gather3A_568, %gather3A_569] : memref<4x128x128xf32, #tpu.memory_space<vmem>> -> memref<1x128x128xf32, #tpu.memory_space<vmem>>
        %gather3A_571 = tpu.memref_squeeze %gather3A_570 : memref<1x128x128xf32, #tpu.memory_space<vmem>> -> memref<128x128xf32, #tpu.memory_space<vmem>>
        %gather3A_572 = tpu.vector_load_idx %gather3A_571[%add3A_410, %add3A_566] : memref<128x128xf32, #tpu.memory_space<vmem>>[vector<16xi32>, vector<16xi32>], vector<16xf32>,
        %scatter3A_573 = arith.constant 2 : i32
        %scatter3A_574 = arith.constant 0 : i32
        %scatter3A_575 = arith.constant 0 : i32
        %scatter3A_576 = tpu.memref_slice %arg7[%scatter3A_573, %scatter3A_574, %scatter3A_575] : memref<4x64x128xf32, #tpu.memory_space<vmem>> -> memref<1x64x128xf32, #tpu.memory_space<vmem>>
        %scatter3A_577 = tpu.memref_squeeze %scatter3A_576 : memref<1x64x128xf32, #tpu.memory_space<vmem>> -> memref<64x128xf32, #tpu.memory_space<vmem>>
        tpu.vector_store_idx %scatter3A_577[%add3A_566, %add3A_410], %gather3A_572 : memref<64x128xf32, #tpu.memory_space<vmem>>[vector<16xi32>, vector<16xi32>], vector<16xf32>,
        %add3A_578 = vector.broadcast %mul3A_408 : i32 to vector<16xi32>
        %add3A_579 = arith.addi %and3A_83, %add3A_578 : vector<16xi32>
        %gather3A_580 = arith.constant 2 : i32
        %gather3A_581 = arith.constant 0 : i32
        %gather3A_582 = arith.constant 0 : i32
        %gather3A_583 = tpu.memref_slice %arg6[%gather3A_580, %gather3A_581, %gather3A_582] : memref<4x128x128xf32, #tpu.memory_space<vmem>> -> memref<1x128x128xf32, #tpu.memory_space<vmem>>
        %gather3A_584 = tpu.memref_squeeze %gather3A_583 : memref<1x128x128xf32, #tpu.memory_space<vmem>> -> memref<128x128xf32, #tpu.memory_space<vmem>>
        %gather3A_585 = tpu.vector_load_idx %gather3A_584[%add3A_410, %add3A_579] : memref<128x128xf32, #tpu.memory_space<vmem>>[vector<16xi32>, vector<16xi32>], vector<16xf32>,
        %scatter3A_586 = arith.constant 2 : i32
        %scatter3A_587 = arith.constant 0 : i32
        %scatter3A_588 = arith.constant 0 : i32
        %scatter3A_589 = tpu.memref_slice %arg7[%scatter3A_586, %scatter3A_587, %scatter3A_588] : memref<4x64x128xf32, #tpu.memory_space<vmem>> -> memref<1x64x128xf32, #tpu.memory_space<vmem>>
        %scatter3A_590 = tpu.memref_squeeze %scatter3A_589 : memref<1x64x128xf32, #tpu.memory_space<vmem>> -> memref<64x128xf32, #tpu.memory_space<vmem>>
        tpu.vector_store_idx %scatter3A_590[%add3A_579, %add3A_410], %gather3A_585 : memref<64x128xf32, #tpu.memory_space<vmem>>[vector<16xi32>, vector<16xi32>], vector<16xf32>,
        %add3A_591 = vector.broadcast %mul3A_408 : i32 to vector<16xi32>
        %add3A_592 = arith.addi %and3A_89, %add3A_591 : vector<16xi32>
        %gather3A_593 = arith.constant 2 : i32
        %gather3A_594 = arith.constant 0 : i32
        %gather3A_595 = arith.constant 0 : i32
        %gather3A_596 = tpu.memref_slice %arg6[%gather3A_593, %gather3A_594, %gather3A_595] : memref<4x128x128xf32, #tpu.memory_space<vmem>> -> memref<1x128x128xf32, #tpu.memory_space<vmem>>
        %gather3A_597 = tpu.memref_squeeze %gather3A_596 : memref<1x128x128xf32, #tpu.memory_space<vmem>> -> memref<128x128xf32, #tpu.memory_space<vmem>>
        %gather3A_598 = tpu.vector_load_idx %gather3A_597[%add3A_410, %add3A_592] : memref<128x128xf32, #tpu.memory_space<vmem>>[vector<16xi32>, vector<16xi32>], vector<16xf32>,
        %scatter3A_599 = arith.constant 2 : i32
        %scatter3A_600 = arith.constant 0 : i32
        %scatter3A_601 = arith.constant 0 : i32
        %scatter3A_602 = tpu.memref_slice %arg7[%scatter3A_599, %scatter3A_600, %scatter3A_601] : memref<4x64x128xf32, #tpu.memory_space<vmem>> -> memref<1x64x128xf32, #tpu.memory_space<vmem>>
        %scatter3A_603 = tpu.memref_squeeze %scatter3A_602 : memref<1x64x128xf32, #tpu.memory_space<vmem>> -> memref<64x128xf32, #tpu.memory_space<vmem>>
        tpu.vector_store_idx %scatter3A_603[%add3A_592, %add3A_410], %gather3A_598 : memref<64x128xf32, #tpu.memory_space<vmem>>[vector<16xi32>, vector<16xi32>], vector<16xf32>,
        %add3A_604 = vector.broadcast %mul3A_408 : i32 to vector<16xi32>
        %add3A_605 = arith.addi %and3A_95, %add3A_604 : vector<16xi32>
        %gather3A_606 = arith.constant 2 : i32
        %gather3A_607 = arith.constant 0 : i32
        %gather3A_608 = arith.constant 0 : i32
        %gather3A_609 = tpu.memref_slice %arg6[%gather3A_606, %gather3A_607, %gather3A_608] : memref<4x128x128xf32, #tpu.memory_space<vmem>> -> memref<1x128x128xf32, #tpu.memory_space<vmem>>
        %gather3A_610 = tpu.memref_squeeze %gather3A_609 : memref<1x128x128xf32, #tpu.memory_space<vmem>> -> memref<128x128xf32, #tpu.memory_space<vmem>>
        %gather3A_611 = tpu.vector_load_idx %gather3A_610[%add3A_410, %add3A_605] : memref<128x128xf32, #tpu.memory_space<vmem>>[vector<16xi32>, vector<16xi32>], vector<16xf32>,
        %scatter3A_612 = arith.constant 2 : i32
        %scatter3A_613 = arith.constant 0 : i32
        %scatter3A_614 = arith.constant 0 : i32
        %scatter3A_615 = tpu.memref_slice %arg7[%scatter3A_612, %scatter3A_613, %scatter3A_614] : memref<4x64x128xf32, #tpu.memory_space<vmem>> -> memref<1x64x128xf32, #tpu.memory_space<vmem>>
        %scatter3A_616 = tpu.memref_squeeze %scatter3A_615 : memref<1x64x128xf32, #tpu.memory_space<vmem>> -> memref<64x128xf32, #tpu.memory_space<vmem>>
        tpu.vector_store_idx %scatter3A_616[%add3A_605, %add3A_410], %gather3A_611 : memref<64x128xf32, #tpu.memory_space<vmem>>[vector<16xi32>, vector<16xi32>], vector<16xf32>,
      }
      %scan3A_345 = arith.constant 32 : i32
      %mul3A_346 = arith.constant 128 : i32
      %mul3A_347 = arith.muli %add3A, %mul3A_346 : i32
      %dma_start3A_348 = arith.constant 2 : i32
      %dma_start3A_349 = arith.constant 0 : i32
      %dma_start3A_350 = arith.constant 0 : i32
      %dma_start3A_351 = tpu.memref_slice %arg7[%dma_start3A_348, %dma_start3A_349, %dma_start3A_350] : memref<4x64x128xf32, #tpu.memory_space<vmem>> -> memref<1x64x128xf32, #tpu.memory_space<vmem>>
      %dma_start3A_352 = tpu.memref_squeeze %dma_start3A_351 : memref<1x64x128xf32, #tpu.memory_space<vmem>> -> memref<64x128xf32, #tpu.memory_space<vmem>>
      %dma_start3A_353 = arith.constant 0 : i32
      %dma_start3A_354 = tpu.memref_slice %arg4[%add3A_328, %dma_start3A_353, %mul3A_347] : memref<200x64x4096xf32, #tpu.memory_space<hbm>> -> memref<1x64x128xf32, #tpu.memory_space<hbm>>
      %dma_start3A_355 = tpu.memref_squeeze %dma_start3A_354 : memref<1x64x128xf32, #tpu.memory_space<hbm>> -> memref<64x128xf32, #tpu.memory_space<hbm>>
      %dma_start3A_356 = arith.constant 0 : i32
      %dma_start3A_357 = tpu.memref_slice %arg4[%add3A_328, %dma_start3A_356, %mul3A_347] : memref<200x64x4096xf32, #tpu.memory_space<hbm>> -> memref<1x64x128xf32, #tpu.memory_space<hbm>>
      %dma_start3A_358 = tpu.memref_squeeze %dma_start3A_357 : memref<1x64x128xf32, #tpu.memory_space<hbm>> -> memref<64x128xf32, #tpu.memory_space<hbm>>
      %dma_start3A_359 = arith.constant 0 : i32
      %dma_start3A_360 = arith.constant 0 : i32
      %dma_start3A_361 = tpu.memref_slice %arg7[%dma_start3A_348, %dma_start3A_359, %dma_start3A_360] : memref<4x64x128xf32, #tpu.memory_space<vmem>> -> memref<1x64x128xf32, #tpu.memory_space<vmem>>
      %dma_start3A_362 = tpu.memref_squeeze %dma_start3A_361 : memref<1x64x128xf32, #tpu.memory_space<vmem>> -> memref<64x128xf32, #tpu.memory_space<vmem>>
      tpu.enqueue_dma source(%dma_start3A_362 : memref<64x128xf32, #tpu.memory_space<vmem>>) target(%dma_start3A_358 : memref<64x128xf32, #tpu.memory_space<hbm>>) target_semaphore(%arg14 : memref<!tpu.dma_semaphore, #tpu.memory_space<semaphore_mem>>)
      %mul3A_363 = arith.constant 4 : i32
      %mul3A_364 = arith.muli %scan3A_172, %mul3A_363 : i32
      %add3A_365 = arith.constant 3 : i32
      %add3A_366 = arith.addi %mul3A_364, %add3A_365 : i32
      %dma_wait3A_367 = arith.constant 3 : i32
      %dma_wait3A_368 = arith.constant 0 : i32
      %dma_wait3A_369 = arith.constant 0 : i32
      %dma_wait3A_370 = tpu.memref_slice %arg6[%dma_wait3A_367, %dma_wait3A_368, %dma_wait3A_369] : memref<4x128x128xf32, #tpu.memory_space<vmem>> -> memref<1x128x128xf32, #tpu.memory_space<vmem>>
      %dma_wait3A_371 = tpu.memref_squeeze %dma_wait3A_370 : memref<1x128x128xf32, #tpu.memory_space<vmem>> -> memref<128x128xf32, #tpu.memory_space<vmem>>
      %dma_wait3A_372 = arith.constant 0 : i32
      %dma_wait3A_373 = tpu.memref_slice %arg5[%add3A_366, %dma_wait3A_372] : memref<200x128xi32, #tpu.memory_space<vmem>> -> memref<1x128xi32, #tpu.memory_space<vmem>>
      %dma_wait3A_374 = tpu.memref_squeeze %dma_wait3A_373 : memref<1x128xi32, #tpu.memory_space<vmem>> -> memref<128xi32, #tpu.memory_space<vmem>>
      %dma_wait3A_375 = arith.constant 0 : i32
      %dma_wait3A_376 = arith.constant 0 : i32
      %dma_wait3A_377 = tpu.memref_slice %arg3[%dma_wait3A_375, %dma_wait3A_376] : memref<28996x128xf32, #tpu.memory_space<hbm>> -> memref<28996x128xf32, #tpu.memory_space<hbm>>
      tpu.wait_indirect_dma semaphore(%arg11 : memref<!tpu.dma_semaphore, #tpu.memory_space<semaphore_mem>>) src(%dma_wait3A_377 : memref<28996x128xf32, #tpu.memory_space<hbm>>) dst(%dma_wait3A_371 : memref<128x128xf32, #tpu.memory_space<vmem>>)
      %scan3A_378 = arith.constant 0 : i32
      %scan3A_379 = arith.constant 0 : i32
      %scan3A_380 = arith.constant 32 : i32
      %scan3A_381 = arith.addi %scan3A_379, %scan3A_380 : i32
      %scan3A_382 = arith.constant 1 : i32
      scf.for %scan3A_401 = %scan3A_379 to %scan3A_381 step %scan3A_382  : i32 {
        %shift_right_arithmetic3A = arith.constant 2 : i32
        %shift_right_arithmetic3A_402 = arith.shrsi %scan3A_401, %shift_right_arithmetic3A : i32
        %mul3A_403 = arith.constant 16 : i32
        %mul3A_404 = arith.muli %shift_right_arithmetic3A_402, %mul3A_403 : i32
        %and3A_405 = arith.constant 3 : i32
        %and3A_406 = arith.andi %scan3A_401, %and3A_405 : i32
        %mul3A_407 = arith.constant 16 : i32
        %mul3A_408 = arith.muli %and3A_406, %mul3A_407 : i32
        %add3A_409 = vector.broadcast %mul3A_404 : i32 to vector<16xi32>
        %add3A_410 = arith.addi %iota3A, %add3A_409 : vector<16xi32>
        %add3A_411 = vector.broadcast %mul3A_408 : i32 to vector<16xi32>
        %add3A_412 = arith.addi %and3A_5, %add3A_411 : vector<16xi32>
        %gather3A = arith.constant 3 : i32
        %gather3A_413 = arith.constant 0 : i32
        %gather3A_414 = arith.constant 0 : i32
        %gather3A_415 = tpu.memref_slice %arg6[%gather3A, %gather3A_413, %gather3A_414] : memref<4x128x128xf32, #tpu.memory_space<vmem>> -> memref<1x128x128xf32, #tpu.memory_space<vmem>>
        %gather3A_416 = tpu.memref_squeeze %gather3A_415 : memref<1x128x128xf32, #tpu.memory_space<vmem>> -> memref<128x128xf32, #tpu.memory_space<vmem>>
        %gather3A_417 = tpu.vector_load_idx %gather3A_416[%add3A_410, %add3A_412] : memref<128x128xf32, #tpu.memory_space<vmem>>[vector<16xi32>, vector<16xi32>], vector<16xf32>,
        %scatter3A = arith.constant 3 : i32
        %scatter3A_418 = arith.constant 0 : i32
        %scatter3A_419 = arith.constant 0 : i32
        %scatter3A_420 = tpu.memref_slice %arg7[%scatter3A, %scatter3A_418, %scatter3A_419] : memref<4x64x128xf32, #tpu.memory_space<vmem>> -> memref<1x64x128xf32, #tpu.memory_space<vmem>>
        %scatter3A_421 = tpu.memref_squeeze %scatter3A_420 : memref<1x64x128xf32, #tpu.memory_space<vmem>> -> memref<64x128xf32, #tpu.memory_space<vmem>>
        tpu.vector_store_idx %scatter3A_421[%add3A_412, %add3A_410], %gather3A_417 : memref<64x128xf32, #tpu.memory_space<vmem>>[vector<16xi32>, vector<16xi32>], vector<16xf32>,
        %add3A_422 = vector.broadcast %mul3A_408 : i32 to vector<16xi32>
        %add3A_423 = arith.addi %and3A_11, %add3A_422 : vector<16xi32>
        %gather3A_424 = arith.constant 3 : i32
        %gather3A_425 = arith.constant 0 : i32
        %gather3A_426 = arith.constant 0 : i32
        %gather3A_427 = tpu.memref_slice %arg6[%gather3A_424, %gather3A_425, %gather3A_426] : memref<4x128x128xf32, #tpu.memory_space<vmem>> -> memref<1x128x128xf32, #tpu.memory_space<vmem>>
        %gather3A_428 = tpu.memref_squeeze %gather3A_427 : memref<1x128x128xf32, #tpu.memory_space<vmem>> -> memref<128x128xf32, #tpu.memory_space<vmem>>
        %gather3A_429 = tpu.vector_load_idx %gather3A_428[%add3A_410, %add3A_423] : memref<128x128xf32, #tpu.memory_space<vmem>>[vector<16xi32>, vector<16xi32>], vector<16xf32>,
        %scatter3A_430 = arith.constant 3 : i32
        %scatter3A_431 = arith.constant 0 : i32
        %scatter3A_432 = arith.constant 0 : i32
        %scatter3A_433 = tpu.memref_slice %arg7[%scatter3A_430, %scatter3A_431, %scatter3A_432] : memref<4x64x128xf32, #tpu.memory_space<vmem>> -> memref<1x64x128xf32, #tpu.memory_space<vmem>>
        %scatter3A_434 = tpu.memref_squeeze %scatter3A_433 : memref<1x64x128xf32, #tpu.memory_space<vmem>> -> memref<64x128xf32, #tpu.memory_space<vmem>>
        tpu.vector_store_idx %scatter3A_434[%add3A_423, %add3A_410], %gather3A_429 : memref<64x128xf32, #tpu.memory_space<vmem>>[vector<16xi32>, vector<16xi32>], vector<16xf32>,
        %add3A_435 = vector.broadcast %mul3A_408 : i32 to vector<16xi32>
        %add3A_436 = arith.addi %and3A_17, %add3A_435 : vector<16xi32>
        %gather3A_437 = arith.constant 3 : i32
        %gather3A_438 = arith.constant 0 : i32
        %gather3A_439 = arith.constant 0 : i32
        %gather3A_440 = tpu.memref_slice %arg6[%gather3A_437, %gather3A_438, %gather3A_439] : memref<4x128x128xf32, #tpu.memory_space<vmem>> -> memref<1x128x128xf32, #tpu.memory_space<vmem>>
        %gather3A_441 = tpu.memref_squeeze %gather3A_440 : memref<1x128x128xf32, #tpu.memory_space<vmem>> -> memref<128x128xf32, #tpu.memory_space<vmem>>
        %gather3A_442 = tpu.vector_load_idx %gather3A_441[%add3A_410, %add3A_436] : memref<128x128xf32, #tpu.memory_space<vmem>>[vector<16xi32>, vector<16xi32>], vector<16xf32>,
        %scatter3A_443 = arith.constant 3 : i32
        %scatter3A_444 = arith.constant 0 : i32
        %scatter3A_445 = arith.constant 0 : i32
        %scatter3A_446 = tpu.memref_slice %arg7[%scatter3A_443, %scatter3A_444, %scatter3A_445] : memref<4x64x128xf32, #tpu.memory_space<vmem>> -> memref<1x64x128xf32, #tpu.memory_space<vmem>>
        %scatter3A_447 = tpu.memref_squeeze %scatter3A_446 : memref<1x64x128xf32, #tpu.memory_space<vmem>> -> memref<64x128xf32, #tpu.memory_space<vmem>>
        tpu.vector_store_idx %scatter3A_447[%add3A_436, %add3A_410], %gather3A_442 : memref<64x128xf32, #tpu.memory_space<vmem>>[vector<16xi32>, vector<16xi32>], vector<16xf32>,
        %add3A_448 = vector.broadcast %mul3A_408 : i32 to vector<16xi32>
        %add3A_449 = arith.addi %and3A_23, %add3A_448 : vector<16xi32>
        %gather3A_450 = arith.constant 3 : i32
        %gather3A_451 = arith.constant 0 : i32
        %gather3A_452 = arith.constant 0 : i32
        %gather3A_453 = tpu.memref_slice %arg6[%gather3A_450, %gather3A_451, %gather3A_452] : memref<4x128x128xf32, #tpu.memory_space<vmem>> -> memref<1x128x128xf32, #tpu.memory_space<vmem>>
        %gather3A_454 = tpu.memref_squeeze %gather3A_453 : memref<1x128x128xf32, #tpu.memory_space<vmem>> -> memref<128x128xf32, #tpu.memory_space<vmem>>
        %gather3A_455 = tpu.vector_load_idx %gather3A_454[%add3A_410, %add3A_449] : memref<128x128xf32, #tpu.memory_space<vmem>>[vector<16xi32>, vector<16xi32>], vector<16xf32>,
        %scatter3A_456 = arith.constant 3 : i32
        %scatter3A_457 = arith.constant 0 : i32
        %scatter3A_458 = arith.constant 0 : i32
        %scatter3A_459 = tpu.memref_slice %arg7[%scatter3A_456, %scatter3A_457, %scatter3A_458] : memref<4x64x128xf32, #tpu.memory_space<vmem>> -> memref<1x64x128xf32, #tpu.memory_space<vmem>>
        %scatter3A_460 = tpu.memref_squeeze %scatter3A_459 : memref<1x64x128xf32, #tpu.memory_space<vmem>> -> memref<64x128xf32, #tpu.memory_space<vmem>>
        tpu.vector_store_idx %scatter3A_460[%add3A_449, %add3A_410], %gather3A_455 : memref<64x128xf32, #tpu.memory_space<vmem>>[vector<16xi32>, vector<16xi32>], vector<16xf32>,
        %add3A_461 = vector.broadcast %mul3A_408 : i32 to vector<16xi32>
        %add3A_462 = arith.addi %and3A_29, %add3A_461 : vector<16xi32>
        %gather3A_463 = arith.constant 3 : i32
        %gather3A_464 = arith.constant 0 : i32
        %gather3A_465 = arith.constant 0 : i32
        %gather3A_466 = tpu.memref_slice %arg6[%gather3A_463, %gather3A_464, %gather3A_465] : memref<4x128x128xf32, #tpu.memory_space<vmem>> -> memref<1x128x128xf32, #tpu.memory_space<vmem>>
        %gather3A_467 = tpu.memref_squeeze %gather3A_466 : memref<1x128x128xf32, #tpu.memory_space<vmem>> -> memref<128x128xf32, #tpu.memory_space<vmem>>
        %gather3A_468 = tpu.vector_load_idx %gather3A_467[%add3A_410, %add3A_462] : memref<128x128xf32, #tpu.memory_space<vmem>>[vector<16xi32>, vector<16xi32>], vector<16xf32>,
        %scatter3A_469 = arith.constant 3 : i32
        %scatter3A_470 = arith.constant 0 : i32
        %scatter3A_471 = arith.constant 0 : i32
        %scatter3A_472 = tpu.memref_slice %arg7[%scatter3A_469, %scatter3A_470, %scatter3A_471] : memref<4x64x128xf32, #tpu.memory_space<vmem>> -> memref<1x64x128xf32, #tpu.memory_space<vmem>>
        %scatter3A_473 = tpu.memref_squeeze %scatter3A_472 : memref<1x64x128xf32, #tpu.memory_space<vmem>> -> memref<64x128xf32, #tpu.memory_space<vmem>>
        tpu.vector_store_idx %scatter3A_473[%add3A_462, %add3A_410], %gather3A_468 : memref<64x128xf32, #tpu.memory_space<vmem>>[vector<16xi32>, vector<16xi32>], vector<16xf32>,
        %add3A_474 = vector.broadcast %mul3A_408 : i32 to vector<16xi32>
        %add3A_475 = arith.addi %and3A_35, %add3A_474 : vector<16xi32>
        %gather3A_476 = arith.constant 3 : i32
        %gather3A_477 = arith.constant 0 : i32
        %gather3A_478 = arith.constant 0 : i32
        %gather3A_479 = tpu.memref_slice %arg6[%gather3A_476, %gather3A_477, %gather3A_478] : memref<4x128x128xf32, #tpu.memory_space<vmem>> -> memref<1x128x128xf32, #tpu.memory_space<vmem>>
        %gather3A_480 = tpu.memref_squeeze %gather3A_479 : memref<1x128x128xf32, #tpu.memory_space<vmem>> -> memref<128x128xf32, #tpu.memory_space<vmem>>
        %gather3A_481 = tpu.vector_load_idx %gather3A_480[%add3A_410, %add3A_475] : memref<128x128xf32, #tpu.memory_space<vmem>>[vector<16xi32>, vector<16xi32>], vector<16xf32>,
        %scatter3A_482 = arith.constant 3 : i32
        %scatter3A_483 = arith.constant 0 : i32
        %scatter3A_484 = arith.constant 0 : i32
        %scatter3A_485 = tpu.memref_slice %arg7[%scatter3A_482, %scatter3A_483, %scatter3A_484] : memref<4x64x128xf32, #tpu.memory_space<vmem>> -> memref<1x64x128xf32, #tpu.memory_space<vmem>>
        %scatter3A_486 = tpu.memref_squeeze %scatter3A_485 : memref<1x64x128xf32, #tpu.memory_space<vmem>> -> memref<64x128xf32, #tpu.memory_space<vmem>>
        tpu.vector_store_idx %scatter3A_486[%add3A_475, %add3A_410], %gather3A_481 : memref<64x128xf32, #tpu.memory_space<vmem>>[vector<16xi32>, vector<16xi32>], vector<16xf32>,
        %add3A_487 = vector.broadcast %mul3A_408 : i32 to vector<16xi32>
        %add3A_488 = arith.addi %and3A_41, %add3A_487 : vector<16xi32>
        %gather3A_489 = arith.constant 3 : i32
        %gather3A_490 = arith.constant 0 : i32
        %gather3A_491 = arith.constant 0 : i32
        %gather3A_492 = tpu.memref_slice %arg6[%gather3A_489, %gather3A_490, %gather3A_491] : memref<4x128x128xf32, #tpu.memory_space<vmem>> -> memref<1x128x128xf32, #tpu.memory_space<vmem>>
        %gather3A_493 = tpu.memref_squeeze %gather3A_492 : memref<1x128x128xf32, #tpu.memory_space<vmem>> -> memref<128x128xf32, #tpu.memory_space<vmem>>
        %gather3A_494 = tpu.vector_load_idx %gather3A_493[%add3A_410, %add3A_488] : memref<128x128xf32, #tpu.memory_space<vmem>>[vector<16xi32>, vector<16xi32>], vector<16xf32>,
        %scatter3A_495 = arith.constant 3 : i32
        %scatter3A_496 = arith.constant 0 : i32
        %scatter3A_497 = arith.constant 0 : i32
        %scatter3A_498 = tpu.memref_slice %arg7[%scatter3A_495, %scatter3A_496, %scatter3A_497] : memref<4x64x128xf32, #tpu.memory_space<vmem>> -> memref<1x64x128xf32, #tpu.memory_space<vmem>>
        %scatter3A_499 = tpu.memref_squeeze %scatter3A_498 : memref<1x64x128xf32, #tpu.memory_space<vmem>> -> memref<64x128xf32, #tpu.memory_space<vmem>>
        tpu.vector_store_idx %scatter3A_499[%add3A_488, %add3A_410], %gather3A_494 : memref<64x128xf32, #tpu.memory_space<vmem>>[vector<16xi32>, vector<16xi32>], vector<16xf32>,
        %add3A_500 = vector.broadcast %mul3A_408 : i32 to vector<16xi32>
        %add3A_501 = arith.addi %and3A_47, %add3A_500 : vector<16xi32>
        %gather3A_502 = arith.constant 3 : i32
        %gather3A_503 = arith.constant 0 : i32
        %gather3A_504 = arith.constant 0 : i32
        %gather3A_505 = tpu.memref_slice %arg6[%gather3A_502, %gather3A_503, %gather3A_504] : memref<4x128x128xf32, #tpu.memory_space<vmem>> -> memref<1x128x128xf32, #tpu.memory_space<vmem>>
        %gather3A_506 = tpu.memref_squeeze %gather3A_505 : memref<1x128x128xf32, #tpu.memory_space<vmem>> -> memref<128x128xf32, #tpu.memory_space<vmem>>
        %gather3A_507 = tpu.vector_load_idx %gather3A_506[%add3A_410, %add3A_501] : memref<128x128xf32, #tpu.memory_space<vmem>>[vector<16xi32>, vector<16xi32>], vector<16xf32>,
        %scatter3A_508 = arith.constant 3 : i32
        %scatter3A_509 = arith.constant 0 : i32
        %scatter3A_510 = arith.constant 0 : i32
        %scatter3A_511 = tpu.memref_slice %arg7[%scatter3A_508, %scatter3A_509, %scatter3A_510] : memref<4x64x128xf32, #tpu.memory_space<vmem>> -> memref<1x64x128xf32, #tpu.memory_space<vmem>>
        %scatter3A_512 = tpu.memref_squeeze %scatter3A_511 : memref<1x64x128xf32, #tpu.memory_space<vmem>> -> memref<64x128xf32, #tpu.memory_space<vmem>>
        tpu.vector_store_idx %scatter3A_512[%add3A_501, %add3A_410], %gather3A_507 : memref<64x128xf32, #tpu.memory_space<vmem>>[vector<16xi32>, vector<16xi32>], vector<16xf32>,
        %add3A_513 = vector.broadcast %mul3A_408 : i32 to vector<16xi32>
        %add3A_514 = arith.addi %and3A_53, %add3A_513 : vector<16xi32>
        %gather3A_515 = arith.constant 3 : i32
        %gather3A_516 = arith.constant 0 : i32
        %gather3A_517 = arith.constant 0 : i32
        %gather3A_518 = tpu.memref_slice %arg6[%gather3A_515, %gather3A_516, %gather3A_517] : memref<4x128x128xf32, #tpu.memory_space<vmem>> -> memref<1x128x128xf32, #tpu.memory_space<vmem>>
        %gather3A_519 = tpu.memref_squeeze %gather3A_518 : memref<1x128x128xf32, #tpu.memory_space<vmem>> -> memref<128x128xf32, #tpu.memory_space<vmem>>
        %gather3A_520 = tpu.vector_load_idx %gather3A_519[%add3A_410, %add3A_514] : memref<128x128xf32, #tpu.memory_space<vmem>>[vector<16xi32>, vector<16xi32>], vector<16xf32>,
        %scatter3A_521 = arith.constant 3 : i32
        %scatter3A_522 = arith.constant 0 : i32
        %scatter3A_523 = arith.constant 0 : i32
        %scatter3A_524 = tpu.memref_slice %arg7[%scatter3A_521, %scatter3A_522, %scatter3A_523] : memref<4x64x128xf32, #tpu.memory_space<vmem>> -> memref<1x64x128xf32, #tpu.memory_space<vmem>>
        %scatter3A_525 = tpu.memref_squeeze %scatter3A_524 : memref<1x64x128xf32, #tpu.memory_space<vmem>> -> memref<64x128xf32, #tpu.memory_space<vmem>>
        tpu.vector_store_idx %scatter3A_525[%add3A_514, %add3A_410], %gather3A_520 : memref<64x128xf32, #tpu.memory_space<vmem>>[vector<16xi32>, vector<16xi32>], vector<16xf32>,
        %add3A_526 = vector.broadcast %mul3A_408 : i32 to vector<16xi32>
        %add3A_527 = arith.addi %and3A_59, %add3A_526 : vector<16xi32>
        %gather3A_528 = arith.constant 3 : i32
        %gather3A_529 = arith.constant 0 : i32
        %gather3A_530 = arith.constant 0 : i32
        %gather3A_531 = tpu.memref_slice %arg6[%gather3A_528, %gather3A_529, %gather3A_530] : memref<4x128x128xf32, #tpu.memory_space<vmem>> -> memref<1x128x128xf32, #tpu.memory_space<vmem>>
        %gather3A_532 = tpu.memref_squeeze %gather3A_531 : memref<1x128x128xf32, #tpu.memory_space<vmem>> -> memref<128x128xf32, #tpu.memory_space<vmem>>
        %gather3A_533 = tpu.vector_load_idx %gather3A_532[%add3A_410, %add3A_527] : memref<128x128xf32, #tpu.memory_space<vmem>>[vector<16xi32>, vector<16xi32>], vector<16xf32>,
        %scatter3A_534 = arith.constant 3 : i32
        %scatter3A_535 = arith.constant 0 : i32
        %scatter3A_536 = arith.constant 0 : i32
        %scatter3A_537 = tpu.memref_slice %arg7[%scatter3A_534, %scatter3A_535, %scatter3A_536] : memref<4x64x128xf32, #tpu.memory_space<vmem>> -> memref<1x64x128xf32, #tpu.memory_space<vmem>>
        %scatter3A_538 = tpu.memref_squeeze %scatter3A_537 : memref<1x64x128xf32, #tpu.memory_space<vmem>> -> memref<64x128xf32, #tpu.memory_space<vmem>>
        tpu.vector_store_idx %scatter3A_538[%add3A_527, %add3A_410], %gather3A_533 : memref<64x128xf32, #tpu.memory_space<vmem>>[vector<16xi32>, vector<16xi32>], vector<16xf32>,
        %add3A_539 = vector.broadcast %mul3A_408 : i32 to vector<16xi32>
        %add3A_540 = arith.addi %and3A_65, %add3A_539 : vector<16xi32>
        %gather3A_541 = arith.constant 3 : i32
        %gather3A_542 = arith.constant 0 : i32
        %gather3A_543 = arith.constant 0 : i32
        %gather3A_544 = tpu.memref_slice %arg6[%gather3A_541, %gather3A_542, %gather3A_543] : memref<4x128x128xf32, #tpu.memory_space<vmem>> -> memref<1x128x128xf32, #tpu.memory_space<vmem>>
        %gather3A_545 = tpu.memref_squeeze %gather3A_544 : memref<1x128x128xf32, #tpu.memory_space<vmem>> -> memref<128x128xf32, #tpu.memory_space<vmem>>
        %gather3A_546 = tpu.vector_load_idx %gather3A_545[%add3A_410, %add3A_540] : memref<128x128xf32, #tpu.memory_space<vmem>>[vector<16xi32>, vector<16xi32>], vector<16xf32>,
        %scatter3A_547 = arith.constant 3 : i32
        %scatter3A_548 = arith.constant 0 : i32
        %scatter3A_549 = arith.constant 0 : i32
        %scatter3A_550 = tpu.memref_slice %arg7[%scatter3A_547, %scatter3A_548, %scatter3A_549] : memref<4x64x128xf32, #tpu.memory_space<vmem>> -> memref<1x64x128xf32, #tpu.memory_space<vmem>>
        %scatter3A_551 = tpu.memref_squeeze %scatter3A_550 : memref<1x64x128xf32, #tpu.memory_space<vmem>> -> memref<64x128xf32, #tpu.memory_space<vmem>>
        tpu.vector_store_idx %scatter3A_551[%add3A_540, %add3A_410], %gather3A_546 : memref<64x128xf32, #tpu.memory_space<vmem>>[vector<16xi32>, vector<16xi32>], vector<16xf32>,
        %add3A_552 = vector.broadcast %mul3A_408 : i32 to vector<16xi32>
        %add3A_553 = arith.addi %and3A_71, %add3A_552 : vector<16xi32>
        %gather3A_554 = arith.constant 3 : i32
        %gather3A_555 = arith.constant 0 : i32
        %gather3A_556 = arith.constant 0 : i32
        %gather3A_557 = tpu.memref_slice %arg6[%gather3A_554, %gather3A_555, %gather3A_556] : memref<4x128x128xf32, #tpu.memory_space<vmem>> -> memref<1x128x128xf32, #tpu.memory_space<vmem>>
        %gather3A_558 = tpu.memref_squeeze %gather3A_557 : memref<1x128x128xf32, #tpu.memory_space<vmem>> -> memref<128x128xf32, #tpu.memory_space<vmem>>
        %gather3A_559 = tpu.vector_load_idx %gather3A_558[%add3A_410, %add3A_553] : memref<128x128xf32, #tpu.memory_space<vmem>>[vector<16xi32>, vector<16xi32>], vector<16xf32>,
        %scatter3A_560 = arith.constant 3 : i32
        %scatter3A_561 = arith.constant 0 : i32
        %scatter3A_562 = arith.constant 0 : i32
        %scatter3A_563 = tpu.memref_slice %arg7[%scatter3A_560, %scatter3A_561, %scatter3A_562] : memref<4x64x128xf32, #tpu.memory_space<vmem>> -> memref<1x64x128xf32, #tpu.memory_space<vmem>>
        %scatter3A_564 = tpu.memref_squeeze %scatter3A_563 : memref<1x64x128xf32, #tpu.memory_space<vmem>> -> memref<64x128xf32, #tpu.memory_space<vmem>>
        tpu.vector_store_idx %scatter3A_564[%add3A_553, %add3A_410], %gather3A_559 : memref<64x128xf32, #tpu.memory_space<vmem>>[vector<16xi32>, vector<16xi32>], vector<16xf32>,
        %add3A_565 = vector.broadcast %mul3A_408 : i32 to vector<16xi32>
        %add3A_566 = arith.addi %and3A_77, %add3A_565 : vector<16xi32>
        %gather3A_567 = arith.constant 3 : i32
        %gather3A_568 = arith.constant 0 : i32
        %gather3A_569 = arith.constant 0 : i32
        %gather3A_570 = tpu.memref_slice %arg6[%gather3A_567, %gather3A_568, %gather3A_569] : memref<4x128x128xf32, #tpu.memory_space<vmem>> -> memref<1x128x128xf32, #tpu.memory_space<vmem>>
        %gather3A_571 = tpu.memref_squeeze %gather3A_570 : memref<1x128x128xf32, #tpu.memory_space<vmem>> -> memref<128x128xf32, #tpu.memory_space<vmem>>
        %gather3A_572 = tpu.vector_load_idx %gather3A_571[%add3A_410, %add3A_566] : memref<128x128xf32, #tpu.memory_space<vmem>>[vector<16xi32>, vector<16xi32>], vector<16xf32>,
        %scatter3A_573 = arith.constant 3 : i32
        %scatter3A_574 = arith.constant 0 : i32
        %scatter3A_575 = arith.constant 0 : i32
        %scatter3A_576 = tpu.memref_slice %arg7[%scatter3A_573, %scatter3A_574, %scatter3A_575] : memref<4x64x128xf32, #tpu.memory_space<vmem>> -> memref<1x64x128xf32, #tpu.memory_space<vmem>>
        %scatter3A_577 = tpu.memref_squeeze %scatter3A_576 : memref<1x64x128xf32, #tpu.memory_space<vmem>> -> memref<64x128xf32, #tpu.memory_space<vmem>>
        tpu.vector_store_idx %scatter3A_577[%add3A_566, %add3A_410], %gather3A_572 : memref<64x128xf32, #tpu.memory_space<vmem>>[vector<16xi32>, vector<16xi32>], vector<16xf32>,
        %add3A_578 = vector.broadcast %mul3A_408 : i32 to vector<16xi32>
        %add3A_579 = arith.addi %and3A_83, %add3A_578 : vector<16xi32>
        %gather3A_580 = arith.constant 3 : i32
        %gather3A_581 = arith.constant 0 : i32
        %gather3A_582 = arith.constant 0 : i32
        %gather3A_583 = tpu.memref_slice %arg6[%gather3A_580, %gather3A_581, %gather3A_582] : memref<4x128x128xf32, #tpu.memory_space<vmem>> -> memref<1x128x128xf32, #tpu.memory_space<vmem>>
        %gather3A_584 = tpu.memref_squeeze %gather3A_583 : memref<1x128x128xf32, #tpu.memory_space<vmem>> -> memref<128x128xf32, #tpu.memory_space<vmem>>
        %gather3A_585 = tpu.vector_load_idx %gather3A_584[%add3A_410, %add3A_579] : memref<128x128xf32, #tpu.memory_space<vmem>>[vector<16xi32>, vector<16xi32>], vector<16xf32>,
        %scatter3A_586 = arith.constant 3 : i32
        %scatter3A_587 = arith.constant 0 : i32
        %scatter3A_588 = arith.constant 0 : i32
        %scatter3A_589 = tpu.memref_slice %arg7[%scatter3A_586, %scatter3A_587, %scatter3A_588] : memref<4x64x128xf32, #tpu.memory_space<vmem>> -> memref<1x64x128xf32, #tpu.memory_space<vmem>>
        %scatter3A_590 = tpu.memref_squeeze %scatter3A_589 : memref<1x64x128xf32, #tpu.memory_space<vmem>> -> memref<64x128xf32, #tpu.memory_space<vmem>>
        tpu.vector_store_idx %scatter3A_590[%add3A_579, %add3A_410], %gather3A_585 : memref<64x128xf32, #tpu.memory_space<vmem>>[vector<16xi32>, vector<16xi32>], vector<16xf32>,
        %add3A_591 = vector.broadcast %mul3A_408 : i32 to vector<16xi32>
        %add3A_592 = arith.addi %and3A_89, %add3A_591 : vector<16xi32>
        %gather3A_593 = arith.constant 3 : i32
        %gather3A_594 = arith.constant 0 : i32
        %gather3A_595 = arith.constant 0 : i32
        %gather3A_596 = tpu.memref_slice %arg6[%gather3A_593, %gather3A_594, %gather3A_595] : memref<4x128x128xf32, #tpu.memory_space<vmem>> -> memref<1x128x128xf32, #tpu.memory_space<vmem>>
        %gather3A_597 = tpu.memref_squeeze %gather3A_596 : memref<1x128x128xf32, #tpu.memory_space<vmem>> -> memref<128x128xf32, #tpu.memory_space<vmem>>
        %gather3A_598 = tpu.vector_load_idx %gather3A_597[%add3A_410, %add3A_592] : memref<128x128xf32, #tpu.memory_space<vmem>>[vector<16xi32>, vector<16xi32>], vector<16xf32>,
        %scatter3A_599 = arith.constant 3 : i32
        %scatter3A_600 = arith.constant 0 : i32
        %scatter3A_601 = arith.constant 0 : i32
        %scatter3A_602 = tpu.memref_slice %arg7[%scatter3A_599, %scatter3A_600, %scatter3A_601] : memref<4x64x128xf32, #tpu.memory_space<vmem>> -> memref<1x64x128xf32, #tpu.memory_space<vmem>>
        %scatter3A_603 = tpu.memref_squeeze %scatter3A_602 : memref<1x64x128xf32, #tpu.memory_space<vmem>> -> memref<64x128xf32, #tpu.memory_space<vmem>>
        tpu.vector_store_idx %scatter3A_603[%add3A_592, %add3A_410], %gather3A_598 : memref<64x128xf32, #tpu.memory_space<vmem>>[vector<16xi32>, vector<16xi32>], vector<16xf32>,
        %add3A_604 = vector.broadcast %mul3A_408 : i32 to vector<16xi32>
        %add3A_605 = arith.addi %and3A_95, %add3A_604 : vector<16xi32>
        %gather3A_606 = arith.constant 3 : i32
        %gather3A_607 = arith.constant 0 : i32
        %gather3A_608 = arith.constant 0 : i32
        %gather3A_609 = tpu.memref_slice %arg6[%gather3A_606, %gather3A_607, %gather3A_608] : memref<4x128x128xf32, #tpu.memory_space<vmem>> -> memref<1x128x128xf32, #tpu.memory_space<vmem>>
        %gather3A_610 = tpu.memref_squeeze %gather3A_609 : memref<1x128x128xf32, #tpu.memory_space<vmem>> -> memref<128x128xf32, #tpu.memory_space<vmem>>
        %gather3A_611 = tpu.vector_load_idx %gather3A_610[%add3A_410, %add3A_605] : memref<128x128xf32, #tpu.memory_space<vmem>>[vector<16xi32>, vector<16xi32>], vector<16xf32>,
        %scatter3A_612 = arith.constant 3 : i32
        %scatter3A_613 = arith.constant 0 : i32
        %scatter3A_614 = arith.constant 0 : i32
        %scatter3A_615 = tpu.memref_slice %arg7[%scatter3A_612, %scatter3A_613, %scatter3A_614] : memref<4x64x128xf32, #tpu.memory_space<vmem>> -> memref<1x64x128xf32, #tpu.memory_space<vmem>>
        %scatter3A_616 = tpu.memref_squeeze %scatter3A_615 : memref<1x64x128xf32, #tpu.memory_space<vmem>> -> memref<64x128xf32, #tpu.memory_space<vmem>>
        tpu.vector_store_idx %scatter3A_616[%add3A_605, %add3A_410], %gather3A_611 : memref<64x128xf32, #tpu.memory_space<vmem>>[vector<16xi32>, vector<16xi32>], vector<16xf32>,
      }
      %scan3A_383 = arith.constant 32 : i32
      %mul3A_384 = arith.constant 128 : i32
      %mul3A_385 = arith.muli %add3A, %mul3A_384 : i32
      %dma_start3A_386 = arith.constant 3 : i32
      %dma_start3A_387 = arith.constant 0 : i32
      %dma_start3A_388 = arith.constant 0 : i32
      %dma_start3A_389 = tpu.memref_slice %arg7[%dma_start3A_386, %dma_start3A_387, %dma_start3A_388] : memref<4x64x128xf32, #tpu.memory_space<vmem>> -> memref<1x64x128xf32, #tpu.memory_space<vmem>>
      %dma_start3A_390 = tpu.memref_squeeze %dma_start3A_389 : memref<1x64x128xf32, #tpu.memory_space<vmem>> -> memref<64x128xf32, #tpu.memory_space<vmem>>
      %dma_start3A_391 = arith.constant 0 : i32
      %dma_start3A_392 = tpu.memref_slice %arg4[%add3A_366, %dma_start3A_391, %mul3A_385] : memref<200x64x4096xf32, #tpu.memory_space<hbm>> -> memref<1x64x128xf32, #tpu.memory_space<hbm>>
      %dma_start3A_393 = tpu.memref_squeeze %dma_start3A_392 : memref<1x64x128xf32, #tpu.memory_space<hbm>> -> memref<64x128xf32, #tpu.memory_space<hbm>>
      %dma_start3A_394 = arith.constant 0 : i32
      %dma_start3A_395 = tpu.memref_slice %arg4[%add3A_366, %dma_start3A_394, %mul3A_385] : memref<200x64x4096xf32, #tpu.memory_space<hbm>> -> memref<1x64x128xf32, #tpu.memory_space<hbm>>
      %dma_start3A_396 = tpu.memref_squeeze %dma_start3A_395 : memref<1x64x128xf32, #tpu.memory_space<hbm>> -> memref<64x128xf32, #tpu.memory_space<hbm>>
      %dma_start3A_397 = arith.constant 0 : i32
      %dma_start3A_398 = arith.constant 0 : i32
      %dma_start3A_399 = tpu.memref_slice %arg7[%dma_start3A_386, %dma_start3A_397, %dma_start3A_398] : memref<4x64x128xf32, #tpu.memory_space<vmem>> -> memref<1x64x128xf32, #tpu.memory_space<vmem>>
      %dma_start3A_400 = tpu.memref_squeeze %dma_start3A_399 : memref<1x64x128xf32, #tpu.memory_space<vmem>> -> memref<64x128xf32, #tpu.memory_space<vmem>>
      tpu.enqueue_dma source(%dma_start3A_400 : memref<64x128xf32, #tpu.memory_space<vmem>>) target(%dma_start3A_396 : memref<64x128xf32, #tpu.memory_space<hbm>>) target_semaphore(%arg15 : memref<!tpu.dma_semaphore, #tpu.memory_space<semaphore_mem>>)
    }
    %scan3A_100 = arith.constant 50 : i32
    %mul3A_101 = arith.constant 128 : i32
    %mul3A_102 = arith.muli %add3A, %mul3A_101 : i32
    %dma_wait3A = arith.constant 0 : i32
    %dma_wait3A_103 = arith.constant 196 : i32
    %dma_wait3A_104 = arith.constant 0 : i32
    %dma_wait3A_105 = arith.constant 0 : i32
    %dma_wait3A_106 = tpu.memref_slice %arg7[%dma_wait3A, %dma_wait3A_104, %dma_wait3A_105] : memref<4x64x128xf32, #tpu.memory_space<vmem>> -> memref<1x64x128xf32, #tpu.memory_space<vmem>>
    %dma_wait3A_107 = tpu.memref_squeeze %dma_wait3A_106 : memref<1x64x128xf32, #tpu.memory_space<vmem>> -> memref<64x128xf32, #tpu.memory_space<vmem>>
    %dma_wait3A_108 = arith.constant 0 : i32
    %dma_wait3A_109 = tpu.memref_slice %arg4[%dma_wait3A_103, %dma_wait3A_108, %mul3A_102] : memref<200x64x4096xf32, #tpu.memory_space<hbm>> -> memref<1x64x128xf32, #tpu.memory_space<hbm>>
    %dma_wait3A_110 = tpu.memref_squeeze %dma_wait3A_109 : memref<1x64x128xf32, #tpu.memory_space<hbm>> -> memref<64x128xf32, #tpu.memory_space<hbm>>
    %dma_wait3A_111 = arith.constant 0 : i32
    %dma_wait3A_112 = tpu.memref_slice %arg4[%dma_wait3A_103, %dma_wait3A_111, %mul3A_102] : memref<200x64x4096xf32, #tpu.memory_space<hbm>> -> memref<1x64x128xf32, #tpu.memory_space<hbm>>
    %dma_wait3A_113 = tpu.memref_squeeze %dma_wait3A_112 : memref<1x64x128xf32, #tpu.memory_space<hbm>> -> memref<64x128xf32, #tpu.memory_space<hbm>>
    %dma_wait3A_114 = arith.constant 0 : i32
    %dma_wait3A_115 = arith.constant 0 : i32
    %dma_wait3A_116 = tpu.memref_slice %arg7[%dma_wait3A, %dma_wait3A_114, %dma_wait3A_115] : memref<4x64x128xf32, #tpu.memory_space<vmem>> -> memref<1x64x128xf32, #tpu.memory_space<vmem>>
    %dma_wait3A_117 = tpu.memref_squeeze %dma_wait3A_116 : memref<1x64x128xf32, #tpu.memory_space<vmem>> -> memref<64x128xf32, #tpu.memory_space<vmem>>
    tpu.wait_dma2 semaphore(%arg12 : memref<!tpu.dma_semaphore, #tpu.memory_space<semaphore_mem>>) src(%dma_wait3A_117 : memref<64x128xf32, #tpu.memory_space<vmem>>) dst(%dma_wait3A_113 : memref<64x128xf32, #tpu.memory_space<hbm>>)
    %mul3A_118 = arith.constant 128 : i32
    %mul3A_119 = arith.muli %add3A, %mul3A_118 : i32
    %dma_wait3A_120 = arith.constant 1 : i32
    %dma_wait3A_121 = arith.constant 197 : i32
    %dma_wait3A_122 = arith.constant 0 : i32
    %dma_wait3A_123 = arith.constant 0 : i32
    %dma_wait3A_124 = tpu.memref_slice %arg7[%dma_wait3A_120, %dma_wait3A_122, %dma_wait3A_123] : memref<4x64x128xf32, #tpu.memory_space<vmem>> -> memref<1x64x128xf32, #tpu.memory_space<vmem>>
    %dma_wait3A_125 = tpu.memref_squeeze %dma_wait3A_124 : memref<1x64x128xf32, #tpu.memory_space<vmem>> -> memref<64x128xf32, #tpu.memory_space<vmem>>
    %dma_wait3A_126 = arith.constant 0 : i32
    %dma_wait3A_127 = tpu.memref_slice %arg4[%dma_wait3A_121, %dma_wait3A_126, %mul3A_119] : memref<200x64x4096xf32, #tpu.memory_space<hbm>> -> memref<1x64x128xf32, #tpu.memory_space<hbm>>
    %dma_wait3A_128 = tpu.memref_squeeze %dma_wait3A_127 : memref<1x64x128xf32, #tpu.memory_space<hbm>> -> memref<64x128xf32, #tpu.memory_space<hbm>>
    %dma_wait3A_129 = arith.constant 0 : i32
    %dma_wait3A_130 = tpu.memref_slice %arg4[%dma_wait3A_121, %dma_wait3A_129, %mul3A_119] : memref<200x64x4096xf32, #tpu.memory_space<hbm>> -> memref<1x64x128xf32, #tpu.memory_space<hbm>>
    %dma_wait3A_131 = tpu.memref_squeeze %dma_wait3A_130 : memref<1x64x128xf32, #tpu.memory_space<hbm>> -> memref<64x128xf32, #tpu.memory_space<hbm>>
    %dma_wait3A_132 = arith.constant 0 : i32
    %dma_wait3A_133 = arith.constant 0 : i32
    %dma_wait3A_134 = tpu.memref_slice %arg7[%dma_wait3A_120, %dma_wait3A_132, %dma_wait3A_133] : memref<4x64x128xf32, #tpu.memory_space<vmem>> -> memref<1x64x128xf32, #tpu.memory_space<vmem>>
    %dma_wait3A_135 = tpu.memref_squeeze %dma_wait3A_134 : memref<1x64x128xf32, #tpu.memory_space<vmem>> -> memref<64x128xf32, #tpu.memory_space<vmem>>
    tpu.wait_dma2 semaphore(%arg13 : memref<!tpu.dma_semaphore, #tpu.memory_space<semaphore_mem>>) src(%dma_wait3A_135 : memref<64x128xf32, #tpu.memory_space<vmem>>) dst(%dma_wait3A_131 : memref<64x128xf32, #tpu.memory_space<hbm>>)
    %mul3A_136 = arith.constant 128 : i32
    %mul3A_137 = arith.muli %add3A, %mul3A_136 : i32
    %dma_wait3A_138 = arith.constant 2 : i32
    %dma_wait3A_139 = arith.constant 198 : i32
    %dma_wait3A_140 = arith.constant 0 : i32
    %dma_wait3A_141 = arith.constant 0 : i32
    %dma_wait3A_142 = tpu.memref_slice %arg7[%dma_wait3A_138, %dma_wait3A_140, %dma_wait3A_141] : memref<4x64x128xf32, #tpu.memory_space<vmem>> -> memref<1x64x128xf32, #tpu.memory_space<vmem>>
    %dma_wait3A_143 = tpu.memref_squeeze %dma_wait3A_142 : memref<1x64x128xf32, #tpu.memory_space<vmem>> -> memref<64x128xf32, #tpu.memory_space<vmem>>
    %dma_wait3A_144 = arith.constant 0 : i32
    %dma_wait3A_145 = tpu.memref_slice %arg4[%dma_wait3A_139, %dma_wait3A_144, %mul3A_137] : memref<200x64x4096xf32, #tpu.memory_space<hbm>> -> memref<1x64x128xf32, #tpu.memory_space<hbm>>
    %dma_wait3A_146 = tpu.memref_squeeze %dma_wait3A_145 : memref<1x64x128xf32, #tpu.memory_space<hbm>> -> memref<64x128xf32, #tpu.memory_space<hbm>>
    %dma_wait3A_147 = arith.constant 0 : i32
    %dma_wait3A_148 = tpu.memref_slice %arg4[%dma_wait3A_139, %dma_wait3A_147, %mul3A_137] : memref<200x64x4096xf32, #tpu.memory_space<hbm>> -> memref<1x64x128xf32, #tpu.memory_space<hbm>>
    %dma_wait3A_149 = tpu.memref_squeeze %dma_wait3A_148 : memref<1x64x128xf32, #tpu.memory_space<hbm>> -> memref<64x128xf32, #tpu.memory_space<hbm>>
    %dma_wait3A_150 = arith.constant 0 : i32
    %dma_wait3A_151 = arith.constant 0 : i32
    %dma_wait3A_152 = tpu.memref_slice %arg7[%dma_wait3A_138, %dma_wait3A_150, %dma_wait3A_151] : memref<4x64x128xf32, #tpu.memory_space<vmem>> -> memref<1x64x128xf32, #tpu.memory_space<vmem>>
    %dma_wait3A_153 = tpu.memref_squeeze %dma_wait3A_152 : memref<1x64x128xf32, #tpu.memory_space<vmem>> -> memref<64x128xf32, #tpu.memory_space<vmem>>
    tpu.wait_dma2 semaphore(%arg14 : memref<!tpu.dma_semaphore, #tpu.memory_space<semaphore_mem>>) src(%dma_wait3A_153 : memref<64x128xf32, #tpu.memory_space<vmem>>) dst(%dma_wait3A_149 : memref<64x128xf32, #tpu.memory_space<hbm>>)
    %mul3A_154 = arith.constant 128 : i32
    %mul3A_155 = arith.muli %add3A, %mul3A_154 : i32
    %dma_wait3A_156 = arith.constant 3 : i32
    %dma_wait3A_157 = arith.constant 199 : i32
    %dma_wait3A_158 = arith.constant 0 : i32
    %dma_wait3A_159 = arith.constant 0 : i32
    %dma_wait3A_160 = tpu.memref_slice %arg7[%dma_wait3A_156, %dma_wait3A_158, %dma_wait3A_159] : memref<4x64x128xf32, #tpu.memory_space<vmem>> -> memref<1x64x128xf32, #tpu.memory_space<vmem>>
    %dma_wait3A_161 = tpu.memref_squeeze %dma_wait3A_160 : memref<1x64x128xf32, #tpu.memory_space<vmem>> -> memref<64x128xf32, #tpu.memory_space<vmem>>
    %dma_wait3A_162 = arith.constant 0 : i32
    %dma_wait3A_163 = tpu.memref_slice %arg4[%dma_wait3A_157, %dma_wait3A_162, %mul3A_155] : memref<200x64x4096xf32, #tpu.memory_space<hbm>> -> memref<1x64x128xf32, #tpu.memory_space<hbm>>
    %dma_wait3A_164 = tpu.memref_squeeze %dma_wait3A_163 : memref<1x64x128xf32, #tpu.memory_space<hbm>> -> memref<64x128xf32, #tpu.memory_space<hbm>>
    %dma_wait3A_165 = arith.constant 0 : i32
    %dma_wait3A_166 = tpu.memref_slice %arg4[%dma_wait3A_157, %dma_wait3A_165, %mul3A_155] : memref<200x64x4096xf32, #tpu.memory_space<hbm>> -> memref<1x64x128xf32, #tpu.memory_space<hbm>>
    %dma_wait3A_167 = tpu.memref_squeeze %dma_wait3A_166 : memref<1x64x128xf32, #tpu.memory_space<hbm>> -> memref<64x128xf32, #tpu.memory_space<hbm>>
    %dma_wait3A_168 = arith.constant 0 : i32
    %dma_wait3A_169 = arith.constant 0 : i32
    %dma_wait3A_170 = tpu.memref_slice %arg7[%dma_wait3A_156, %dma_wait3A_168, %dma_wait3A_169] : memref<4x64x128xf32, #tpu.memory_space<vmem>> -> memref<1x64x128xf32, #tpu.memory_space<vmem>>
    %dma_wait3A_171 = tpu.memref_squeeze %dma_wait3A_170 : memref<1x64x128xf32, #tpu.memory_space<vmem>> -> memref<64x128xf32, #tpu.memory_space<vmem>>
    tpu.wait_dma2 semaphore(%arg15 : memref<!tpu.dma_semaphore, #tpu.memory_space<semaphore_mem>>) src(%dma_wait3A_171 : memref<64x128xf32, #tpu.memory_space<vmem>>) dst(%dma_wait3A_167 : memref<64x128xf32, #tpu.memory_space<hbm>>)
    return
  }
}

</mosaic_0001>

<sc_bundles>
// kernel: kernel.3.cloned.1.call-start
scs
__scs_entry_jumppad:
0x0: {  	(pc) =	sbr.rel $0x88, $3  }
0x1: {  	(tag) =	ssettag $0x0;
	lr =	simm.s32 $0x1  }
0x2: {  	[smem:$0x3F9F] =	sst lr;
	_ =	strace $0xD0000000  }
0x3: {  	_ = 	snop  }
0x4: {  	_ = 	snop  }
0x5: {  	_ = 	snop  }
0x6: {  	_ = 	snop  }
0x7: {  	_ = 	snop  }
__scs_overlays_trampoline_lowered:
0x8: {  	[smem:$0x3FAE] =	sst s0  }
0x9: {  	[smem:$0x3FAF] =	sst s1  }
0xa: {  	[smem:$0x3FB0] =	sst s2  }
0xb: {  	[smem:$0x3FB1] =	sst s3  }
0xc: {  	[smem:$0x3FB2] =	sst s4  }
0xd: {  	[smem:$0x3FB3] =	sst s5  }
0xe: {  	[smem:$0x3FB4] =	sst s6  }
0xf: {  	[smem:$0x3FB5] =	sst s7  }
0x10: {  	[smem:$0x3FB6] =	sst s8  }
0x11: {  	[smem:$0x3FB7] =	sst s9;
	s0 =	simm.s32 @!p0 $0x0  }
0x12: {  	s1 =	sld [smem:$0x3F9D];
	s0 =	simm.s32 @p0 $0x1  }
0x13: {  	[smem:$0x3FB8] =	sst s0;
	s0 =	simm.s32 @!p1 $0x0  }
0x14: {  	s2 =	sld [smem:$0x3F9C];
	s0 =	simm.s32 @p1 $0x1  }
0x15: {  	[smem:$0x3FB9] =	sst s0;
	s0 =	simm.s32 @!p2 $0x0  }
0x16: {  	s3 =	sld [smem:$0x3FDB];
	s0 =	simm.s32 @p2 $0x1  }
0x17: {  	s4 =	simm.s32 $0x1BF5;
	[smem:$0x3FBB] =	sst s0  }
0x18: {  	s0 =	sld [smem:$0x3F9E];
	_ =	swait.ge [sflag:s4], $0x0  }
0x19: {  	s7 =	sld [smem:$0x3F9F]  }
0x1a: {  	s8 =	sadd.s32 $0xFFFFE003, lr  }
0x1b: {  	s9 =	sadd.s32 $0xFFFFFEF7, lr;
	s5 =	simm.s32 $0xFFFFFFFF;
	p2 =	slt.u32 s8, $0xFFFFF086  }
0x1c: {  	p1 =	slt.u32 s9, $0xF7A;
	s5 =	simm.s32 @!p2 $0x0  }
0x1d: {  	s5 =	simm.s32 @p1 $0x1;
	p0 =	seq.s32 s7, s2  }
0x1e: {  	s7 =	smul.u32 @!p0 $0xF7A, s2;
	p2 =	seq.s32 @!p0 s5, $0x0  }
0x1f: {  	s9 =	smul.u32 $0xF7A, s1;
	s8 =	simm.s32 @!p0 $0x1BF5;
	p2 =	por !p2, p0  }
0x20: {  	[sflag:s8] =	ssyncset.s32 @!p0 $0xFFFFF086;
	s6 =	sadd.s32 @!p0 s3, s7;
	s7 =	simm.s32 @!p0 $0x108  }
0x21: {  	s3 =	sadd.s32 s3, s9;
	s6 =	sadd.s32 @!p0 $0x88, s6;
	s7 =	simm.s32 @p2 $0x1082  }
0x22: {  	[simem:s7], [sflag:s8] =	dma.local @!p0 [hbm:s6], $0xF7A  }
0x23: {  	s9 =	sor.u32 $0xD0000000, s2;
	s6 =	simm.s32 $0x108;
	_ =	swait.ge @!p0 [sflag:s8], $0x0  }
0x24: {  	s3 =	sadd.s32 $0x88, s3;
	s6 =	simm.s32 @!p1 $0x1082;
	[sflag:s4] =	ssyncset.s32 $0xFFFFF086  }
0x25: {  	[simem:s6], [sflag:s4] =	dma.local [hbm:s3], $0xF7A  }
0x26: {  	[smem:$0x3F9F] =	sst s1;
	(tag) =	ssettag s2;
	_ =	strace s9  }
0x27: {  	s1 =	sld [smem:$0x3FAF]  }
0x28: {  	s2 =	sld [smem:$0x3FB0]  }
0x29: {  	s4 =	sld [smem:$0x3FB2]  }
0x2a: {  	p0 =	seq.s32 s5, $0x0;
	s5 =	sld [smem:$0x3FB3]  }
0x2b: {  	s6 =	sld [smem:$0x3FB4]  }
0x2c: {  	s7 =	sld [smem:$0x3FB5]  }
0x2d: {  	s3 =	simm.s32 $0x108;
	s8 =	sld [smem:$0x3FB6]  }
0x2e: {  	s3 =	simm.s32 @!p0 $0x1082;
	s9 =	sld [smem:$0x3FB7]  }
0x2f: {  	lr =	sadd.s32 s0, s3;
	s0 =	sld [smem:$0x3FAE]  }
0x30: {  	s3 =	sld [smem:$0x3FB1]  }
0x31: {  	[smem:$0x3FBA] =	sst s10  }
0x32: {  	s10 =	sld [smem:$0x3FB8];
	_ =	sdelay $0x3  }
0x33: {  	p0 =	seq.s32 s10, $0x1;
	s10 =	sld [smem:$0x3FBA];
	_ =	sdelay $0x3  }
0x34: {  	[smem:$0x3FBA] =	sst s10  }
0x35: {  	s10 =	sld [smem:$0x3FB9];
	_ =	sdelay $0x3  }
0x36: {  	p1 =	seq.s32 s10, $0x1;
	s10 =	sld [smem:$0x3FBA];
	_ =	sdelay $0x3  }
0x37: {  	[smem:$0x3FBA] =	sst s10  }
0x38: {  	s10 =	sld [smem:$0x3FBB]  }
0x39: {  	_ = 	snop;
	(pc) =	sbr.ind lr, $3  }
0x3a: {  	_ = 	snop  }
0x3b: {  	_ = 	snop  }
0x3c: {  	p2 =	seq.s32 s10, $0x1;
	s10 =	sld [smem:$0x3FBA]  }
0x3d: {  	_ =	shalt  }
0x3e: {  	_ =	shalt  }
0x3f: {  	_ =	shalt  }
0x40: {  	_ =	shalt  }
0x41: {  	_ =	shalt  }
0x42: {  	_ =	shalt  }
0x43: {  	_ =	shalt  }
0x44: {  	_ =	shalt  }
0x45: {  	_ =	shalt  }
0x46: {  	_ =	shalt  }
0x47: {  	_ =	shalt  }
0x48: {  	_ =	shalt  }
0x49: {  	_ =	shalt  }
0x4a: {  	_ =	shalt  }
0x4b: {  	_ =	shalt  }
0x4c: {  	_ =	shalt  }
0x4d: {  	_ =	shalt  }
0x4e: {  	_ =	shalt  }
0x4f: {  	_ =	shalt  }
0x50: {  	_ =	shalt  }
0x51: {  	_ =	shalt  }
0x52: {  	_ =	shalt  }
0x53: {  	_ =	shalt  }
0x54: {  	_ =	shalt  }
0x55: {  	_ =	shalt  }
0x56: {  	_ =	shalt  }
0x57: {  	_ =	shalt  }
0x58: {  	_ =	shalt  }
0x59: {  	_ =	shalt  }
0x5a: {  	_ =	shalt  }
0x5b: {  	_ =	shalt  }
0x5c: {  	_ =	shalt  }
0x5d: {  	_ =	shalt  }
0x5e: {  	_ =	shalt  }
0x5f: {  	_ =	shalt  }
0x60: {  	_ =	shalt  }
0x61: {  	_ =	shalt  }
0x62: {  	_ =	shalt  }
0x63: {  	_ =	shalt  }
0x64: {  	_ =	shalt  }
0x65: {  	_ =	shalt  }
0x66: {  	_ =	shalt  }
0x67: {  	_ =	shalt  }
0x68: {  	_ =	shalt  }
0x69: {  	_ =	shalt  }
0x6a: {  	_ =	shalt  }
0x6b: {  	_ =	shalt  }
0x6c: {  	_ =	shalt  }
0x6d: {  	_ =	shalt  }
0x6e: {  	_ =	shalt  }
0x6f: {  	_ =	shalt  }
0x70: {  	_ =	shalt  }
0x71: {  	_ =	shalt  }
0x72: {  	_ =	shalt  }
0x73: {  	_ =	shalt  }
0x74: {  	_ =	shalt  }
0x75: {  	_ =	shalt  }
0x76: {  	_ =	shalt  }
0x77: {  	_ =	shalt  }
0x78: {  	_ =	shalt  }
0x79: {  	_ =	shalt  }
0x7a: {  	_ =	shalt  }
0x7b: {  	_ =	shalt  }
0x7c: {  	_ =	shalt  }
0x7d: {  	_ =	shalt  }
0x7e: {  	_ =	shalt  }
0x7f: {  	_ =	shalt  }
0x80: {  	_ =	shalt  }
0x81: {  	_ =	shalt  }
0x82: {  	_ =	shalt  }
0x83: {  	_ =	shalt  }
0x84: {  	_ =	shalt  }
0x85: {  	_ =	shalt  }
0x86: {  	_ =	shalt  }
0x87: {  	_ =	shalt  }
.Lfunc_end0:
.L_simem_size_0:
called_computation_lowered:
.L_overlay_start_0:
0x88: {  	s2 =	sld [smem:$0x3FD9]  }
0x89: {  	s3 =	sld [smem:$0x3FFE];
	_ =	sdelay $0x1  }
0x8a: {  	s1 =	srdreg.scid  }
0x8b: {  	s0 =	sand.u32 $0x1, s1  }
0x8c: {  	s17 =	sshll.u32 s0, $0xA;
	s2 =	sadd.s32 s3, s2  }
0x8d: {  	s2 =	sadd.s32 s2, s17  }
0x8e: {  	[smem:$0x3FC6] =	sst s2  }
0x8f: {  	_ = 	snop  }
0x90: {  	s2 =	sld [smem:$0x3FD0];
	(tm) =	ssettm $0x1  }
0x91: {  	s18 =	sld [smem:$0x3FFB];
	_ =	sdelay $0x3  }
0x92: {  	_ =	strace s18  }
0x93: {  	s3 =	sld [smem:$0x3FFC];
	_ =	sdelay $0x3  }
0x94: {  	_ =	strace s3  }
0x95: {  	s3 =	sld [smem:$0x3FFD];
	_ =	sdelay $0x3  }
0x96: {  	_ =	strace s3  }
0x97: {  	_ =	strace $0x8FFFFFFF  }
0x98: {  	s19 =	sld [smem:$0x3FDB];
	_ =	sdelay $0x1  }
0x99: {  	s4 =	simm.s32 $_scs_section_size  }
0x9a: {  	s5 =	simm.s32 $_size__tile_overlayer_lowered;
	s6 =	simm.s32 $_tile_overlayer_lowered  }
0x9b: {  	s22 =	simm.s32 $0x1BFF;
	s21 =	sshll.u32 s6, $0x1;
	s3 =	sadd.s32 s4, s19  }
0x9c: {  	s7 =	simm.s32 $0x0;
	s20 =	sshll.u32 s5, $0x1;
	s5 =	sadd.s32 s21, s3  }
0x9d: {  	[timem:s7], [sflag:s22] =	dma.local [hbm:s5], s20  }
0x9e: {  	_ =	swait.ge [sflag:s22], s20  }
0x9f: {  	s4 =	ssub.s32 $0x0, s20;
	[sflag:s22] =	ssyncset.done $0x0  }
0xa0: {  	[sflag:s22] =	ssyncadd.s32 s4;
	_ =	sdelay $0x1  }
0xa1: {  	s23 =	simm.s32 $0x1B8B  }
0xa2: {  	_ =	swait.ge [sflag:s23], $0x1  }
0xa3: {  	[sflag:s23] =	ssyncset.done $0x0  }
0xa4: {  	s25 =	simm.s32 $0x1B8E;
	s24 =	sld [smem:$0x3FFE];
	[sflag:s23] =	ssyncadd.s32 $0xFFFFFFFF  }
0xa5: {  	s26 =	simm.s32 $execute0_lowered;
	[smem:$0x3FD2] =	sst s25  }
0xa6: {  	s5 =	sshll.u32 s26, $0x1;
	_ =	strace $0x80000046;
	[dreg:$0x1] =	wrdreg $0xFFFFFFFF  }
0xa7: {  	s28 =	simm.s32 $_size_execute0_lowered;
	s3 =	sadd.s32 s3, s5;
	[dreg:$0x0] =	wrdreg $0x0  }
0xa8: {  	s5 =	sshll.u32 s28, $0x1;
	[dreg:$0x2] =	wrdreg s3  }
0xa9: {  	[dreg:$0x3] =	wrdreg s5  }
0xaa: {  	[dreg:$0x4] =	wrdreg $0xC0  }
0xab: {  	_ =	task [dreg:s7], $0x5FFFF  }
0xac: {  	[dreg:$0x1] =	wrdreg $0xFFFFFFFF  }
0xad: {  	[dreg:$0x0] =	wrdreg $0x60  }
0xae: {  	[dreg:$0x2] =	wrdreg s24  }
0xaf: {  	[dreg:$0x3] =	wrdreg s2  }
0xb0: {  	[dreg:$0x4] =	wrdreg $0x9  }
0xb1: {  	_ =	task.clear_ibuf [dreg:s7], $0x5FFFF;
	_ =	strace $0x90000046  }
0xb2: {  	s29 =	simm.s32 $0x9;
	_ =	strace $0x80000048  }
0xb3: {  	_ =	swait.ge [sflag:s29], $0x1  }
0xb4: {  	[sflag:s29] =	ssyncadd.s32 $0xFFFFFFFF  }
0xb5: {  	_ =	strace $0x90000048  }
0xb6: {  	_ =	sfence  }
0xb7: {  	s30 =	sld [smem:$0x0];
	_ =	sdelay $0x2  }
0xb8: {  	s31 =	sshll.u32 s1, $0xD;
	s1 =	sshrl.u32 s1, $0x2  }
0xb9: {  	s3 =	sand.u32 $0x4000, s31;
	s1 =	sadd.s32 s1, s30  }
0xba: {  	s0 =	sor.u32 s3, s0;
	s1 =	sshll.u32 s1, $0x11  }
0xbb: {  	s0 =	sor.u32 s1, s0  }
0xbc: {  	s0 =	sadd.s32 $0x8F2B, s0  }
0xbd: {  	[sflag:s0] =	ssyncadd.remote.s32 $0x1  }
0xbe: {  	_ =	sfence.sel $0xFFFF  }
0xbf: {  	[dreg:$0x0] =	wrdreg $0xFFFFFFFF;
	(pc) =	sbr.abs _section_cstart, $3  }
0xc0: {  	[dreg:$0x1] =	wrdreg $0xFFFFFFFF  }
0xc1: {  	_ =	task.clear_ibuf [dreg:s7], $0x2FFFF;
	_ =	strace $0x9FFFFFFF  }
0xc2: {  	(tm) =	ssettm $0x7FFFFFFF  }
0xc3: {  	_ =	shalt  }
tec
execute0_lowered:
.L_overlay_start_1:
0x0: {  	(tag) =	ssettag $0x1  }
0x1: {  	v0 =	vimm.s32 $0xFEDCBA9  }
0x2: {  	v2 =	vimm.s32 $0x87654321;
	v3 =	vimm.s32 $0x98765432;
	v4 =	vimm.s32 $0x210FEDCB  }
0x3: {  	v5 =	vimm.s32 $0xA9876543;
	v15 =	vimm.s32 $0xCBA98765;
	v17 =	vimm.s32 $0x6543210F  }
0x4: {  	v18 =	vimm.s32 $0xEDCBA987;
	v19 =	vimm.s32 $0xFEDCBA98;
	v20 =	vimm.s32 $0x76543210  }
0x5: {  	v1 =	vunpack.c.l.s4.s8 v0;
	v0 =	vlaneseq.u32;
	v3 =	vunpack.c.l.s4.s8 v3  }
0x6: {  	v4 =	vunpack.c.l.s4.s8 v4;
	v17 =	vunpack.c.l.s4.s8 v17;
	v18 =	vunpack.c.l.s4.s8 v18  }
0x7: {  	v19 =	vunpack.c.l.s4.s8 v19;
	v7 =	vunpack.c.0.s8.s32 v1;
	v1 =	vunpack.c.l.s4.s8 v2  }
0x8: {  	v2 =	vimm.s32 $0x10FEDCBA;
	v10 =	vunpack.c.0.s8.s32 v3;
	v11 =	vunpack.c.0.s8.s32 v4  }
0x9: {  	v17 =	vunpack.c.0.s8.s32 v17;
	v18 =	vunpack.c.0.s8.s32 v18;
	v2 =	vunpack.c.l.s4.s8 v2  }
0xa: {  	v19 =	vunpack.c.0.s8.s32 v19;
	v8 =	vunpack.c.0.s8.s32 v1;
	v1 =	vunpack.c.l.s4.s8 v5  }
0xb: {  	v23 =	vcombine.low v18, v17;
	v9 =	vunpack.c.0.s8.s32 v2;
	v2 =	vimm.s32 $0x3210FEDC  }
0xc: {  	v19 =	vand.u32 $0xF, v19;
	v12 =	vunpack.c.0.s8.s32 v1;
	v1 =	vunpack.c.l.s4.s8 v2  }
0xd: {  	v2 =	vimm.s32 $0xBA987654;
	v3 =	vcombine.low v8, v7;
	v63 =	vcombine.low v7, v8  }
0xe: {  	s0 =	rddreg [dreg:$0x0];
	s1 =	srdreg.scid;
	v8 =	vand.u32 $0xF, v23;
	v4 =	vcombine.low v10, v9;
	v2 =	vunpack.c.l.s4.s8 v2  }
0xf: {  	s3 =	stileid.u32;
	s2 =	rddreg [dreg:$0x1];
	s4 =	simm.s32 $0x0;
	v10 =	vcombine.low v9, v10;
	v5 =	vcombine.low v12, v11;
	v13 =	vunpack.c.0.s8.s32 v1  }
0x10: {  	s9 =	simm.s32 $0x80;
	s10 =	simm.s32 $0x12400;
	s11 =	simm.s32 $0x1;
	v1 =	vimm.s32 $0x43210FED;
	v11 =	vcombine.low v11, v12;
	v14 =	vunpack.c.0.s8.s32 v2  }
0x11: {  	s12 =	simm.s32 $0x6400;
	s13 =	simm.s32 $0x16400;
	s14 =	simm.s32 $0x400;
	v6 =	vunpack.c.l.s4.s8 v1;
	v2 =	vand.u32 $0xF, v4;
	v4 =	vunpack.c.l.s4.s8 v15  }
0x12: {  	s15 =	simm.s32 $0x8000;
	s16 =	simm.s32 $0x2;
	s17 =	simm.s32 $0xA400;
	v9 =	vand.u32 $0xF, v63;
	v1 =	vand.u32 $0xF, v3;
	v10 =	vand.u32 $0xF, v10  }
0x13: {  	s18 =	simm.s32 $0x18400;
	s19 =	simm.s32 $0x3;
	s20 =	simm.s32 $0xE400;
	v3 =	vand.u32 $0xF, v5;
	v15 =	vunpack.c.0.s8.s32 v6;
	v16 =	vunpack.c.0.s8.s32 v4  }
0x14: {  	s21 =	simm.s32 $0x1A400;
	s22 =	simm.s32 $0x4;
	s23 =	simm.s32 $0x1C400;
	v4 =	vimm.s32 $0x543210FE;
	v6 =	vimm.s32 $0xDCBA9876;
	v12 =	vcombine.low v13, v14  }
0x15: {  	s24 =	simm.s32 $0x5;
	s1 =	sand.u32 $0x1, s1;
	s3 =	sshll.u32 s3, $0x1;
	v11 =	vand.u32 $0xF, v11;
	v4 =	vunpack.c.l.s4.s8 v4;
	v6 =	vunpack.c.l.s4.s8 v6  }
0x16: {  	s25 =	simm.s32 $0x6;
	s3 =	sor.u32 s1, s3;
	s1 =	ssub.s32 $0x2, s1;
	v5 =	vcombine.low v14, v13;
	v13 =	vcombine.low v15, v16;
	v12 =	vand.u32 $0xF, v12  }
0x17: {  	s28 =	simm.s32 $0x8;
	s26 =	smul.u32 $0xC80, s3;
	s5 =	sshrl.u32 s1, $0x1;
	v21 =	vunpack.c.0.s8.s32 v4;
	v22 =	vunpack.c.0.s8.s32 v6;
	v6 =	vunpack.c.l.s4.s8 v20  }
0x18: {  	s29 =	simm.s32 $0x0;
	[smem:$0x7FF] =	sst s4;
	s30 =	ssub.s32 s1, s5;
	v4 =	vand.u32 $0xF, v5;
	v5 =	vcombine.low v16, v15;
	v15 =	vcombine.low v17, v18  }
0x19: {  	s4 =	sadd.s32 $0x19800, s0;
	s6 =	sadd.s32 s26, s0;
	s0 =	smax.u32 s30, $0x1;
	v6 =	vunpack.c.0.s8.s32 v6;
	v62 =	vcombine.low v22, v21;
	v14 =	vcombine.low v21, v22  }
0x1a: {  	_ =	strace $0x80000047;
	s31 =	sadd.s32 $0x800, s6;
	[dreg:$0x4] =	wrdreg s0;
	v13 =	vand.u32 $0xF, v13;
	v5 =	vand.u32 $0xF, v5;
	v15 =	vand.u32 $0xF, v15  }
0x1b: {  	s26 =	simm.s32 $0x7;
	s6 =	sshll.u32 s3, $0xA;
	[dreg:$0x3] =	wrdreg s31;
	v6 =	vcombine.low v19, v6;
	v7 =	vand.u32 $0xF, v62;
	v14 =	vand.u32 $0xF, v14  }
.LBB2_1:
0x1c: {  	s0 =	simm.s32 $0x0;
	s1 =	rddreg [dreg:$0x3];
	s31 =	simm.s32 $0x9  }
0x1d: {  	[tilespmem:s0], [sflag:$0x9] =	stream.linear.gather [hbm4b:s1+s0], $0x6400, $0x38;
	[tilespmem:$0x1E400] =	vst v63  }
0x1e: {  	_ =	swait.ge [sflag:s31], $0x6400  }
0x1f: {  	[sflag:s31] =	ssyncset.done $0x0  }
0x20: {  	s30 =	simm.s32 $0x0;
	[sflag:s31] =	ssyncadd.s32 $0xFFFF9C00  }
.LBB2_2:
0x21: {  	p0 =	sne.s32 s30, $0x0  }
0x22: {  	s0 =	simm.s32 @p0 $0x5  }
0x23: {  	_ =	swait.ge @p0 [sflag:s0], $0x2000  }
0x24: {  	[sflag:s0] =	ssyncset.done @p0 $0x0  }
0x25: {  	[sflag:s0] =	ssyncadd.s32 @p0 $0xFFFFE000;
	s0 =	sshll.u32 @p0 s30, $0x9  }
0x26: {  	s3 =	simm.s32 @p0 $0x80;
	s1 =	simm.s32 @p0 $0x6400;
	s0 =	sand.u32 @p0 $0x3FFFFE00, s0  }
0x27: {  	[tilespmem:s1], [sflag:$0x1] =	stream.indirect.gather @p0 [hbm4b:s4+s3], $0x80, s0, s3, $0xb8;
	[tilespmem:$0x1E400] =	vst v63  }
0x28: {  	s5 =	simm.s32 @p0 $0x6;
	s1 =	sshll.u32 @p0 s30, $0x2  }
0x29: {  	s0 =	sor.u32 @p0 $0x1, s1;
	_ =	swait.ge @p0 [sflag:s5], $0x2000  }
0x2a: {  	[sflag:s5] =	ssyncset.done @p0 $0x0;
	s7 =	sshll.u32 @p0 s0, $0x7  }
0x2b: {  	[sflag:s5] =	ssyncadd.s32 @p0 $0xFFFFE000;
	s5 =	sand.u32 @p0 $0x3FFFFE80, s7;
	s7 =	simm.s32 @p0 $0xA400  }
0x2c: {  	[tilespmem:s7], [sflag:$0x2] =	stream.indirect.gather @p0 [hbm4b:s4+s3], $0x80, s5, s3, $0xb8;
	[tilespmem:$0x1E400] =	vst v63  }
0x2d: {  	s5 =	simm.s32 @p0 $0x7  }
0x2e: {  	s1 =	sor.u32 @p0 $0x2, s1;
	_ =	swait.ge @p0 [sflag:s5], $0x2000  }
0x2f: {  	s7 =	sshll.u32 @p0 s1, $0x7;
	[sflag:s5] =	ssyncset.done @p0 $0x0  }
0x30: {  	[sflag:s5] =	ssyncadd.s32 @p0 $0xFFFFE000;
	s5 =	sand.u32 @p0 $0x3FFFFF00, s7;
	s7 =	simm.s32 @p0 $0xE400  }
0x31: {  	[tilespmem:s7], [sflag:$0x3] =	stream.indirect.gather @p0 [hbm4b:s4+s3], $0x80, s5, s3, $0xb8;
	[tilespmem:$0x1E400] =	vst v63  }
0x32: {  	s3 =	simm.s32 @p0 $0x8  }
0x33: {  	_ =	swait.ge @p0 [sflag:s3], $0x2000  }
0x34: {  	s5 =	simm.s32 @!p0 $0x0;
	[sflag:s3] =	ssyncset.done @p0 $0x0  }
0x35: {  	s7 =	simm.s32 @!p0 $0x6400;
	[sflag:s3] =	ssyncadd.s32 @p0 $0xFFFFE000;
	s3 =	simm.s32 @!p0 $0x80  }
0x36: {  	[tilespmem:s7], [sflag:$0x1] =	stream.indirect.gather @!p0 [hbm4b:s4+s3], $0x80, s5, s3, $0xb8;
	[tilespmem:$0x1E400] =	vst v63  }
0x37: {  	s5 =	simm.s32 @!p0 $0xA400  }
0x38: {  	[tilespmem:s5], [sflag:$0x2] =	stream.indirect.gather @!p0 [hbm4b:s4+s3], $0x80, s3, s3, $0xb8;
	[tilespmem:$0x1E400] =	vst v63  }
0x39: {  	s7 =	simm.s32 @!p0 $0xE400;
	s5 =	simm.s32 @!p0 $0x100  }
0x3a: {  	[tilespmem:s7], [sflag:$0x3] =	stream.indirect.gather @!p0 [hbm4b:s4+s3], $0x80, s5, s3, $0xb8;
	[tilespmem:$0x1E400] =	vst v63  }
0x3b: {  	s7 =	simm.s32 $0x0  }
0x3c: {  	s31 =	sshllo.u32 @p0 s30, $0x2;
	s8 =	sand.u32 $0x70, s7  }
0x3d: {  	s31 =	simm.s32 @!p0 $0x3;
	s3 =	sand.u32 $0x30, s7;
	v16 =	vor.u32 s8, v0  }
0x3e: {  	s7 =	sshll.u32 s31, $0x7;
	v17 =	vor.u32 s3, v0;
	v19 =	vshll.u32 v16, $0x7  }
0x3f: {  	s5 =	sand.u32 $0x3FFFFF80, s7;
	v18 =	vor.u32 v17, v19  }
0x40: {  	[tilespmem:s10], [sflag:$0x4] =	stream.indirect.gather [hbm4b:s4+s9], $0x80, s5, s9, $0xb8;
	[tilespmem:$0x1E400] =	vst v63  }
0x41: {  	_ =	swait.ge [sflag:s11], $0x4000  }
0x42: {  	[sflag:s11] =	ssyncset.done $0x0  }
0x43: {  	v17 =	vshll.u32 v17, $0x7;
	[sflag:s11] =	ssyncadd.s32 $0xFFFFC000  }
0x44: {  	v20 =	vor.u32 s3, v1;
	v17 =	vor.u32 v16, v17;
	v18 =	vld.idx.msk [tilespmem:v18+s12+$0x0], $0xffff  }
0x45: {  	v21 =	vor.u32 v20, v19;
	_ =	sdelay $0x3  }
0x46: {  	[tilespmem:v17+s13+$0x0] =	vst.idx.msk $0xffff, v18;
	v17 =	vshll.u32 v20, $0x7  }
0x47: {  	v20 =	vor.u32 s3, v2;
	v18 =	vld.idx.msk [tilespmem:v21+s12+$0x0], $0xffff;
	v17 =	vor.u32 v16, v17  }
0x48: {  	v50 =	vor.u32 v20, v19;
	_ =	sdelay $0x3  }
0x49: {  	[tilespmem:v17+s13+$0x0] =	vst.idx.msk $0xffff, v18;
	v17 =	vshll.u32 v20, $0x7  }
0x4a: {  	v20 =	vor.u32 s3, v3;
	v18 =	vld.idx.msk [tilespmem:v50+s12+$0x0], $0xffff;
	v17 =	vor.u32 v16, v17  }
0x4b: {  	v51 =	vor.u32 v20, v19;
	_ =	sdelay $0x3  }
0x4c: {  	[tilespmem:v17+s13+$0x0] =	vst.idx.msk $0xffff, v18;
	v17 =	vshll.u32 v20, $0x7  }
0x4d: {  	v20 =	vor.u32 s3, v4;
	v18 =	vld.idx.msk [tilespmem:v51+s12+$0x0], $0xffff;
	v17 =	vor.u32 v16, v17  }
0x4e: {  	v52 =	vor.u32 v20, v19;
	_ =	sdelay $0x3  }
0x4f: {  	[tilespmem:v17+s13+$0x0] =	vst.idx.msk $0xffff, v18;
	v17 =	vshll.u32 v20, $0x7  }
0x50: {  	v20 =	vor.u32 s3, v5;
	v18 =	vld.idx.msk [tilespmem:v52+s12+$0x0], $0xffff;
	v17 =	vor.u32 v16, v17  }
0x51: {  	v53 =	vor.u32 v20, v19;
	_ =	sdelay $0x3  }
0x52: {  	[tilespmem:v17+s13+$0x0] =	vst.idx.msk $0xffff, v18;
	v17 =	vshll.u32 v20, $0x7  }
0x53: {  	v20 =	vor.u32 s3, v7;
	v18 =	vld.idx.msk [tilespmem:v53+s12+$0x0], $0xffff;
	v17 =	vor.u32 v16, v17  }
0x54: {  	v54 =	vor.u32 v20, v19;
	_ =	sdelay $0x3  }
0x55: {  	[tilespmem:v17+s13+$0x0] =	vst.idx.msk $0xffff, v18;
	v17 =	vshll.u32 v20, $0x7  }
0x56: {  	v20 =	vor.u32 s3, v8;
	v18 =	vld.idx.msk [tilespmem:v54+s12+$0x0], $0xffff;
	v17 =	vor.u32 v16, v17  }
0x57: {  	v55 =	vor.u32 v20, v19;
	_ =	sdelay $0x3  }
0x58: {  	[tilespmem:v17+s13+$0x0] =	vst.idx.msk $0xffff, v18;
	v17 =	vshll.u32 v20, $0x7  }
0x59: {  	v20 =	vor.u32 s3, v6;
	v18 =	vld.idx.msk [tilespmem:v55+s12+$0x0], $0xffff;
	v17 =	vor.u32 v16, v17  }
0x5a: {  	v56 =	vor.u32 v20, v19;
	_ =	sdelay $0x3  }
0x5b: {  	[tilespmem:v17+s13+$0x0] =	vst.idx.msk $0xffff, v18;
	v17 =	vshll.u32 v20, $0x7  }
0x5c: {  	v20 =	vor.u32 s3, v9;
	v18 =	vld.idx.msk [tilespmem:v56+s12+$0x0], $0xffff;
	v17 =	vor.u32 v16, v17  }
0x5d: {  	v57 =	vor.u32 v20, v19;
	_ =	sdelay $0x3  }
0x5e: {  	[tilespmem:v17+s13+$0x0] =	vst.idx.msk $0xffff, v18;
	v17 =	vshll.u32 v20, $0x7  }
0x5f: {  	v20 =	vor.u32 s3, v10;
	v18 =	vld.idx.msk [tilespmem:v57+s12+$0x0], $0xffff;
	v17 =	vor.u32 v16, v17  }
0x60: {  	v58 =	vor.u32 v20, v19;
	_ =	sdelay $0x3  }
0x61: {  	[tilespmem:v17+s13+$0x0] =	vst.idx.msk $0xffff, v18;
	v17 =	vshll.u32 v20, $0x7  }
0x62: {  	v20 =	vor.u32 s3, v11;
	v18 =	vld.idx.msk [tilespmem:v58+s12+$0x0], $0xffff;
	v17 =	vor.u32 v16, v17  }
0x63: {  	v59 =	vor.u32 v20, v19;
	_ =	sdelay $0x3  }
0x64: {  	[tilespmem:v17+s13+$0x0] =	vst.idx.msk $0xffff, v18;
	v17 =	vshll.u32 v20, $0x7  }
0x65: {  	v20 =	vor.u32 s3, v12;
	v18 =	vld.idx.msk [tilespmem:v59+s12+$0x0], $0xffff;
	v17 =	vor.u32 v16, v17  }
0x66: {  	v60 =	vor.u32 v20, v19;
	_ =	sdelay $0x3  }
0x67: {  	[tilespmem:v17+s13+$0x0] =	vst.idx.msk $0xffff, v18;
	v17 =	vshll.u32 v20, $0x7  }
0x68: {  	v20 =	vor.u32 s3, v13;
	v18 =	vld.idx.msk [tilespmem:v60+s12+$0x0], $0xffff;
	v17 =	vor.u32 v16, v17  }
0x69: {  	v61 =	vor.u32 v20, v19;
	_ =	sdelay $0x3  }
0x6a: {  	[tilespmem:v17+s13+$0x0] =	vst.idx.msk $0xffff, v18;
	v17 =	vshll.u32 v20, $0x7  }
0x6b: {  	v20 =	vor.u32 s3, v14;
	v18 =	vld.idx.msk [tilespmem:v61+s12+$0x0], $0xffff;
	v17 =	vor.u32 v16, v17  }
0x6c: {  	v62 =	vor.u32 v20, v19;
	_ =	sdelay $0x3  }
0x6d: {  	[tilespmem:v17+s13+$0x0] =	vst.idx.msk $0xffff, v18;
	v17 =	vshll.u32 v20, $0x7  }
0x6e: {  	v18 =	vor.u32 s3, v15;
	v20 =	vld.idx.msk [tilespmem:v62+s12+$0x0], $0xffff;
	v63 =	vor.u32 v16, v17  }
0x6f: {  	v17 =	vor.u32 v18, v19;
	_ =	sdelay $0x1  }
0x70: {  	s0 =	sshll.u32 @p0 s0, $0x12;
	s1 =	sshll.u32 @p0 s1, $0x12  }
0x71: {  	s0 =	simm.s32 @!p0 $0x40000;
	s1 =	simm.s32 @!p0 $0x80000;
	s8 =	simm.s32 $0x4  }
0x72: {  	s8 =	sand.u32 $0x70, s8;
	s5 =	simm.s32 $0x10;
	s3 =	simm.s32 $0x8;
	[tilespmem:v63+s13+$0x0] =	vst.idx.msk $0xffff, v20  }
.LBB2_3:
0x73: {  	p0 =	sne.s32 s3, $0x7C;
	s7 =	sand.u32 $0x30, s5;
	v19 =	vor.u32 s8, v0;
	v20 =	vld.idx.msk [tilespmem:v17+s12+$0x0], $0xffff;
	v18 =	vshll.u32 v18, $0x7  }
0x74: {  	v21 =	vor.u32 s7, v0;
	v17 =	vshll.u32 v19, $0x7;
	v18 =	vor.u32 v16, v18;
	v16 =	vmovc v19  }
0x75: {  	v19 =	vor.u32 v21, v17;
	_ =	sdelay $0x3  }
0x76: {  	[tilespmem:v18+s13+$0x0] =	vst.idx.msk $0xffff, v20  }
0x77: {  	v18 =	vld.idx.msk [tilespmem:v19+s12+$0x0], $0xffff;
	v19 =	vshll.u32 v21, $0x7  }
0x78: {  	v20 =	vor.u32 s7, v1;
	v19 =	vor.u32 v16, v19  }
0x79: {  	v21 =	vor.u32 v20, v17;
	_ =	sdelay $0x3  }
0x7a: {  	[tilespmem:v19+s13+$0x0] =	vst.idx.msk $0xffff, v18  }
0x7b: {  	v19 =	vshll.u32 v20, $0x7;
	v18 =	vld.idx.msk [tilespmem:v21+s12+$0x0], $0xffff  }
0x7c: {  	v20 =	vor.u32 s7, v2;
	v19 =	vor.u32 v16, v19  }
0x7d: {  	v21 =	vor.u32 v20, v17;
	_ =	sdelay $0x3  }
0x7e: {  	[tilespmem:v19+s13+$0x0] =	vst.idx.msk $0xffff, v18  }
0x7f: {  	v19 =	vshll.u32 v20, $0x7;
	v18 =	vld.idx.msk [tilespmem:v21+s12+$0x0], $0xffff  }
0x80: {  	v20 =	vor.u32 s7, v3;
	v19 =	vor.u32 v16, v19  }
0x81: {  	v21 =	vor.u32 v20, v17;
	_ =	sdelay $0x3  }
0x82: {  	[tilespmem:v19+s13+$0x0] =	vst.idx.msk $0xffff, v18  }
0x83: {  	v19 =	vshll.u32 v20, $0x7;
	v18 =	vld.idx.msk [tilespmem:v21+s12+$0x0], $0xffff  }
0x84: {  	v20 =	vor.u32 s7, v4;
	v19 =	vor.u32 v16, v19  }
0x85: {  	v21 =	vor.u32 v20, v17;
	_ =	sdelay $0x3  }
0x86: {  	[tilespmem:v19+s13+$0x0] =	vst.idx.msk $0xffff, v18  }
0x87: {  	v19 =	vshll.u32 v20, $0x7;
	v18 =	vld.idx.msk [tilespmem:v21+s12+$0x0], $0xffff  }
0x88: {  	v20 =	vor.u32 s7, v5;
	v19 =	vor.u32 v16, v19  }
0x89: {  	v21 =	vor.u32 v20, v17;
	_ =	sdelay $0x3  }
0x8a: {  	[tilespmem:v19+s13+$0x0] =	vst.idx.msk $0xffff, v18  }
0x8b: {  	v19 =	vshll.u32 v20, $0x7;
	v18 =	vld.idx.msk [tilespmem:v21+s12+$0x0], $0xffff  }
0x8c: {  	v20 =	vor.u32 s7, v7;
	v19 =	vor.u32 v16, v19  }
0x8d: {  	v21 =	vor.u32 v20, v17;
	_ =	sdelay $0x3  }
0x8e: {  	[tilespmem:v19+s13+$0x0] =	vst.idx.msk $0xffff, v18  }
0x8f: {  	v19 =	vshll.u32 v20, $0x7;
	v18 =	vld.idx.msk [tilespmem:v21+s12+$0x0], $0xffff  }
0x90: {  	v20 =	vor.u32 s7, v8;
	v19 =	vor.u32 v16, v19  }
0x91: {  	v21 =	vor.u32 v20, v17;
	_ =	sdelay $0x3  }
0x92: {  	[tilespmem:v19+s13+$0x0] =	vst.idx.msk $0xffff, v18  }
0x93: {  	v19 =	vshll.u32 v20, $0x7;
	v18 =	vld.idx.msk [tilespmem:v21+s12+$0x0], $0xffff  }
0x94: {  	v20 =	vor.u32 s7, v6;
	v19 =	vor.u32 v16, v19  }
0x95: {  	v21 =	vor.u32 v20, v17;
	_ =	sdelay $0x3  }
0x96: {  	[tilespmem:v19+s13+$0x0] =	vst.idx.msk $0xffff, v18  }
0x97: {  	v19 =	vshll.u32 v20, $0x7;
	v18 =	vld.idx.msk [tilespmem:v21+s12+$0x0], $0xffff  }
0x98: {  	v20 =	vor.u32 s7, v9;
	v19 =	vor.u32 v16, v19  }
0x99: {  	v21 =	vor.u32 v20, v17;
	_ =	sdelay $0x3  }
0x9a: {  	[tilespmem:v19+s13+$0x0] =	vst.idx.msk $0xffff, v18  }
0x9b: {  	v19 =	vshll.u32 v20, $0x7;
	v18 =	vld.idx.msk [tilespmem:v21+s12+$0x0], $0xffff  }
0x9c: {  	v20 =	vor.u32 s7, v10;
	v19 =	vor.u32 v16, v19  }
0x9d: {  	v21 =	vor.u32 v20, v17;
	_ =	sdelay $0x3  }
0x9e: {  	[tilespmem:v19+s13+$0x0] =	vst.idx.msk $0xffff, v18  }
0x9f: {  	v19 =	vshll.u32 v20, $0x7;
	v18 =	vld.idx.msk [tilespmem:v21+s12+$0x0], $0xffff  }
0xa0: {  	v20 =	vor.u32 s7, v11;
	v19 =	vor.u32 v16, v19  }
0xa1: {  	v21 =	vor.u32 v20, v17;
	_ =	sdelay $0x3  }
0xa2: {  	[tilespmem:v19+s13+$0x0] =	vst.idx.msk $0xffff, v18  }
0xa3: {  	v19 =	vshll.u32 v20, $0x7;
	v18 =	vld.idx.msk [tilespmem:v21+s12+$0x0], $0xffff  }
0xa4: {  	v20 =	vor.u32 s7, v12;
	v19 =	vor.u32 v16, v19  }
0xa5: {  	v21 =	vor.u32 v20, v17;
	_ =	sdelay $0x3  }
0xa6: {  	[tilespmem:v19+s13+$0x0] =	vst.idx.msk $0xffff, v18  }
0xa7: {  	v19 =	vshll.u32 v20, $0x7;
	v18 =	vld.idx.msk [tilespmem:v21+s12+$0x0], $0xffff  }
0xa8: {  	v20 =	vor.u32 s7, v13;
	v19 =	vor.u32 v16, v19  }
0xa9: {  	v21 =	vor.u32 v20, v17;
	_ =	sdelay $0x3  }
0xaa: {  	[tilespmem:v19+s13+$0x0] =	vst.idx.msk $0xffff, v18  }
0xab: {  	v19 =	vshll.u32 v20, $0x7;
	v18 =	vld.idx.msk [tilespmem:v21+s12+$0x0], $0xffff  }
0xac: {  	v20 =	vor.u32 s7, v14;
	v19 =	vor.u32 v16, v19  }
0xad: {  	v21 =	vor.u32 v20, v17;
	_ =	sdelay $0x3  }
0xae: {  	[tilespmem:v19+s13+$0x0] =	vst.idx.msk $0xffff, v18  }
0xaf: {  	v18 =	vshll.u32 v20, $0x7;
	v19 =	vld.idx.msk [tilespmem:v21+s12+$0x0], $0xffff  }
0xb0: {  	v20 =	vor.u32 v16, v18;
	v18 =	vor.u32 s7, v15  }
.Ltmp0:
0xb1: {  	v17 =	vor.u32 v18, v17;
	(pc) =	sbr.rel @p0 .LBB2_3-.Ltmp0, $2  }
0xb2: {  	_ =	sdelay $0x2  }
0xb3: {  	s8 =	sand.u32 $0x70, s3;
	s3 =	sadd.s32 $0x4, s3;
	s5 =	sadd.s32 $0x10, s5;
	[tilespmem:v20+s13+$0x0] =	vst.idx.msk $0xffff, v19  }
0xb4: {  	_ =	sdelay $0x2  }
0xb5: {  	s3 =	sand.u32 $0x30, s5;
	v19 =	vor.u32 s8, v0;
	v18 =	vshll.u32 v18, $0x7  }
0xb6: {  	v17 =	vld.idx.msk [tilespmem:v17+s12+$0x0], $0xffff;
	v20 =	vor.u32 s3, v0;
	v21 =	vshll.u32 v19, $0x7;
	v16 =	vor.u32 v16, v18  }
0xb7: {  	v18 =	vor.u32 v20, v21;
	_ =	sdelay $0x3  }
0xb8: {  	[tilespmem:v16+s13+$0x0] =	vst.idx.msk $0xffff, v17;
	v16 =	vshll.u32 v20, $0x7  }
0xb9: {  	v17 =	vld.idx.msk [tilespmem:v18+s12+$0x0], $0xffff;
	v16 =	vor.u32 v19, v16;
	v18 =	vor.u32 s3, v1  }
0xba: {  	v20 =	vor.u32 v18, v21;
	_ =	sdelay $0x3  }
0xbb: {  	[tilespmem:v16+s13+$0x0] =	vst.idx.msk $0xffff, v17;
	v16 =	vshll.u32 v18, $0x7  }
0xbc: {  	v18 =	vor.u32 s3, v2;
	v17 =	vld.idx.msk [tilespmem:v20+s12+$0x0], $0xffff;
	v16 =	vor.u32 v19, v16  }
0xbd: {  	v20 =	vor.u32 v18, v21;
	_ =	sdelay $0x3  }
0xbe: {  	[tilespmem:v16+s13+$0x0] =	vst.idx.msk $0xffff, v17;
	v16 =	vshll.u32 v18, $0x7  }
0xbf: {  	v18 =	vor.u32 s3, v3;
	v17 =	vld.idx.msk [tilespmem:v20+s12+$0x0], $0xffff;
	v16 =	vor.u32 v19, v16  }
0xc0: {  	v20 =	vor.u32 v18, v21;
	_ =	sdelay $0x3  }
0xc1: {  	[tilespmem:v16+s13+$0x0] =	vst.idx.msk $0xffff, v17;
	v16 =	vshll.u32 v18, $0x7  }
0xc2: {  	v18 =	vor.u32 s3, v4;
	v17 =	vld.idx.msk [tilespmem:v20+s12+$0x0], $0xffff;
	v16 =	vor.u32 v19, v16  }
0xc3: {  	v20 =	vor.u32 v18, v21;
	_ =	sdelay $0x3  }
0xc4: {  	[tilespmem:v16+s13+$0x0] =	vst.idx.msk $0xffff, v17;
	v16 =	vshll.u32 v18, $0x7  }
0xc5: {  	v18 =	vor.u32 s3, v5;
	v17 =	vld.idx.msk [tilespmem:v20+s12+$0x0], $0xffff;
	v16 =	vor.u32 v19, v16  }
0xc6: {  	v20 =	vor.u32 v18, v21;
	_ =	sdelay $0x3  }
0xc7: {  	[tilespmem:v16+s13+$0x0] =	vst.idx.msk $0xffff, v17;
	v16 =	vshll.u32 v18, $0x7  }
0xc8: {  	v18 =	vor.u32 s3, v7;
	v17 =	vld.idx.msk [tilespmem:v20+s12+$0x0], $0xffff;
	v16 =	vor.u32 v19, v16  }
0xc9: {  	v20 =	vor.u32 v18, v21;
	_ =	sdelay $0x3  }
0xca: {  	[tilespmem:v16+s13+$0x0] =	vst.idx.msk $0xffff, v17;
	v16 =	vshll.u32 v18, $0x7  }
0xcb: {  	v18 =	vor.u32 s3, v8;
	v17 =	vld.idx.msk [tilespmem:v20+s12+$0x0], $0xffff;
	v16 =	vor.u32 v19, v16  }
0xcc: {  	v20 =	vor.u32 v18, v21;
	_ =	sdelay $0x3  }
0xcd: {  	[tilespmem:v16+s13+$0x0] =	vst.idx.msk $0xffff, v17;
	v16 =	vshll.u32 v18, $0x7  }
0xce: {  	v18 =	vor.u32 s3, v6;
	v17 =	vld.idx.msk [tilespmem:v20+s12+$0x0], $0xffff;
	v16 =	vor.u32 v19, v16  }
0xcf: {  	v20 =	vor.u32 v18, v21;
	_ =	sdelay $0x3  }
0xd0: {  	[tilespmem:v16+s13+$0x0] =	vst.idx.msk $0xffff, v17;
	v16 =	vshll.u32 v18, $0x7  }
0xd1: {  	v18 =	vor.u32 s3, v9;
	v17 =	vld.idx.msk [tilespmem:v20+s12+$0x0], $0xffff;
	v16 =	vor.u32 v19, v16  }
0xd2: {  	v20 =	vor.u32 v18, v21;
	_ =	sdelay $0x3  }
0xd3: {  	[tilespmem:v16+s13+$0x0] =	vst.idx.msk $0xffff, v17;
	v16 =	vshll.u32 v18, $0x7  }
0xd4: {  	v18 =	vor.u32 s3, v10;
	v17 =	vld.idx.msk [tilespmem:v20+s12+$0x0], $0xffff;
	v16 =	vor.u32 v19, v16  }
0xd5: {  	v20 =	vor.u32 v18, v21;
	_ =	sdelay $0x3  }
0xd6: {  	[tilespmem:v16+s13+$0x0] =	vst.idx.msk $0xffff, v17;
	v16 =	vshll.u32 v18, $0x7  }
0xd7: {  	v18 =	vor.u32 s3, v11;
	v17 =	vld.idx.msk [tilespmem:v20+s12+$0x0], $0xffff;
	v16 =	vor.u32 v19, v16  }
0xd8: {  	v20 =	vor.u32 v18, v21;
	_ =	sdelay $0x3  }
0xd9: {  	[tilespmem:v16+s13+$0x0] =	vst.idx.msk $0xffff, v17;
	v16 =	vshll.u32 v18, $0x7  }
0xda: {  	v18 =	vor.u32 s3, v12;
	v17 =	vld.idx.msk [tilespmem:v20+s12+$0x0], $0xffff;
	v16 =	vor.u32 v19, v16  }
0xdb: {  	v20 =	vor.u32 v18, v21;
	_ =	sdelay $0x3  }
0xdc: {  	[tilespmem:v16+s13+$0x0] =	vst.idx.msk $0xffff, v17;
	v16 =	vshll.u32 v18, $0x7  }
0xdd: {  	v18 =	vor.u32 s3, v13;
	v17 =	vld.idx.msk [tilespmem:v20+s12+$0x0], $0xffff;
	v16 =	vor.u32 v19, v16  }
0xde: {  	v20 =	vor.u32 v18, v21;
	_ =	sdelay $0x3  }
0xdf: {  	[tilespmem:v16+s13+$0x0] =	vst.idx.msk $0xffff, v17;
	v16 =	vshll.u32 v18, $0x7  }
0xe0: {  	v18 =	vor.u32 s3, v14;
	v17 =	vld.idx.msk [tilespmem:v20+s12+$0x0], $0xffff;
	v16 =	vor.u32 v19, v16  }
0xe1: {  	v20 =	vor.u32 v18, v21;
	_ =	sdelay $0x3  }
0xe2: {  	[tilespmem:v16+s13+$0x0] =	vst.idx.msk $0xffff, v17;
	v16 =	vshll.u32 v18, $0x7  }
0xe3: {  	v18 =	vor.u32 s3, v15;
	v17 =	vld.idx.msk [tilespmem:v20+s12+$0x0], $0xffff;
	v16 =	vor.u32 v19, v16  }
0xe4: {  	v20 =	vor.u32 v18, v21;
	_ =	sdelay $0x3  }
0xe5: {  	[tilespmem:v16+s13+$0x0] =	vst.idx.msk $0xffff, v17;
	v16 =	vshll.u32 v18, $0x7  }
0xe6: {  	v17 =	vld.idx.msk [tilespmem:v20+s12+$0x0], $0xffff;
	v18 =	vor.u32 v19, v16  }
0xe7: {  	s3 =	simm.s32 $0x0  }
0xe8: {  	s8 =	sshll.u32 s30, $0x14;
	s7 =	sand.u32 $0x70, s3  }
0xe9: {  	s5 =	sor.u32 s6, s8;
	s3 =	sand.u32 $0x30, s3;
	v16 =	vor.u32 s7, v0  }
0xea: {  	s5 =	sshrl.u32 s5, $0x3;
	v19 =	vor.u32 s3, v0;
	v20 =	vshll.u32 v16, $0x7  }
0xeb: {  	s5 =	sadd.s32 s2, s5;
	[tilespmem:v18+s13+$0x0] =	vst.idx.msk $0xffff, v17;
	v17 =	vor.u32 v19, v20  }
0xec: {  	[hbm4b:s5+s14] =	stream.strided.scatter [tilespmem:s13], [sflag:$0x5], $0x2000, s15, s14, $0x38;
	[tilespmem:$0x1E400] =	vst v63  }
0xed: {  	_ =	swait.ge [sflag:s16], $0x4000  }
0xee: {  	[sflag:s16] =	ssyncset.done $0x0  }
0xef: {  	v18 =	vshll.u32 v19, $0x7;
	[sflag:s16] =	ssyncadd.s32 $0xFFFFC000  }
0xf0: {  	v19 =	vor.u32 s3, v1;
	v18 =	vor.u32 v16, v18;
	v17 =	vld.idx.msk [tilespmem:v17+s17+$0x0], $0xffff  }
0xf1: {  	v49 =	vor.u32 v19, v20;
	_ =	sdelay $0x3  }
0xf2: {  	[tilespmem:v18+s18+$0x0] =	vst.idx.msk $0xffff, v17;
	v17 =	vshll.u32 v19, $0x7  }
0xf3: {  	v19 =	vor.u32 s3, v2;
	v18 =	vld.idx.msk [tilespmem:v49+s17+$0x0], $0xffff;
	v17 =	vor.u32 v16, v17  }
0xf4: {  	v50 =	vor.u32 v19, v20;
	_ =	sdelay $0x3  }
0xf5: {  	[tilespmem:v17+s18+$0x0] =	vst.idx.msk $0xffff, v18;
	v17 =	vshll.u32 v19, $0x7  }
0xf6: {  	v19 =	vor.u32 s3, v3;
	v18 =	vld.idx.msk [tilespmem:v50+s17+$0x0], $0xffff;
	v17 =	vor.u32 v16, v17  }
0xf7: {  	v51 =	vor.u32 v19, v20;
	_ =	sdelay $0x3  }
0xf8: {  	[tilespmem:v17+s18+$0x0] =	vst.idx.msk $0xffff, v18;
	v17 =	vshll.u32 v19, $0x7  }
0xf9: {  	v19 =	vor.u32 s3, v4;
	v18 =	vld.idx.msk [tilespmem:v51+s17+$0x0], $0xffff;
	v17 =	vor.u32 v16, v17  }
0xfa: {  	v52 =	vor.u32 v19, v20;
	_ =	sdelay $0x3  }
0xfb: {  	[tilespmem:v17+s18+$0x0] =	vst.idx.msk $0xffff, v18;
	v17 =	vshll.u32 v19, $0x7  }
0xfc: {  	v19 =	vor.u32 s3, v5;
	v18 =	vld.idx.msk [tilespmem:v52+s17+$0x0], $0xffff;
	v17 =	vor.u32 v16, v17  }
0xfd: {  	v53 =	vor.u32 v19, v20;
	_ =	sdelay $0x3  }
0xfe: {  	[tilespmem:v17+s18+$0x0] =	vst.idx.msk $0xffff, v18;
	v17 =	vshll.u32 v19, $0x7  }
0xff: {  	v19 =	vor.u32 s3, v7;
	v18 =	vld.idx.msk [tilespmem:v53+s17+$0x0], $0xffff;
	v17 =	vor.u32 v16, v17  }
0x100: {  	v54 =	vor.u32 v19, v20;
	_ =	sdelay $0x3  }
0x101: {  	[tilespmem:v17+s18+$0x0] =	vst.idx.msk $0xffff, v18;
	v17 =	vshll.u32 v19, $0x7  }
0x102: {  	v19 =	vor.u32 s3, v8;
	v18 =	vld.idx.msk [tilespmem:v54+s17+$0x0], $0xffff;
	v17 =	vor.u32 v16, v17  }
0x103: {  	v55 =	vor.u32 v19, v20;
	_ =	sdelay $0x3  }
0x104: {  	[tilespmem:v17+s18+$0x0] =	vst.idx.msk $0xffff, v18;
	v17 =	vshll.u32 v19, $0x7  }
0x105: {  	v19 =	vor.u32 s3, v6;
	v18 =	vld.idx.msk [tilespmem:v55+s17+$0x0], $0xffff;
	v17 =	vor.u32 v16, v17  }
0x106: {  	v56 =	vor.u32 v19, v20;
	_ =	sdelay $0x3  }
0x107: {  	[tilespmem:v17+s18+$0x0] =	vst.idx.msk $0xffff, v18;
	v17 =	vshll.u32 v19, $0x7  }
0x108: {  	v19 =	vor.u32 s3, v9;
	v18 =	vld.idx.msk [tilespmem:v56+s17+$0x0], $0xffff;
	v17 =	vor.u32 v16, v17  }
0x109: {  	v57 =	vor.u32 v19, v20;
	_ =	sdelay $0x3  }
0x10a: {  	[tilespmem:v17+s18+$0x0] =	vst.idx.msk $0xffff, v18;
	v17 =	vshll.u32 v19, $0x7  }
0x10b: {  	v19 =	vor.u32 s3, v10;
	v18 =	vld.idx.msk [tilespmem:v57+s17+$0x0], $0xffff;
	v17 =	vor.u32 v16, v17  }
0x10c: {  	v58 =	vor.u32 v19, v20;
	_ =	sdelay $0x3  }
0x10d: {  	[tilespmem:v17+s18+$0x0] =	vst.idx.msk $0xffff, v18;
	v17 =	vshll.u32 v19, $0x7  }
0x10e: {  	v19 =	vor.u32 s3, v11;
	v18 =	vld.idx.msk [tilespmem:v58+s17+$0x0], $0xffff;
	v17 =	vor.u32 v16, v17  }
0x10f: {  	v59 =	vor.u32 v19, v20;
	_ =	sdelay $0x3  }
0x110: {  	[tilespmem:v17+s18+$0x0] =	vst.idx.msk $0xffff, v18;
	v17 =	vshll.u32 v19, $0x7  }
0x111: {  	v19 =	vor.u32 s3, v12;
	v18 =	vld.idx.msk [tilespmem:v59+s17+$0x0], $0xffff;
	v17 =	vor.u32 v16, v17  }
0x112: {  	v60 =	vor.u32 v19, v20;
	_ =	sdelay $0x3  }
0x113: {  	[tilespmem:v17+s18+$0x0] =	vst.idx.msk $0xffff, v18;
	v17 =	vshll.u32 v19, $0x7  }
0x114: {  	v19 =	vor.u32 s3, v13;
	v18 =	vld.idx.msk [tilespmem:v60+s17+$0x0], $0xffff;
	v17 =	vor.u32 v16, v17  }
0x115: {  	v61 =	vor.u32 v19, v20;
	_ =	sdelay $0x3  }
0x116: {  	[tilespmem:v17+s18+$0x0] =	vst.idx.msk $0xffff, v18;
	v17 =	vshll.u32 v19, $0x7  }
0x117: {  	v19 =	vor.u32 s3, v14;
	v18 =	vld.idx.msk [tilespmem:v61+s17+$0x0], $0xffff;
	v17 =	vor.u32 v16, v17  }
0x118: {  	v62 =	vor.u32 v19, v20;
	_ =	sdelay $0x3  }
0x119: {  	[tilespmem:v17+s18+$0x0] =	vst.idx.msk $0xffff, v18;
	v17 =	vshll.u32 v19, $0x7  }
0x11a: {  	v18 =	vor.u32 s3, v15;
	v19 =	vld.idx.msk [tilespmem:v62+s17+$0x0], $0xffff;
	v63 =	vor.u32 v16, v17  }
0x11b: {  	v17 =	vor.u32 v18, v20;
	_ =	sdelay $0x2  }
0x11c: {  	s8 =	simm.s32 $0x4  }
0x11d: {  	s8 =	sand.u32 $0x70, s8;
	s5 =	simm.s32 $0x10;
	s3 =	simm.s32 $0x8;
	[tilespmem:v63+s18+$0x0] =	vst.idx.msk $0xffff, v19  }
.LBB2_5:
0x11e: {  	p0 =	sne.s32 s3, $0x7C;
	s7 =	sand.u32 $0x30, s5;
	v19 =	vor.u32 s8, v0;
	v20 =	vld.idx.msk [tilespmem:v17+s17+$0x0], $0xffff;
	v18 =	vshll.u32 v18, $0x7  }
0x11f: {  	v21 =	vor.u32 s7, v0;
	v17 =	vshll.u32 v19, $0x7;
	v18 =	vor.u32 v16, v18;
	v16 =	vmovc v19  }
0x120: {  	v19 =	vor.u32 v21, v17;
	_ =	sdelay $0x3  }
0x121: {  	[tilespmem:v18+s18+$0x0] =	vst.idx.msk $0xffff, v20  }
0x122: {  	v18 =	vld.idx.msk [tilespmem:v19+s17+$0x0], $0xffff;
	v19 =	vshll.u32 v21, $0x7  }
0x123: {  	v20 =	vor.u32 s7, v1;
	v19 =	vor.u32 v16, v19  }
0x124: {  	v21 =	vor.u32 v20, v17;
	_ =	sdelay $0x3  }
0x125: {  	[tilespmem:v19+s18+$0x0] =	vst.idx.msk $0xffff, v18  }
0x126: {  	v19 =	vshll.u32 v20, $0x7;
	v18 =	vld.idx.msk [tilespmem:v21+s17+$0x0], $0xffff  }
0x127: {  	v20 =	vor.u32 s7, v2;
	v19 =	vor.u32 v16, v19  }
0x128: {  	v21 =	vor.u32 v20, v17;
	_ =	sdelay $0x3  }
0x129: {  	[tilespmem:v19+s18+$0x0] =	vst.idx.msk $0xffff, v18  }
0x12a: {  	v19 =	vshll.u32 v20, $0x7;
	v18 =	vld.idx.msk [tilespmem:v21+s17+$0x0], $0xffff  }
0x12b: {  	v20 =	vor.u32 s7, v3;
	v19 =	vor.u32 v16, v19  }
0x12c: {  	v21 =	vor.u32 v20, v17;
	_ =	sdelay $0x3  }
0x12d: {  	[tilespmem:v19+s18+$0x0] =	vst.idx.msk $0xffff, v18  }
0x12e: {  	v19 =	vshll.u32 v20, $0x7;
	v18 =	vld.idx.msk [tilespmem:v21+s17+$0x0], $0xffff  }
0x12f: {  	v20 =	vor.u32 s7, v4;
	v19 =	vor.u32 v16, v19  }
0x130: {  	v21 =	vor.u32 v20, v17;
	_ =	sdelay $0x3  }
0x131: {  	[tilespmem:v19+s18+$0x0] =	vst.idx.msk $0xffff, v18  }
0x132: {  	v19 =	vshll.u32 v20, $0x7;
	v18 =	vld.idx.msk [tilespmem:v21+s17+$0x0], $0xffff  }
0x133: {  	v20 =	vor.u32 s7, v5;
	v19 =	vor.u32 v16, v19  }
0x134: {  	v21 =	vor.u32 v20, v17;
	_ =	sdelay $0x3  }
0x135: {  	[tilespmem:v19+s18+$0x0] =	vst.idx.msk $0xffff, v18  }
0x136: {  	v19 =	vshll.u32 v20, $0x7;
	v18 =	vld.idx.msk [tilespmem:v21+s17+$0x0], $0xffff  }
0x137: {  	v20 =	vor.u32 s7, v7;
	v19 =	vor.u32 v16, v19  }
0x138: {  	v21 =	vor.u32 v20, v17;
	_ =	sdelay $0x3  }
0x139: {  	[tilespmem:v19+s18+$0x0] =	vst.idx.msk $0xffff, v18  }
0x13a: {  	v19 =	vshll.u32 v20, $0x7;
	v18 =	vld.idx.msk [tilespmem:v21+s17+$0x0], $0xffff  }
0x13b: {  	v20 =	vor.u32 s7, v8;
	v19 =	vor.u32 v16, v19  }
0x13c: {  	v21 =	vor.u32 v20, v17;
	_ =	sdelay $0x3  }
0x13d: {  	[tilespmem:v19+s18+$0x0] =	vst.idx.msk $0xffff, v18  }
0x13e: {  	v19 =	vshll.u32 v20, $0x7;
	v18 =	vld.idx.msk [tilespmem:v21+s17+$0x0], $0xffff  }
0x13f: {  	v20 =	vor.u32 s7, v6;
	v19 =	vor.u32 v16, v19  }
0x140: {  	v21 =	vor.u32 v20, v17;
	_ =	sdelay $0x3  }
0x141: {  	[tilespmem:v19+s18+$0x0] =	vst.idx.msk $0xffff, v18  }
0x142: {  	v19 =	vshll.u32 v20, $0x7;
	v18 =	vld.idx.msk [tilespmem:v21+s17+$0x0], $0xffff  }
0x143: {  	v20 =	vor.u32 s7, v9;
	v19 =	vor.u32 v16, v19  }
0x144: {  	v21 =	vor.u32 v20, v17;
	_ =	sdelay $0x3  }
0x145: {  	[tilespmem:v19+s18+$0x0] =	vst.idx.msk $0xffff, v18  }
0x146: {  	v19 =	vshll.u32 v20, $0x7;
	v18 =	vld.idx.msk [tilespmem:v21+s17+$0x0], $0xffff  }
0x147: {  	v20 =	vor.u32 s7, v10;
	v19 =	vor.u32 v16, v19  }
0x148: {  	v21 =	vor.u32 v20, v17;
	_ =	sdelay $0x3  }
0x149: {  	[tilespmem:v19+s18+$0x0] =	vst.idx.msk $0xffff, v18  }
0x14a: {  	v19 =	vshll.u32 v20, $0x7;
	v18 =	vld.idx.msk [tilespmem:v21+s17+$0x0], $0xffff  }
0x14b: {  	v20 =	vor.u32 s7, v11;
	v19 =	vor.u32 v16, v19  }
0x14c: {  	v21 =	vor.u32 v20, v17;
	_ =	sdelay $0x3  }
0x14d: {  	[tilespmem:v19+s18+$0x0] =	vst.idx.msk $0xffff, v18  }
0x14e: {  	v19 =	vshll.u32 v20, $0x7;
	v18 =	vld.idx.msk [tilespmem:v21+s17+$0x0], $0xffff  }
0x14f: {  	v20 =	vor.u32 s7, v12;
	v19 =	vor.u32 v16, v19  }
0x150: {  	v21 =	vor.u32 v20, v17;
	_ =	sdelay $0x3  }
0x151: {  	[tilespmem:v19+s18+$0x0] =	vst.idx.msk $0xffff, v18  }
0x152: {  	v19 =	vshll.u32 v20, $0x7;
	v18 =	vld.idx.msk [tilespmem:v21+s17+$0x0], $0xffff  }
0x153: {  	v20 =	vor.u32 s7, v13;
	v19 =	vor.u32 v16, v19  }
0x154: {  	v21 =	vor.u32 v20, v17;
	_ =	sdelay $0x3  }
0x155: {  	[tilespmem:v19+s18+$0x0] =	vst.idx.msk $0xffff, v18  }
0x156: {  	v19 =	vshll.u32 v20, $0x7;
	v18 =	vld.idx.msk [tilespmem:v21+s17+$0x0], $0xffff  }
0x157: {  	v20 =	vor.u32 s7, v14;
	v19 =	vor.u32 v16, v19  }
0x158: {  	v21 =	vor.u32 v20, v17;
	_ =	sdelay $0x3  }
0x159: {  	[tilespmem:v19+s18+$0x0] =	vst.idx.msk $0xffff, v18  }
0x15a: {  	v18 =	vshll.u32 v20, $0x7;
	v19 =	vld.idx.msk [tilespmem:v21+s17+$0x0], $0xffff  }
0x15b: {  	v20 =	vor.u32 v16, v18;
	v18 =	vor.u32 s7, v15  }
.Ltmp1:
0x15c: {  	v17 =	vor.u32 v18, v17;
	(pc) =	sbr.rel @p0 .LBB2_5-.Ltmp1, $2  }
0x15d: {  	_ =	sdelay $0x2  }
0x15e: {  	s8 =	sand.u32 $0x70, s3;
	s3 =	sadd.s32 $0x4, s3;
	s5 =	sadd.s32 $0x10, s5;
	[tilespmem:v20+s18+$0x0] =	vst.idx.msk $0xffff, v19  }
0x15f: {  	_ =	sdelay $0x2  }
0x160: {  	s3 =	sand.u32 $0x30, s5;
	v19 =	vor.u32 s8, v0;
	v18 =	vshll.u32 v18, $0x7  }
0x161: {  	v17 =	vld.idx.msk [tilespmem:v17+s17+$0x0], $0xffff;
	v20 =	vor.u32 s3, v0;
	v21 =	vshll.u32 v19, $0x7;
	v16 =	vor.u32 v16, v18  }
0x162: {  	v18 =	vor.u32 v20, v21;
	_ =	sdelay $0x3  }
0x163: {  	[tilespmem:v16+s18+$0x0] =	vst.idx.msk $0xffff, v17;
	v16 =	vshll.u32 v20, $0x7  }
0x164: {  	v17 =	vld.idx.msk [tilespmem:v18+s17+$0x0], $0xffff;
	v16 =	vor.u32 v19, v16;
	v18 =	vor.u32 s3, v1  }
0x165: {  	v20 =	vor.u32 v18, v21;
	_ =	sdelay $0x3  }
0x166: {  	[tilespmem:v16+s18+$0x0] =	vst.idx.msk $0xffff, v17;
	v16 =	vshll.u32 v18, $0x7  }
0x167: {  	v18 =	vor.u32 s3, v2;
	v17 =	vld.idx.msk [tilespmem:v20+s17+$0x0], $0xffff;
	v16 =	vor.u32 v19, v16  }
0x168: {  	v20 =	vor.u32 v18, v21;
	_ =	sdelay $0x3  }
0x169: {  	[tilespmem:v16+s18+$0x0] =	vst.idx.msk $0xffff, v17;
	v16 =	vshll.u32 v18, $0x7  }
0x16a: {  	v18 =	vor.u32 s3, v3;
	v17 =	vld.idx.msk [tilespmem:v20+s17+$0x0], $0xffff;
	v16 =	vor.u32 v19, v16  }
0x16b: {  	v20 =	vor.u32 v18, v21;
	_ =	sdelay $0x3  }
0x16c: {  	[tilespmem:v16+s18+$0x0] =	vst.idx.msk $0xffff, v17;
	v16 =	vshll.u32 v18, $0x7  }
0x16d: {  	v18 =	vor.u32 s3, v4;
	v17 =	vld.idx.msk [tilespmem:v20+s17+$0x0], $0xffff;
	v16 =	vor.u32 v19, v16  }
0x16e: {  	v20 =	vor.u32 v18, v21;
	_ =	sdelay $0x3  }
0x16f: {  	[tilespmem:v16+s18+$0x0] =	vst.idx.msk $0xffff, v17;
	v16 =	vshll.u32 v18, $0x7  }
0x170: {  	v18 =	vor.u32 s3, v5;
	v17 =	vld.idx.msk [tilespmem:v20+s17+$0x0], $0xffff;
	v16 =	vor.u32 v19, v16  }
0x171: {  	v20 =	vor.u32 v18, v21;
	_ =	sdelay $0x3  }
0x172: {  	[tilespmem:v16+s18+$0x0] =	vst.idx.msk $0xffff, v17;
	v16 =	vshll.u32 v18, $0x7  }
0x173: {  	v18 =	vor.u32 s3, v7;
	v17 =	vld.idx.msk [tilespmem:v20+s17+$0x0], $0xffff;
	v16 =	vor.u32 v19, v16  }
0x174: {  	v20 =	vor.u32 v18, v21;
	_ =	sdelay $0x3  }
0x175: {  	[tilespmem:v16+s18+$0x0] =	vst.idx.msk $0xffff, v17;
	v16 =	vshll.u32 v18, $0x7  }
0x176: {  	v18 =	vor.u32 s3, v8;
	v17 =	vld.idx.msk [tilespmem:v20+s17+$0x0], $0xffff;
	v16 =	vor.u32 v19, v16  }
0x177: {  	v20 =	vor.u32 v18, v21;
	_ =	sdelay $0x3  }
0x178: {  	[tilespmem:v16+s18+$0x0] =	vst.idx.msk $0xffff, v17;
	v16 =	vshll.u32 v18, $0x7  }
0x179: {  	v18 =	vor.u32 s3, v6;
	v17 =	vld.idx.msk [tilespmem:v20+s17+$0x0], $0xffff;
	v16 =	vor.u32 v19, v16  }
0x17a: {  	v20 =	vor.u32 v18, v21;
	_ =	sdelay $0x3  }
0x17b: {  	[tilespmem:v16+s18+$0x0] =	vst.idx.msk $0xffff, v17;
	v16 =	vshll.u32 v18, $0x7  }
0x17c: {  	v18 =	vor.u32 s3, v9;
	v17 =	vld.idx.msk [tilespmem:v20+s17+$0x0], $0xffff;
	v16 =	vor.u32 v19, v16  }
0x17d: {  	v20 =	vor.u32 v18, v21;
	_ =	sdelay $0x3  }
0x17e: {  	[tilespmem:v16+s18+$0x0] =	vst.idx.msk $0xffff, v17;
	v16 =	vshll.u32 v18, $0x7  }
0x17f: {  	v18 =	vor.u32 s3, v10;
	v17 =	vld.idx.msk [tilespmem:v20+s17+$0x0], $0xffff;
	v16 =	vor.u32 v19, v16  }
0x180: {  	v20 =	vor.u32 v18, v21;
	_ =	sdelay $0x3  }
0x181: {  	[tilespmem:v16+s18+$0x0] =	vst.idx.msk $0xffff, v17;
	v16 =	vshll.u32 v18, $0x7  }
0x182: {  	v18 =	vor.u32 s3, v11;
	v17 =	vld.idx.msk [tilespmem:v20+s17+$0x0], $0xffff;
	v16 =	vor.u32 v19, v16  }
0x183: {  	v20 =	vor.u32 v18, v21;
	_ =	sdelay $0x3  }
0x184: {  	[tilespmem:v16+s18+$0x0] =	vst.idx.msk $0xffff, v17;
	v16 =	vshll.u32 v18, $0x7  }
0x185: {  	v18 =	vor.u32 s3, v12;
	v17 =	vld.idx.msk [tilespmem:v20+s17+$0x0], $0xffff;
	v16 =	vor.u32 v19, v16  }
0x186: {  	v20 =	vor.u32 v18, v21;
	_ =	sdelay $0x3  }
0x187: {  	[tilespmem:v16+s18+$0x0] =	vst.idx.msk $0xffff, v17;
	v16 =	vshll.u32 v18, $0x7  }
0x188: {  	v18 =	vor.u32 s3, v13;
	v17 =	vld.idx.msk [tilespmem:v20+s17+$0x0], $0xffff;
	v16 =	vor.u32 v19, v16  }
0x189: {  	v20 =	vor.u32 v18, v21;
	_ =	sdelay $0x3  }
0x18a: {  	[tilespmem:v16+s18+$0x0] =	vst.idx.msk $0xffff, v17;
	v16 =	vshll.u32 v18, $0x7  }
0x18b: {  	v18 =	vor.u32 s3, v14;
	v17 =	vld.idx.msk [tilespmem:v20+s17+$0x0], $0xffff;
	v16 =	vor.u32 v19, v16  }
0x18c: {  	v20 =	vor.u32 v18, v21;
	_ =	sdelay $0x3  }
0x18d: {  	[tilespmem:v16+s18+$0x0] =	vst.idx.msk $0xffff, v17;
	v16 =	vshll.u32 v18, $0x7  }
0x18e: {  	v18 =	vor.u32 s3, v15;
	v17 =	vld.idx.msk [tilespmem:v20+s17+$0x0], $0xffff;
	v16 =	vor.u32 v19, v16  }
0x18f: {  	v20 =	vor.u32 v18, v21;
	_ =	sdelay $0x3  }
0x190: {  	[tilespmem:v16+s18+$0x0] =	vst.idx.msk $0xffff, v17;
	v16 =	vshll.u32 v18, $0x7  }
0x191: {  	v17 =	vld.idx.msk [tilespmem:v20+s17+$0x0], $0xffff;
	v18 =	vor.u32 v19, v16  }
0x192: {  	s5 =	simm.s32 $0x0  }
0x193: {  	s8 =	sand.u32 $0x70, s5  }
0x194: {  	s7 =	sor.u32 s6, s0;
	s0 =	sand.u32 $0x30, s5;
	v16 =	vor.u32 s8, v0  }
0x195: {  	s7 =	sshrl.u32 s7, $0x3;
	v19 =	vor.u32 s0, v0;
	v20 =	vshll.u32 v16, $0x7  }
0x196: {  	s3 =	sadd.s32 s2, s7;
	[tilespmem:v18+s18+$0x0] =	vst.idx.msk $0xffff, v17;
	v17 =	vor.u32 v19, v20  }
0x197: {  	[hbm4b:s3+s14] =	stream.strided.scatter [tilespmem:s18], [sflag:$0x6], $0x2000, s15, s14, $0x38;
	[tilespmem:$0x1E400] =	vst v63  }
0x198: {  	_ =	swait.ge [sflag:s19], $0x4000  }
0x199: {  	[sflag:s19] =	ssyncset.done $0x0  }
0x19a: {  	v18 =	vshll.u32 v19, $0x7;
	[sflag:s19] =	ssyncadd.s32 $0xFFFFC000  }
0x19b: {  	v19 =	vor.u32 s0, v1;
	v18 =	vor.u32 v16, v18;
	v17 =	vld.idx.msk [tilespmem:v17+s20+$0x0], $0xffff  }
0x19c: {  	v49 =	vor.u32 v19, v20;
	_ =	sdelay $0x3  }
0x19d: {  	[tilespmem:v18+s21+$0x0] =	vst.idx.msk $0xffff, v17;
	v17 =	vshll.u32 v19, $0x7  }
0x19e: {  	v19 =	vor.u32 s0, v2;
	v18 =	vld.idx.msk [tilespmem:v49+s20+$0x0], $0xffff;
	v17 =	vor.u32 v16, v17  }
0x19f: {  	v50 =	vor.u32 v19, v20;
	_ =	sdelay $0x3  }
0x1a0: {  	[tilespmem:v17+s21+$0x0] =	vst.idx.msk $0xffff, v18;
	v17 =	vshll.u32 v19, $0x7  }
0x1a1: {  	v19 =	vor.u32 s0, v3;
	v18 =	vld.idx.msk [tilespmem:v50+s20+$0x0], $0xffff;
	v17 =	vor.u32 v16, v17  }
0x1a2: {  	v51 =	vor.u32 v19, v20;
	_ =	sdelay $0x3  }
0x1a3: {  	[tilespmem:v17+s21+$0x0] =	vst.idx.msk $0xffff, v18;
	v17 =	vshll.u32 v19, $0x7  }
0x1a4: {  	v19 =	vor.u32 s0, v4;
	v18 =	vld.idx.msk [tilespmem:v51+s20+$0x0], $0xffff;
	v17 =	vor.u32 v16, v17  }
0x1a5: {  	v52 =	vor.u32 v19, v20;
	_ =	sdelay $0x3  }
0x1a6: {  	[tilespmem:v17+s21+$0x0] =	vst.idx.msk $0xffff, v18;
	v17 =	vshll.u32 v19, $0x7  }
0x1a7: {  	v19 =	vor.u32 s0, v5;
	v18 =	vld.idx.msk [tilespmem:v52+s20+$0x0], $0xffff;
	v17 =	vor.u32 v16, v17  }
0x1a8: {  	v53 =	vor.u32 v19, v20;
	_ =	sdelay $0x3  }
0x1a9: {  	[tilespmem:v17+s21+$0x0] =	vst.idx.msk $0xffff, v18;
	v17 =	vshll.u32 v19, $0x7  }
0x1aa: {  	v19 =	vor.u32 s0, v7;
	v18 =	vld.idx.msk [tilespmem:v53+s20+$0x0], $0xffff;
	v17 =	vor.u32 v16, v17  }
0x1ab: {  	v54 =	vor.u32 v19, v20;
	_ =	sdelay $0x3  }
0x1ac: {  	[tilespmem:v17+s21+$0x0] =	vst.idx.msk $0xffff, v18;
	v17 =	vshll.u32 v19, $0x7  }
0x1ad: {  	v19 =	vor.u32 s0, v8;
	v18 =	vld.idx.msk [tilespmem:v54+s20+$0x0], $0xffff;
	v17 =	vor.u32 v16, v17  }
0x1ae: {  	v55 =	vor.u32 v19, v20;
	_ =	sdelay $0x3  }
0x1af: {  	[tilespmem:v17+s21+$0x0] =	vst.idx.msk $0xffff, v18;
	v17 =	vshll.u32 v19, $0x7  }
0x1b0: {  	v19 =	vor.u32 s0, v6;
	v18 =	vld.idx.msk [tilespmem:v55+s20+$0x0], $0xffff;
	v17 =	vor.u32 v16, v17  }
0x1b1: {  	v56 =	vor.u32 v19, v20;
	_ =	sdelay $0x3  }
0x1b2: {  	[tilespmem:v17+s21+$0x0] =	vst.idx.msk $0xffff, v18;
	v17 =	vshll.u32 v19, $0x7  }
0x1b3: {  	v19 =	vor.u32 s0, v9;
	v18 =	vld.idx.msk [tilespmem:v56+s20+$0x0], $0xffff;
	v17 =	vor.u32 v16, v17  }
0x1b4: {  	v57 =	vor.u32 v19, v20;
	_ =	sdelay $0x3  }
0x1b5: {  	[tilespmem:v17+s21+$0x0] =	vst.idx.msk $0xffff, v18;
	v17 =	vshll.u32 v19, $0x7  }
0x1b6: {  	v19 =	vor.u32 s0, v10;
	v18 =	vld.idx.msk [tilespmem:v57+s20+$0x0], $0xffff;
	v17 =	vor.u32 v16, v17  }
0x1b7: {  	v58 =	vor.u32 v19, v20;
	_ =	sdelay $0x3  }
0x1b8: {  	[tilespmem:v17+s21+$0x0] =	vst.idx.msk $0xffff, v18;
	v17 =	vshll.u32 v19, $0x7  }
0x1b9: {  	v19 =	vor.u32 s0, v11;
	v18 =	vld.idx.msk [tilespmem:v58+s20+$0x0], $0xffff;
	v17 =	vor.u32 v16, v17  }
0x1ba: {  	v59 =	vor.u32 v19, v20;
	_ =	sdelay $0x3  }
0x1bb: {  	[tilespmem:v17+s21+$0x0] =	vst.idx.msk $0xffff, v18;
	v17 =	vshll.u32 v19, $0x7  }
0x1bc: {  	v19 =	vor.u32 s0, v12;
	v18 =	vld.idx.msk [tilespmem:v59+s20+$0x0], $0xffff;
	v17 =	vor.u32 v16, v17  }
0x1bd: {  	v60 =	vor.u32 v19, v20;
	_ =	sdelay $0x3  }
0x1be: {  	[tilespmem:v17+s21+$0x0] =	vst.idx.msk $0xffff, v18;
	v17 =	vshll.u32 v19, $0x7  }
0x1bf: {  	v19 =	vor.u32 s0, v13;
	v18 =	vld.idx.msk [tilespmem:v60+s20+$0x0], $0xffff;
	v17 =	vor.u32 v16, v17  }
0x1c0: {  	v61 =	vor.u32 v19, v20;
	_ =	sdelay $0x3  }
0x1c1: {  	[tilespmem:v17+s21+$0x0] =	vst.idx.msk $0xffff, v18;
	v17 =	vshll.u32 v19, $0x7  }
0x1c2: {  	v19 =	vor.u32 s0, v14;
	v18 =	vld.idx.msk [tilespmem:v61+s20+$0x0], $0xffff;
	v17 =	vor.u32 v16, v17  }
0x1c3: {  	v62 =	vor.u32 v19, v20;
	_ =	sdelay $0x3  }
0x1c4: {  	[tilespmem:v17+s21+$0x0] =	vst.idx.msk $0xffff, v18;
	v17 =	vshll.u32 v19, $0x7  }
0x1c5: {  	v18 =	vor.u32 s0, v15;
	v19 =	vld.idx.msk [tilespmem:v62+s20+$0x0], $0xffff;
	v63 =	vor.u32 v16, v17  }
0x1c6: {  	v17 =	vor.u32 v18, v20;
	_ =	sdelay $0x2  }
0x1c7: {  	s8 =	simm.s32 $0x4  }
0x1c8: {  	s7 =	sand.u32 $0x70, s8;
	s3 =	simm.s32 $0x10;
	s0 =	simm.s32 $0x8;
	[tilespmem:v63+s21+$0x0] =	vst.idx.msk $0xffff, v19  }
.LBB2_7:
0x1c9: {  	p0 =	sne.s32 s0, $0x7C;
	s5 =	sand.u32 $0x30, s3;
	v19 =	vor.u32 s7, v0;
	v20 =	vld.idx.msk [tilespmem:v17+s20+$0x0], $0xffff;
	v18 =	vshll.u32 v18, $0x7  }
0x1ca: {  	v21 =	vor.u32 s5, v0;
	v17 =	vshll.u32 v19, $0x7;
	v18 =	vor.u32 v16, v18;
	v16 =	vmovc v19  }
0x1cb: {  	v19 =	vor.u32 v21, v17;
	_ =	sdelay $0x3  }
0x1cc: {  	[tilespmem:v18+s21+$0x0] =	vst.idx.msk $0xffff, v20  }
0x1cd: {  	v18 =	vld.idx.msk [tilespmem:v19+s20+$0x0], $0xffff;
	v19 =	vshll.u32 v21, $0x7  }
0x1ce: {  	v20 =	vor.u32 s5, v1;
	v19 =	vor.u32 v16, v19  }
0x1cf: {  	v21 =	vor.u32 v20, v17;
	_ =	sdelay $0x3  }
0x1d0: {  	[tilespmem:v19+s21+$0x0] =	vst.idx.msk $0xffff, v18  }
0x1d1: {  	v19 =	vshll.u32 v20, $0x7;
	v18 =	vld.idx.msk [tilespmem:v21+s20+$0x0], $0xffff  }
0x1d2: {  	v20 =	vor.u32 s5, v2;
	v19 =	vor.u32 v16, v19  }
0x1d3: {  	v21 =	vor.u32 v20, v17;
	_ =	sdelay $0x3  }
0x1d4: {  	[tilespmem:v19+s21+$0x0] =	vst.idx.msk $0xffff, v18  }
0x1d5: {  	v19 =	vshll.u32 v20, $0x7;
	v18 =	vld.idx.msk [tilespmem:v21+s20+$0x0], $0xffff  }
0x1d6: {  	v20 =	vor.u32 s5, v3;
	v19 =	vor.u32 v16, v19  }
0x1d7: {  	v21 =	vor.u32 v20, v17;
	_ =	sdelay $0x3  }
0x1d8: {  	[tilespmem:v19+s21+$0x0] =	vst.idx.msk $0xffff, v18  }
0x1d9: {  	v19 =	vshll.u32 v20, $0x7;
	v18 =	vld.idx.msk [tilespmem:v21+s20+$0x0], $0xffff  }
0x1da: {  	v20 =	vor.u32 s5, v4;
	v19 =	vor.u32 v16, v19  }
0x1db: {  	v21 =	vor.u32 v20, v17;
	_ =	sdelay $0x3  }
0x1dc: {  	[tilespmem:v19+s21+$0x0] =	vst.idx.msk $0xffff, v18  }
0x1dd: {  	v19 =	vshll.u32 v20, $0x7;
	v18 =	vld.idx.msk [tilespmem:v21+s20+$0x0], $0xffff  }
0x1de: {  	v20 =	vor.u32 s5, v5;
	v19 =	vor.u32 v16, v19  }
0x1df: {  	v21 =	vor.u32 v20, v17;
	_ =	sdelay $0x3  }
0x1e0: {  	[tilespmem:v19+s21+$0x0] =	vst.idx.msk $0xffff, v18  }
0x1e1: {  	v19 =	vshll.u32 v20, $0x7;
	v18 =	vld.idx.msk [tilespmem:v21+s20+$0x0], $0xffff  }
0x1e2: {  	v20 =	vor.u32 s5, v7;
	v19 =	vor.u32 v16, v19  }
0x1e3: {  	v21 =	vor.u32 v20, v17;
	_ =	sdelay $0x3  }
0x1e4: {  	[tilespmem:v19+s21+$0x0] =	vst.idx.msk $0xffff, v18  }
0x1e5: {  	v19 =	vshll.u32 v20, $0x7;
	v18 =	vld.idx.msk [tilespmem:v21+s20+$0x0], $0xffff  }
0x1e6: {  	v20 =	vor.u32 s5, v8;
	v19 =	vor.u32 v16, v19  }
0x1e7: {  	v21 =	vor.u32 v20, v17;
	_ =	sdelay $0x3  }
0x1e8: {  	[tilespmem:v19+s21+$0x0] =	vst.idx.msk $0xffff, v18  }
0x1e9: {  	v19 =	vshll.u32 v20, $0x7;
	v18 =	vld.idx.msk [tilespmem:v21+s20+$0x0], $0xffff  }
0x1ea: {  	v20 =	vor.u32 s5, v6;
	v19 =	vor.u32 v16, v19  }
0x1eb: {  	v21 =	vor.u32 v20, v17;
	_ =	sdelay $0x3  }
0x1ec: {  	[tilespmem:v19+s21+$0x0] =	vst.idx.msk $0xffff, v18  }
0x1ed: {  	v19 =	vshll.u32 v20, $0x7;
	v18 =	vld.idx.msk [tilespmem:v21+s20+$0x0], $0xffff  }
0x1ee: {  	v20 =	vor.u32 s5, v9;
	v19 =	vor.u32 v16, v19  }
0x1ef: {  	v21 =	vor.u32 v20, v17;
	_ =	sdelay $0x3  }
0x1f0: {  	[tilespmem:v19+s21+$0x0] =	vst.idx.msk $0xffff, v18  }
0x1f1: {  	v19 =	vshll.u32 v20, $0x7;
	v18 =	vld.idx.msk [tilespmem:v21+s20+$0x0], $0xffff  }
0x1f2: {  	v20 =	vor.u32 s5, v10;
	v19 =	vor.u32 v16, v19  }
0x1f3: {  	v21 =	vor.u32 v20, v17;
	_ =	sdelay $0x3  }
0x1f4: {  	[tilespmem:v19+s21+$0x0] =	vst.idx.msk $0xffff, v18  }
0x1f5: {  	v19 =	vshll.u32 v20, $0x7;
	v18 =	vld.idx.msk [tilespmem:v21+s20+$0x0], $0xffff  }
0x1f6: {  	v20 =	vor.u32 s5, v11;
	v19 =	vor.u32 v16, v19  }
0x1f7: {  	v21 =	vor.u32 v20, v17;
	_ =	sdelay $0x3  }
0x1f8: {  	[tilespmem:v19+s21+$0x0] =	vst.idx.msk $0xffff, v18  }
0x1f9: {  	v19 =	vshll.u32 v20, $0x7;
	v18 =	vld.idx.msk [tilespmem:v21+s20+$0x0], $0xffff  }
0x1fa: {  	v20 =	vor.u32 s5, v12;
	v19 =	vor.u32 v16, v19  }
0x1fb: {  	v21 =	vor.u32 v20, v17;
	_ =	sdelay $0x3  }
0x1fc: {  	[tilespmem:v19+s21+$0x0] =	vst.idx.msk $0xffff, v18  }
0x1fd: {  	v19 =	vshll.u32 v20, $0x7;
	v18 =	vld.idx.msk [tilespmem:v21+s20+$0x0], $0xffff  }
0x1fe: {  	v20 =	vor.u32 s5, v13;
	v19 =	vor.u32 v16, v19  }
0x1ff: {  	v21 =	vor.u32 v20, v17;
	_ =	sdelay $0x3  }
0x200: {  	[tilespmem:v19+s21+$0x0] =	vst.idx.msk $0xffff, v18  }
0x201: {  	v19 =	vshll.u32 v20, $0x7;
	v18 =	vld.idx.msk [tilespmem:v21+s20+$0x0], $0xffff  }
0x202: {  	v20 =	vor.u32 s5, v14;
	v19 =	vor.u32 v16, v19  }
0x203: {  	v21 =	vor.u32 v20, v17;
	_ =	sdelay $0x3  }
0x204: {  	[tilespmem:v19+s21+$0x0] =	vst.idx.msk $0xffff, v18  }
0x205: {  	v18 =	vshll.u32 v20, $0x7;
	v19 =	vld.idx.msk [tilespmem:v21+s20+$0x0], $0xffff  }
0x206: {  	v20 =	vor.u32 v16, v18;
	v18 =	vor.u32 s5, v15  }
.Ltmp2:
0x207: {  	v17 =	vor.u32 v18, v17;
	(pc) =	sbr.rel @p0 .LBB2_7-.Ltmp2, $2  }
0x208: {  	_ =	sdelay $0x2  }
0x209: {  	s7 =	sand.u32 $0x70, s0;
	s0 =	sadd.s32 $0x4, s0;
	s3 =	sadd.s32 $0x10, s3;
	[tilespmem:v20+s21+$0x0] =	vst.idx.msk $0xffff, v19  }
0x20a: {  	_ =	sdelay $0x2  }
0x20b: {  	s0 =	sand.u32 $0x30, s3;
	v19 =	vor.u32 s7, v0;
	v18 =	vshll.u32 v18, $0x7  }
0x20c: {  	v17 =	vld.idx.msk [tilespmem:v17+s20+$0x0], $0xffff;
	v20 =	vor.u32 s0, v0;
	v21 =	vshll.u32 v19, $0x7;
	v16 =	vor.u32 v16, v18  }
0x20d: {  	v18 =	vor.u32 v20, v21;
	_ =	sdelay $0x3  }
0x20e: {  	[tilespmem:v16+s21+$0x0] =	vst.idx.msk $0xffff, v17;
	v16 =	vshll.u32 v20, $0x7  }
0x20f: {  	v17 =	vld.idx.msk [tilespmem:v18+s20+$0x0], $0xffff;
	v16 =	vor.u32 v19, v16;
	v18 =	vor.u32 s0, v1  }
0x210: {  	v20 =	vor.u32 v18, v21;
	_ =	sdelay $0x3  }
0x211: {  	[tilespmem:v16+s21+$0x0] =	vst.idx.msk $0xffff, v17;
	v16 =	vshll.u32 v18, $0x7  }
0x212: {  	v18 =	vor.u32 s0, v2;
	v17 =	vld.idx.msk [tilespmem:v20+s20+$0x0], $0xffff;
	v16 =	vor.u32 v19, v16  }
0x213: {  	v20 =	vor.u32 v18, v21;
	_ =	sdelay $0x3  }
0x214: {  	[tilespmem:v16+s21+$0x0] =	vst.idx.msk $0xffff, v17;
	v16 =	vshll.u32 v18, $0x7  }
0x215: {  	v18 =	vor.u32 s0, v3;
	v17 =	vld.idx.msk [tilespmem:v20+s20+$0x0], $0xffff;
	v16 =	vor.u32 v19, v16  }
0x216: {  	v20 =	vor.u32 v18, v21;
	_ =	sdelay $0x3  }
0x217: {  	[tilespmem:v16+s21+$0x0] =	vst.idx.msk $0xffff, v17;
	v16 =	vshll.u32 v18, $0x7  }
0x218: {  	v18 =	vor.u32 s0, v4;
	v17 =	vld.idx.msk [tilespmem:v20+s20+$0x0], $0xffff;
	v16 =	vor.u32 v19, v16  }
0x219: {  	v20 =	vor.u32 v18, v21;
	_ =	sdelay $0x3  }
0x21a: {  	[tilespmem:v16+s21+$0x0] =	vst.idx.msk $0xffff, v17;
	v16 =	vshll.u32 v18, $0x7  }
0x21b: {  	v18 =	vor.u32 s0, v5;
	v17 =	vld.idx.msk [tilespmem:v20+s20+$0x0], $0xffff;
	v16 =	vor.u32 v19, v16  }
0x21c: {  	v20 =	vor.u32 v18, v21;
	_ =	sdelay $0x3  }
0x21d: {  	[tilespmem:v16+s21+$0x0] =	vst.idx.msk $0xffff, v17;
	v16 =	vshll.u32 v18, $0x7  }
0x21e: {  	v18 =	vor.u32 s0, v7;
	v17 =	vld.idx.msk [tilespmem:v20+s20+$0x0], $0xffff;
	v16 =	vor.u32 v19, v16  }
0x21f: {  	v20 =	vor.u32 v18, v21;
	_ =	sdelay $0x3  }
0x220: {  	[tilespmem:v16+s21+$0x0] =	vst.idx.msk $0xffff, v17;
	v16 =	vshll.u32 v18, $0x7  }
0x221: {  	v18 =	vor.u32 s0, v8;
	v17 =	vld.idx.msk [tilespmem:v20+s20+$0x0], $0xffff;
	v16 =	vor.u32 v19, v16  }
0x222: {  	v20 =	vor.u32 v18, v21;
	_ =	sdelay $0x3  }
0x223: {  	[tilespmem:v16+s21+$0x0] =	vst.idx.msk $0xffff, v17;
	v16 =	vshll.u32 v18, $0x7  }
0x224: {  	v18 =	vor.u32 s0, v6;
	v17 =	vld.idx.msk [tilespmem:v20+s20+$0x0], $0xffff;
	v16 =	vor.u32 v19, v16  }
0x225: {  	v20 =	vor.u32 v18, v21;
	_ =	sdelay $0x3  }
0x226: {  	[tilespmem:v16+s21+$0x0] =	vst.idx.msk $0xffff, v17;
	v16 =	vshll.u32 v18, $0x7  }
0x227: {  	v18 =	vor.u32 s0, v9;
	v17 =	vld.idx.msk [tilespmem:v20+s20+$0x0], $0xffff;
	v16 =	vor.u32 v19, v16  }
0x228: {  	v20 =	vor.u32 v18, v21;
	_ =	sdelay $0x3  }
0x229: {  	[tilespmem:v16+s21+$0x0] =	vst.idx.msk $0xffff, v17;
	v16 =	vshll.u32 v18, $0x7  }
0x22a: {  	v18 =	vor.u32 s0, v10;
	v17 =	vld.idx.msk [tilespmem:v20+s20+$0x0], $0xffff;
	v16 =	vor.u32 v19, v16  }
0x22b: {  	v20 =	vor.u32 v18, v21;
	_ =	sdelay $0x3  }
0x22c: {  	[tilespmem:v16+s21+$0x0] =	vst.idx.msk $0xffff, v17;
	v16 =	vshll.u32 v18, $0x7  }
0x22d: {  	v18 =	vor.u32 s0, v11;
	v17 =	vld.idx.msk [tilespmem:v20+s20+$0x0], $0xffff;
	v16 =	vor.u32 v19, v16  }
0x22e: {  	v20 =	vor.u32 v18, v21;
	_ =	sdelay $0x3  }
0x22f: {  	[tilespmem:v16+s21+$0x0] =	vst.idx.msk $0xffff, v17;
	v16 =	vshll.u32 v18, $0x7  }
0x230: {  	v18 =	vor.u32 s0, v12;
	v17 =	vld.idx.msk [tilespmem:v20+s20+$0x0], $0xffff;
	v16 =	vor.u32 v19, v16  }
0x231: {  	v20 =	vor.u32 v18, v21;
	_ =	sdelay $0x3  }
0x232: {  	[tilespmem:v16+s21+$0x0] =	vst.idx.msk $0xffff, v17;
	v16 =	vshll.u32 v18, $0x7  }
0x233: {  	v18 =	vor.u32 s0, v13;
	v17 =	vld.idx.msk [tilespmem:v20+s20+$0x0], $0xffff;
	v16 =	vor.u32 v19, v16  }
0x234: {  	v20 =	vor.u32 v18, v21;
	_ =	sdelay $0x3  }
0x235: {  	[tilespmem:v16+s21+$0x0] =	vst.idx.msk $0xffff, v17;
	v16 =	vshll.u32 v18, $0x7  }
0x236: {  	v18 =	vor.u32 s0, v14;
	v17 =	vld.idx.msk [tilespmem:v20+s20+$0x0], $0xffff;
	v16 =	vor.u32 v19, v16  }
0x237: {  	v20 =	vor.u32 v18, v21;
	_ =	sdelay $0x3  }
0x238: {  	[tilespmem:v16+s21+$0x0] =	vst.idx.msk $0xffff, v17;
	v16 =	vshll.u32 v18, $0x7  }
0x239: {  	v18 =	vor.u32 s0, v15;
	v17 =	vld.idx.msk [tilespmem:v20+s20+$0x0], $0xffff;
	v16 =	vor.u32 v19, v16  }
0x23a: {  	v20 =	vor.u32 v18, v21;
	_ =	sdelay $0x3  }
0x23b: {  	[tilespmem:v16+s21+$0x0] =	vst.idx.msk $0xffff, v17;
	v16 =	vshll.u32 v18, $0x7  }
0x23c: {  	v17 =	vld.idx.msk [tilespmem:v20+s20+$0x0], $0xffff;
	v18 =	vor.u32 v19, v16  }
0x23d: {  	s5 =	simm.s32 $0x0  }
0x23e: {  	s7 =	sand.u32 $0x70, s5  }
0x23f: {  	s1 =	sor.u32 s6, s1;
	s0 =	sand.u32 $0x30, s5;
	v16 =	vor.u32 s7, v0  }
0x240: {  	s1 =	sshrl.u32 s1, $0x3;
	v19 =	vor.u32 s0, v0;
	v20 =	vshll.u32 v16, $0x7  }
0x241: {  	s1 =	sadd.s32 s2, s1;
	[tilespmem:v18+s21+$0x0] =	vst.idx.msk $0xffff, v17;
	v17 =	vor.u32 v19, v20  }
0x242: {  	[hbm4b:s1+s14] =	stream.strided.scatter [tilespmem:s21], [sflag:$0x7], $0x2000, s15, s14, $0x38;
	[tilespmem:$0x1E400] =	vst v63  }
0x243: {  	_ =	swait.ge [sflag:s22], $0x4000  }
0x244: {  	[sflag:s22] =	ssyncset.done $0x0  }
0x245: {  	v18 =	vshll.u32 v19, $0x7;
	[sflag:s22] =	ssyncadd.s32 $0xFFFFC000  }
0x246: {  	v19 =	vor.u32 s0, v1;
	v18 =	vor.u32 v16, v18;
	v17 =	vld.idx.msk [tilespmem:v17+s10+$0x0], $0xffff  }
0x247: {  	v49 =	vor.u32 v19, v20;
	_ =	sdelay $0x3  }
0x248: {  	[tilespmem:v18+s23+$0x0] =	vst.idx.msk $0xffff, v17;
	v17 =	vshll.u32 v19, $0x7  }
0x249: {  	v19 =	vor.u32 s0, v2;
	v18 =	vld.idx.msk [tilespmem:v49+s10+$0x0], $0xffff;
	v17 =	vor.u32 v16, v17  }
0x24a: {  	v50 =	vor.u32 v19, v20;
	_ =	sdelay $0x3  }
0x24b: {  	[tilespmem:v17+s23+$0x0] =	vst.idx.msk $0xffff, v18;
	v17 =	vshll.u32 v19, $0x7  }
0x24c: {  	v19 =	vor.u32 s0, v3;
	v18 =	vld.idx.msk [tilespmem:v50+s10+$0x0], $0xffff;
	v17 =	vor.u32 v16, v17  }
0x24d: {  	v51 =	vor.u32 v19, v20;
	_ =	sdelay $0x3  }
0x24e: {  	[tilespmem:v17+s23+$0x0] =	vst.idx.msk $0xffff, v18;
	v17 =	vshll.u32 v19, $0x7  }
0x24f: {  	v19 =	vor.u32 s0, v4;
	v18 =	vld.idx.msk [tilespmem:v51+s10+$0x0], $0xffff;
	v17 =	vor.u32 v16, v17  }
0x250: {  	v52 =	vor.u32 v19, v20;
	_ =	sdelay $0x3  }
0x251: {  	[tilespmem:v17+s23+$0x0] =	vst.idx.msk $0xffff, v18;
	v17 =	vshll.u32 v19, $0x7  }
0x252: {  	v19 =	vor.u32 s0, v5;
	v18 =	vld.idx.msk [tilespmem:v52+s10+$0x0], $0xffff;
	v17 =	vor.u32 v16, v17  }
0x253: {  	v53 =	vor.u32 v19, v20;
	_ =	sdelay $0x3  }
0x254: {  	[tilespmem:v17+s23+$0x0] =	vst.idx.msk $0xffff, v18;
	v17 =	vshll.u32 v19, $0x7  }
0x255: {  	v19 =	vor.u32 s0, v7;
	v18 =	vld.idx.msk [tilespmem:v53+s10+$0x0], $0xffff;
	v17 =	vor.u32 v16, v17  }
0x256: {  	v54 =	vor.u32 v19, v20;
	_ =	sdelay $0x3  }
0x257: {  	[tilespmem:v17+s23+$0x0] =	vst.idx.msk $0xffff, v18;
	v17 =	vshll.u32 v19, $0x7  }
0x258: {  	v19 =	vor.u32 s0, v8;
	v18 =	vld.idx.msk [tilespmem:v54+s10+$0x0], $0xffff;
	v17 =	vor.u32 v16, v17  }
0x259: {  	v55 =	vor.u32 v19, v20;
	_ =	sdelay $0x3  }
0x25a: {  	[tilespmem:v17+s23+$0x0] =	vst.idx.msk $0xffff, v18;
	v17 =	vshll.u32 v19, $0x7  }
0x25b: {  	v19 =	vor.u32 s0, v6;
	v18 =	vld.idx.msk [tilespmem:v55+s10+$0x0], $0xffff;
	v17 =	vor.u32 v16, v17  }
0x25c: {  	v56 =	vor.u32 v19, v20;
	_ =	sdelay $0x3  }
0x25d: {  	[tilespmem:v17+s23+$0x0] =	vst.idx.msk $0xffff, v18;
	v17 =	vshll.u32 v19, $0x7  }
0x25e: {  	v19 =	vor.u32 s0, v9;
	v18 =	vld.idx.msk [tilespmem:v56+s10+$0x0], $0xffff;
	v17 =	vor.u32 v16, v17  }
0x25f: {  	v57 =	vor.u32 v19, v20;
	_ =	sdelay $0x3  }
0x260: {  	[tilespmem:v17+s23+$0x0] =	vst.idx.msk $0xffff, v18;
	v17 =	vshll.u32 v19, $0x7  }
0x261: {  	v19 =	vor.u32 s0, v10;
	v18 =	vld.idx.msk [tilespmem:v57+s10+$0x0], $0xffff;
	v17 =	vor.u32 v16, v17  }
0x262: {  	v58 =	vor.u32 v19, v20;
	_ =	sdelay $0x3  }
0x263: {  	[tilespmem:v17+s23+$0x0] =	vst.idx.msk $0xffff, v18;
	v17 =	vshll.u32 v19, $0x7  }
0x264: {  	v19 =	vor.u32 s0, v11;
	v18 =	vld.idx.msk [tilespmem:v58+s10+$0x0], $0xffff;
	v17 =	vor.u32 v16, v17  }
0x265: {  	v59 =	vor.u32 v19, v20;
	_ =	sdelay $0x3  }
0x266: {  	[tilespmem:v17+s23+$0x0] =	vst.idx.msk $0xffff, v18;
	v17 =	vshll.u32 v19, $0x7  }
0x267: {  	v19 =	vor.u32 s0, v12;
	v18 =	vld.idx.msk [tilespmem:v59+s10+$0x0], $0xffff;
	v17 =	vor.u32 v16, v17  }
0x268: {  	v60 =	vor.u32 v19, v20;
	_ =	sdelay $0x3  }
0x269: {  	[tilespmem:v17+s23+$0x0] =	vst.idx.msk $0xffff, v18;
	v17 =	vshll.u32 v19, $0x7  }
0x26a: {  	v19 =	vor.u32 s0, v13;
	v18 =	vld.idx.msk [tilespmem:v60+s10+$0x0], $0xffff;
	v17 =	vor.u32 v16, v17  }
0x26b: {  	v61 =	vor.u32 v19, v20;
	_ =	sdelay $0x3  }
0x26c: {  	[tilespmem:v17+s23+$0x0] =	vst.idx.msk $0xffff, v18;
	v17 =	vshll.u32 v19, $0x7  }
0x26d: {  	v19 =	vor.u32 s0, v14;
	v18 =	vld.idx.msk [tilespmem:v61+s10+$0x0], $0xffff;
	v17 =	vor.u32 v16, v17  }
0x26e: {  	v62 =	vor.u32 v19, v20;
	_ =	sdelay $0x3  }
0x26f: {  	[tilespmem:v17+s23+$0x0] =	vst.idx.msk $0xffff, v18;
	v17 =	vshll.u32 v19, $0x7  }
0x270: {  	v18 =	vor.u32 s0, v15;
	v19 =	vld.idx.msk [tilespmem:v62+s10+$0x0], $0xffff;
	v63 =	vor.u32 v16, v17  }
0x271: {  	v17 =	vor.u32 v18, v20;
	_ =	sdelay $0x2  }
0x272: {  	s8 =	simm.s32 $0x4  }
0x273: {  	s5 =	sand.u32 $0x70, s8;
	s1 =	simm.s32 $0x10;
	s0 =	simm.s32 $0x8;
	[tilespmem:v63+s23+$0x0] =	vst.idx.msk $0xffff, v19  }
.LBB2_9:
0x274: {  	p0 =	sne.s32 s0, $0x7C;
	s3 =	sand.u32 $0x30, s1;
	v19 =	vor.u32 s5, v0;
	v20 =	vld.idx.msk [tilespmem:v17+s10+$0x0], $0xffff;
	v18 =	vshll.u32 v18, $0x7  }
0x275: {  	v21 =	vor.u32 s3, v0;
	v17 =	vshll.u32 v19, $0x7;
	v18 =	vor.u32 v16, v18;
	v16 =	vmovc v19  }
0x276: {  	v19 =	vor.u32 v21, v17;
	_ =	sdelay $0x3  }
0x277: {  	[tilespmem:v18+s23+$0x0] =	vst.idx.msk $0xffff, v20  }
0x278: {  	v18 =	vld.idx.msk [tilespmem:v19+s10+$0x0], $0xffff;
	v19 =	vshll.u32 v21, $0x7  }
0x279: {  	v20 =	vor.u32 s3, v1;
	v19 =	vor.u32 v16, v19  }
0x27a: {  	v21 =	vor.u32 v20, v17;
	_ =	sdelay $0x3  }
0x27b: {  	[tilespmem:v19+s23+$0x0] =	vst.idx.msk $0xffff, v18  }
0x27c: {  	v19 =	vshll.u32 v20, $0x7;
	v18 =	vld.idx.msk [tilespmem:v21+s10+$0x0], $0xffff  }
0x27d: {  	v20 =	vor.u32 s3, v2;
	v19 =	vor.u32 v16, v19  }
0x27e: {  	v21 =	vor.u32 v20, v17;
	_ =	sdelay $0x3  }
0x27f: {  	[tilespmem:v19+s23+$0x0] =	vst.idx.msk $0xffff, v18  }
0x280: {  	v19 =	vshll.u32 v20, $0x7;
	v18 =	vld.idx.msk [tilespmem:v21+s10+$0x0], $0xffff  }
0x281: {  	v20 =	vor.u32 s3, v3;
	v19 =	vor.u32 v16, v19  }
0x282: {  	v21 =	vor.u32 v20, v17;
	_ =	sdelay $0x3  }
0x283: {  	[tilespmem:v19+s23+$0x0] =	vst.idx.msk $0xffff, v18  }
0x284: {  	v19 =	vshll.u32 v20, $0x7;
	v18 =	vld.idx.msk [tilespmem:v21+s10+$0x0], $0xffff  }
0x285: {  	v20 =	vor.u32 s3, v4;
	v19 =	vor.u32 v16, v19  }
0x286: {  	v21 =	vor.u32 v20, v17;
	_ =	sdelay $0x3  }
0x287: {  	[tilespmem:v19+s23+$0x0] =	vst.idx.msk $0xffff, v18  }
0x288: {  	v19 =	vshll.u32 v20, $0x7;
	v18 =	vld.idx.msk [tilespmem:v21+s10+$0x0], $0xffff  }
0x289: {  	v20 =	vor.u32 s3, v5;
	v19 =	vor.u32 v16, v19  }
0x28a: {  	v21 =	vor.u32 v20, v17;
	_ =	sdelay $0x3  }
0x28b: {  	[tilespmem:v19+s23+$0x0] =	vst.idx.msk $0xffff, v18  }
0x28c: {  	v19 =	vshll.u32 v20, $0x7;
	v18 =	vld.idx.msk [tilespmem:v21+s10+$0x0], $0xffff  }
0x28d: {  	v20 =	vor.u32 s3, v7;
	v19 =	vor.u32 v16, v19  }
0x28e: {  	v21 =	vor.u32 v20, v17;
	_ =	sdelay $0x3  }
0x28f: {  	[tilespmem:v19+s23+$0x0] =	vst.idx.msk $0xffff, v18  }
0x290: {  	v19 =	vshll.u32 v20, $0x7;
	v18 =	vld.idx.msk [tilespmem:v21+s10+$0x0], $0xffff  }
0x291: {  	v20 =	vor.u32 s3, v8;
	v19 =	vor.u32 v16, v19  }
0x292: {  	v21 =	vor.u32 v20, v17;
	_ =	sdelay $0x3  }
0x293: {  	[tilespmem:v19+s23+$0x0] =	vst.idx.msk $0xffff, v18  }
0x294: {  	v19 =	vshll.u32 v20, $0x7;
	v18 =	vld.idx.msk [tilespmem:v21+s10+$0x0], $0xffff  }
0x295: {  	v20 =	vor.u32 s3, v6;
	v19 =	vor.u32 v16, v19  }
0x296: {  	v21 =	vor.u32 v20, v17;
	_ =	sdelay $0x3  }
0x297: {  	[tilespmem:v19+s23+$0x0] =	vst.idx.msk $0xffff, v18  }
0x298: {  	v19 =	vshll.u32 v20, $0x7;
	v18 =	vld.idx.msk [tilespmem:v21+s10+$0x0], $0xffff  }
0x299: {  	v20 =	vor.u32 s3, v9;
	v19 =	vor.u32 v16, v19  }
0x29a: {  	v21 =	vor.u32 v20, v17;
	_ =	sdelay $0x3  }
0x29b: {  	[tilespmem:v19+s23+$0x0] =	vst.idx.msk $0xffff, v18  }
0x29c: {  	v19 =	vshll.u32 v20, $0x7;
	v18 =	vld.idx.msk [tilespmem:v21+s10+$0x0], $0xffff  }
0x29d: {  	v20 =	vor.u32 s3, v10;
	v19 =	vor.u32 v16, v19  }
0x29e: {  	v21 =	vor.u32 v20, v17;
	_ =	sdelay $0x3  }
0x29f: {  	[tilespmem:v19+s23+$0x0] =	vst.idx.msk $0xffff, v18  }
0x2a0: {  	v19 =	vshll.u32 v20, $0x7;
	v18 =	vld.idx.msk [tilespmem:v21+s10+$0x0], $0xffff  }
0x2a1: {  	v20 =	vor.u32 s3, v11;
	v19 =	vor.u32 v16, v19  }
0x2a2: {  	v21 =	vor.u32 v20, v17;
	_ =	sdelay $0x3  }
0x2a3: {  	[tilespmem:v19+s23+$0x0] =	vst.idx.msk $0xffff, v18  }
0x2a4: {  	v19 =	vshll.u32 v20, $0x7;
	v18 =	vld.idx.msk [tilespmem:v21+s10+$0x0], $0xffff  }
0x2a5: {  	v20 =	vor.u32 s3, v12;
	v19 =	vor.u32 v16, v19  }
0x2a6: {  	v21 =	vor.u32 v20, v17;
	_ =	sdelay $0x3  }
0x2a7: {  	[tilespmem:v19+s23+$0x0] =	vst.idx.msk $0xffff, v18  }
0x2a8: {  	v19 =	vshll.u32 v20, $0x7;
	v18 =	vld.idx.msk [tilespmem:v21+s10+$0x0], $0xffff  }
0x2a9: {  	v20 =	vor.u32 s3, v13;
	v19 =	vor.u32 v16, v19  }
0x2aa: {  	v21 =	vor.u32 v20, v17;
	_ =	sdelay $0x3  }
0x2ab: {  	[tilespmem:v19+s23+$0x0] =	vst.idx.msk $0xffff, v18  }
0x2ac: {  	v19 =	vshll.u32 v20, $0x7;
	v18 =	vld.idx.msk [tilespmem:v21+s10+$0x0], $0xffff  }
0x2ad: {  	v20 =	vor.u32 s3, v14;
	v19 =	vor.u32 v16, v19  }
0x2ae: {  	v21 =	vor.u32 v20, v17;
	_ =	sdelay $0x3  }
0x2af: {  	[tilespmem:v19+s23+$0x0] =	vst.idx.msk $0xffff, v18  }
0x2b0: {  	v18 =	vshll.u32 v20, $0x7;
	v19 =	vld.idx.msk [tilespmem:v21+s10+$0x0], $0xffff  }
0x2b1: {  	v20 =	vor.u32 v16, v18;
	v18 =	vor.u32 s3, v15  }
.Ltmp3:
0x2b2: {  	v17 =	vor.u32 v18, v17;
	(pc) =	sbr.rel @p0 .LBB2_9-.Ltmp3, $2  }
0x2b3: {  	_ =	sdelay $0x2  }
0x2b4: {  	s5 =	sand.u32 $0x70, s0;
	s0 =	sadd.s32 $0x4, s0;
	s1 =	sadd.s32 $0x10, s1;
	[tilespmem:v20+s23+$0x0] =	vst.idx.msk $0xffff, v19  }
0x2b5: {  	_ =	sdelay $0x2  }
0x2b6: {  	s0 =	sand.u32 $0x30, s1;
	v19 =	vor.u32 s5, v0;
	v18 =	vshll.u32 v18, $0x7  }
0x2b7: {  	v17 =	vld.idx.msk [tilespmem:v17+s10+$0x0], $0xffff;
	v20 =	vor.u32 s0, v0;
	v21 =	vshll.u32 v19, $0x7;
	v16 =	vor.u32 v16, v18  }
0x2b8: {  	v33 =	vor.u32 v20, v21;
	_ =	sdelay $0x3  }
0x2b9: {  	[tilespmem:v16+s23+$0x0] =	vst.idx.msk $0xffff, v17;
	v16 =	vshll.u32 v20, $0x7  }
0x2ba: {  	v34 =	vor.u32 s0, v1;
	v17 =	vld.idx.msk [tilespmem:v33+s10+$0x0], $0xffff;
	v16 =	vor.u32 v19, v16  }
0x2bb: {  	v35 =	vor.u32 v34, v21;
	_ =	sdelay $0x3  }
0x2bc: {  	[tilespmem:v16+s23+$0x0] =	vst.idx.msk $0xffff, v17;
	v16 =	vshll.u32 v34, $0x7  }
0x2bd: {  	v36 =	vor.u32 s0, v2;
	v17 =	vld.idx.msk [tilespmem:v35+s10+$0x0], $0xffff;
	v16 =	vor.u32 v19, v16  }
0x2be: {  	v37 =	vor.u32 v36, v21;
	_ =	sdelay $0x3  }
0x2bf: {  	[tilespmem:v16+s23+$0x0] =	vst.idx.msk $0xffff, v17;
	v16 =	vshll.u32 v36, $0x7  }
0x2c0: {  	v38 =	vor.u32 s0, v3;
	v17 =	vld.idx.msk [tilespmem:v37+s10+$0x0], $0xffff;
	v16 =	vor.u32 v19, v16  }
0x2c1: {  	v39 =	vor.u32 v38, v21;
	_ =	sdelay $0x3  }
0x2c2: {  	[tilespmem:v16+s23+$0x0] =	vst.idx.msk $0xffff, v17;
	v16 =	vshll.u32 v38, $0x7  }
0x2c3: {  	v40 =	vor.u32 s0, v4;
	v17 =	vld.idx.msk [tilespmem:v39+s10+$0x0], $0xffff;
	v16 =	vor.u32 v19, v16  }
0x2c4: {  	v41 =	vor.u32 v40, v21;
	_ =	sdelay $0x3  }
0x2c5: {  	[tilespmem:v16+s23+$0x0] =	vst.idx.msk $0xffff, v17;
	v16 =	vshll.u32 v40, $0x7  }
0x2c6: {  	v42 =	vor.u32 s0, v5;
	v17 =	vld.idx.msk [tilespmem:v41+s10+$0x0], $0xffff;
	v16 =	vor.u32 v19, v16  }
0x2c7: {  	v43 =	vor.u32 v42, v21;
	_ =	sdelay $0x3  }
0x2c8: {  	[tilespmem:v16+s23+$0x0] =	vst.idx.msk $0xffff, v17;
	v16 =	vshll.u32 v42, $0x7  }
0x2c9: {  	v44 =	vor.u32 s0, v7;
	v17 =	vld.idx.msk [tilespmem:v43+s10+$0x0], $0xffff;
	v16 =	vor.u32 v19, v16  }
0x2ca: {  	v45 =	vor.u32 v44, v21;
	_ =	sdelay $0x3  }
0x2cb: {  	[tilespmem:v16+s23+$0x0] =	vst.idx.msk $0xffff, v17;
	v16 =	vshll.u32 v44, $0x7  }
0x2cc: {  	v46 =	vor.u32 s0, v8;
	v17 =	vld.idx.msk [tilespmem:v45+s10+$0x0], $0xffff;
	v16 =	vor.u32 v19, v16  }
0x2cd: {  	v47 =	vor.u32 v46, v21;
	_ =	sdelay $0x3  }
0x2ce: {  	[tilespmem:v16+s23+$0x0] =	vst.idx.msk $0xffff, v17;
	v16 =	vshll.u32 v46, $0x7  }
0x2cf: {  	v48 =	vor.u32 s0, v6;
	v17 =	vld.idx.msk [tilespmem:v47+s10+$0x0], $0xffff;
	v16 =	vor.u32 v19, v16  }
0x2d0: {  	v49 =	vor.u32 v48, v21;
	_ =	sdelay $0x3  }
0x2d1: {  	[tilespmem:v16+s23+$0x0] =	vst.idx.msk $0xffff, v17;
	v16 =	vshll.u32 v48, $0x7  }
0x2d2: {  	v50 =	vor.u32 s0, v9;
	v17 =	vld.idx.msk [tilespmem:v49+s10+$0x0], $0xffff;
	v16 =	vor.u32 v19, v16  }
0x2d3: {  	v51 =	vor.u32 v50, v21;
	_ =	sdelay $0x3  }
0x2d4: {  	[tilespmem:v16+s23+$0x0] =	vst.idx.msk $0xffff, v17;
	v16 =	vshll.u32 v50, $0x7  }
0x2d5: {  	v52 =	vor.u32 s0, v10;
	v17 =	vld.idx.msk [tilespmem:v51+s10+$0x0], $0xffff;
	v16 =	vor.u32 v19, v16  }
0x2d6: {  	v53 =	vor.u32 v52, v21;
	_ =	sdelay $0x3  }
0x2d7: {  	[tilespmem:v16+s23+$0x0] =	vst.idx.msk $0xffff, v17;
	v16 =	vshll.u32 v52, $0x7  }
0x2d8: {  	v54 =	vor.u32 s0, v11;
	v17 =	vld.idx.msk [tilespmem:v53+s10+$0x0], $0xffff;
	v16 =	vor.u32 v19, v16  }
0x2d9: {  	v55 =	vor.u32 v54, v21;
	_ =	sdelay $0x3  }
0x2da: {  	[tilespmem:v16+s23+$0x0] =	vst.idx.msk $0xffff, v17;
	v16 =	vshll.u32 v54, $0x7  }
0x2db: {  	v56 =	vor.u32 s0, v12;
	v17 =	vld.idx.msk [tilespmem:v55+s10+$0x0], $0xffff;
	v16 =	vor.u32 v19, v16  }
0x2dc: {  	v57 =	vor.u32 v56, v21;
	_ =	sdelay $0x3  }
0x2dd: {  	[tilespmem:v16+s23+$0x0] =	vst.idx.msk $0xffff, v17;
	v16 =	vshll.u32 v56, $0x7  }
0x2de: {  	v58 =	vor.u32 s0, v13;
	v17 =	vld.idx.msk [tilespmem:v57+s10+$0x0], $0xffff;
	v16 =	vor.u32 v19, v16  }
0x2df: {  	v59 =	vor.u32 v58, v21;
	_ =	sdelay $0x3  }
0x2e0: {  	[tilespmem:v16+s23+$0x0] =	vst.idx.msk $0xffff, v17;
	v16 =	vshll.u32 v58, $0x7  }
0x2e1: {  	v60 =	vor.u32 s0, v14;
	v17 =	vld.idx.msk [tilespmem:v59+s10+$0x0], $0xffff;
	v16 =	vor.u32 v19, v16  }
0x2e2: {  	v61 =	vor.u32 v60, v21;
	_ =	sdelay $0x3  }
0x2e3: {  	[tilespmem:v16+s23+$0x0] =	vst.idx.msk $0xffff, v17;
	v16 =	vshll.u32 v60, $0x7  }
0x2e4: {  	v62 =	vor.u32 s0, v15;
	v17 =	vld.idx.msk [tilespmem:v61+s10+$0x0], $0xffff;
	v16 =	vor.u32 v19, v16  }
0x2e5: {  	v63 =	vor.u32 v62, v21;
	_ =	sdelay $0x3  }
0x2e6: {  	[tilespmem:v16+s23+$0x0] =	vst.idx.msk $0xffff, v17;
	v16 =	vshll.u32 v62, $0x7  }
0x2e7: {  	s30 =	sadd.s32 $0x1, s30;
	v17 =	vld.idx.msk [tilespmem:v63+s10+$0x0], $0xffff;
	v16 =	vor.u32 v19, v16  }
0x2e8: {  	p0 =	sne.s32 s30, $0x32  }
.Ltmp4:
0x2e9: {  	s31 =	sshll.u32 s31, $0x12;
	(pc) =	sbr.rel @p0 .LBB2_2-.Ltmp4, $4  }
0x2ea: {  	s0 =	sor.u32 s6, s31  }
0x2eb: {  	s0 =	sshrl.u32 s0, $0x3  }
0x2ec: {  	s0 =	sadd.s32 s2, s0;
	[tilespmem:v16+s23+$0x0] =	vst.idx.msk $0xffff, v17  }
0x2ed: {  	[hbm4b:s0+s14] =	stream.strided.scatter [tilespmem:s23], [sflag:$0x8], $0x2000, s15, s14, $0x38;
	[tilespmem:$0x1E400] =	vst v63  }
0x2ee: {  	_ =	swait.ge [sflag:s24], $0x2000  }
0x2ef: {  	[sflag:s24] =	ssyncset.done $0x0  }
0x2f0: {  	[sflag:s24] =	ssyncadd.s32 $0xFFFFE000  }
0x2f1: {  	_ =	swait.ge [sflag:s25], $0x2000  }
0x2f2: {  	[sflag:s25] =	ssyncset.done $0x0  }
0x2f3: {  	[sflag:s25] =	ssyncadd.s32 $0xFFFFE000  }
0x2f4: {  	_ =	swait.ge [sflag:s26], $0x2000  }
0x2f5: {  	[sflag:s26] =	ssyncset.done $0x0  }
0x2f6: {  	[sflag:s26] =	ssyncadd.s32 $0xFFFFE000  }
0x2f7: {  	_ =	swait.ge [sflag:s28], $0x2000  }
0x2f8: {  	s29 =	sadd.s32 $0x1, s29;
	s0 =	rddreg [dreg:$0x4]  }
0x2f9: {  	p0 =	sne.s32 s29, s0  }
.Ltmp5:
0x2fa: {  	_ = 	snop;
	(pc) =	sbr.rel @p0 .LBB2_1-.Ltmp5, $3  }
0x2fb: {  	_ =	sdelay $0x1  }
0x2fc: {  	[sflag:s28] =	ssyncset.done $0x0  }
0x2fd: {  	[sflag:s28] =	ssyncadd.s32 $0xFFFFE000  }
0x2fe: {  	_ =	sfence.sel $0x180000  }
0x2ff: {  	[bflag:$0x0] =	sbarrier.arrive $0xFFFF  }
0x300: {  	_ =	strace $0x90000047  }
0x301: {  	s0 =	stileid.u32;
	[bflag:$0x2] =	sbarrier.arrive $0xFFFF  }
0x302: {  	p0 =	sne.s32 s0, $0x0;
	s0 =	rddreg [dreg:$0x2]  }
0x303: {  	s0 =	sadd.s32 @!p0 $0x100000, s0  }
0x304: {  	[sflag:s0] =	ssyncadd.tile.s32 @!p0 $0x1;
	_ =	shalt  }
.Lfunc_end2:
_tile_overlayer_lowered:
.L_overlay_start_2:
0x305: {  	(tag) =	ssettag $0x2  }
0x306: {  	s0 =	rddreg [dreg:$0x0];
	s2 =	stileid.u32  }
0x307: {  	s1 =	rddreg [dreg:$0x1];
	p0 =	sne.s32 s2, $0x0  }
0x308: {  	s3 =	rddreg [dreg:$0x2];
	[bflag:$0x3] =	sbarrier.arrive $0xFFFF;
	s2 =	simm.s32 @!p0 $0x1C09  }
0x309: {  	[timem:s3], [sflag:s2] =	dma.local @!p0 [hbm:s0], s1  }
0x30a: {  	s0 =	simm.s32 @!p0 $0x9  }
0x30b: {  	_ =	swait.ge @!p0 [sflag:s0], s1  }
0x30c: {  	s1 =	ssub.s32 @!p0 $0x0, s1;
	[sflag:s0] =	ssyncset.done @!p0 $0x0  }
0x30d: {  	[sflag:s0] =	ssyncadd.s32 @!p0 s1  }
0x30e: {  	[bflag:$0x3] =	sbarrier.arrive $0xFFFF  }
0x30f: {  	_ =	shalt  }

</sc_bundles>
